<compile_context>
chip_gen: v7x
topology: tpu7x:2x2x1
jax: 0.10.2.dev20260603
libtpu: 0.0.44.dev20260713+nightly
codegen_flags: <defaults>
</compile_context>

<pallas_src>
import jax
import jax.numpy as jnp
from jax import lax
from jax.experimental import pallas as pl
from jax.experimental.pallas import tpu as pltpu
from jax.experimental.pallas import tpu_sc as plsc

N, E, D, HID, OUT, G = 10000, 320000, 128, 128, 128, 64
NPAD = 10240
EB = 80
NB = E // EB
NW = 32
BPW = NB // NW
LANES = 16


def _sc_edge_body(x_hbm, src_hbm, dst_hbm, ew_hbm, out_hbm,
                  rows_v, m_v, srci, dsti, agg_sh,
                  sem_is, sem_id, sem_g, sem_e, sem_s):
    cid = lax.axis_index("c")
    sid = lax.axis_index("s")
    w = sid * 2 + cid

    def zrow(i, _):
        for j in range(D // LANES):
            m_v[0, i, pl.ds(j * LANES, LANES)] = jnp.zeros((LANES,), jnp.float32)
        return 0
    lax.fori_loop(0, EB, zrow, 0)
    for k in range(8):
        r0 = (sid * 8 + k) * EB
        pltpu.sync_copy(m_v.at[0], agg_sh.at[pl.ds(r0, EB)])
    plsc.subcore_barrier()

    def issue_idx(blk, s2, s4):
        base = pl.multiple_of(blk * EB, 8)
        pltpu.async_copy(src_hbm.at[pl.ds(base, EB)], srci.at[s2], sem_is.at[s2])
        pltpu.async_copy(dst_hbm.at[pl.ds(base, EB)], dsti.at[s4], sem_id.at[s2])

    def wait_idx(s2):
        pltpu.make_async_copy(src_hbm.at[pl.ds(0, EB)], srci.at[s2], sem_is.at[s2]).wait()
        pltpu.make_async_copy(dst_hbm.at[pl.ds(0, EB)], dsti.at[0], sem_id.at[s2]).wait()

    def issue_ew(blk, s3):
        base = pl.multiple_of(blk * EB, 8)
        pltpu.async_copy(ew_hbm.at[pl.ds(base, EB)], m_v.at[s3], sem_e.at[s3])

    def wait_ew(s3):
        pltpu.make_async_copy(ew_hbm.at[pl.ds(0, EB)], m_v.at[s3], sem_e.at[s3]).wait()

    def issue_gather(s2):
        pltpu.async_copy(x_hbm.at[srci.at[s2]], rows_v.at[s2], sem_g.at[s2])

    def wait_gather(s2):
        pltpu.make_async_copy(x_hbm.at[srci.at[s2]], rows_v.at[s2], sem_g.at[s2]).wait()

    def wait_scatter(s3, s4):
        pltpu.make_async_copy(m_v.at[s3], agg_sh.at[dsti.at[s4]], sem_s.at[s3]).wait()

    issue_idx(w, 0, 0)
    issue_idx(w + NW, 1, 1)
    issue_ew(w, 0)
    wait_idx(0)
    issue_gather(0)

    def edge_block(b, _):
        i2 = b % 2
        i2n = (b + 1) % 2
        e3 = b % 3
        e3n = (b + 1) % 3

        @pl.when(b >= 2)
        def _():
            wait_scatter((b - 2) % 3, (b - 2) % 4)

        @pl.when(b < BPW - 1)
        def _():
            issue_ew(w + (b + 1) * NW, e3n)

        wait_ew(e3)
        wait_gather(i2)

        @pl.when(b < BPW - 2)
        def _():
            issue_idx(w + (b + 2) * NW, i2, (b + 2) % 4)

        @pl.when(b < BPW - 1)
        def _():
            wait_idx(i2n)
            issue_gather(i2n)

        @plsc.parallel_loop(0, EB, step=1, unroll=8)
        def _(r):
            for j in range(D // 32):
                x32 = plsc.bitcast(rows_v[i2, r, pl.ds(j * LANES, LANES)],
                                   jnp.bfloat16)
                xa, xb = plsc.unpack(x32, format=plsc.PackFormat.INTERLEAVED)
                sla = pl.ds(j * 32, LANES)
                slb = pl.ds(j * 32 + LANES, LANES)
                m_v[e3, r, sla] = jnp.maximum(xa + m_v[e3, r, sla], 0.0)
                m_v[e3, r, slb] = jnp.maximum(xb + m_v[e3, r, slb], 0.0)

        pltpu.async_copy(m_v.at[e3], agg_sh.at[dsti.at[b % 4]], sem_s.at[e3], add=True)
        return 0
    lax.fori_loop(0, BPW, edge_block, 0)

    wait_scatter((BPW - 2) % 3, (BPW - 2) % 4)
    wait_scatter((BPW - 1) % 3, (BPW - 1) % 4)
    plsc.subcore_barrier()

    for k in range(5):
        r0 = (sid * 5 + k) * 128
        pltpu.sync_copy(agg_sh.at[pl.ds(r0, 128)], out_hbm.at[cid, pl.ds(r0, 128)])


_sc_edge = pl.kernel(
    _sc_edge_body,
    out_type=jax.ShapeDtypeStruct((2, NPAD, D), jnp.float32),
    mesh=plsc.VectorSubcoreMesh(core_axis_name="c", subcore_axis_name="s",
                                num_cores=2, num_subcores=16),
    compiler_params=pltpu.CompilerParams(use_tc_tiling_on_sc=False,
                                         needs_layout_passes=False),
    scratch_types=[
        pltpu.VMEM((2, EB, D // 2), jnp.float32),
        pltpu.VMEM((3, EB, D), jnp.float32),
        pltpu.VMEM((2, EB), jnp.int32),
        pltpu.VMEM((4, EB), jnp.int32),
        pltpu.VMEM_SHARED((NPAD, D), jnp.float32),
        pltpu.SemaphoreType.DMA((2,)),
        pltpu.SemaphoreType.DMA((2,)),
        pltpu.SemaphoreType.DMA((2,)),
        pltpu.SemaphoreType.DMA((3,)),
        pltpu.SemaphoreType.DMA((3,)),
    ],
)


def _tc_dense_body(x_ref, agg_ref, seg_ref, W1_ref, b1_ref, W2_ref, b2_ref,
                   eps_ref, Wl_ref, bl_ref, out_ref, h_ref, pooled_ref):
    h0 = (1.0 + eps_ref[...]) * x_ref[...] + agg_ref[0, :N, :] + agg_ref[1, :N, :]
    t = jnp.maximum(
        jnp.dot(h0.astype(jnp.bfloat16), W1_ref[...],
                preferred_element_type=jnp.float32) + b1_ref[...],
        0.0)
    h_ref[...] = jnp.dot(t.astype(jnp.bfloat16), W2_ref[...],
                         preferred_element_type=jnp.float32) + b2_ref[...]

    def pool_g(g, _):
        s0 = seg_ref[g]
        s1 = seg_ref[g + 1]
        c0 = s0 // 8
        c1 = jnp.maximum((s1 - 1) // 8, 0)

        def masked(c, acc):
            off = c * 8
            blockv = h_ref[pl.ds(off, 8), :]
            rowid = off + lax.broadcasted_iota(jnp.int32, (8, HID), 0)
            m = (rowid >= s0) & (rowid < s1)
            return jnp.maximum(acc, jnp.where(m, blockv, -3.4e38))

        acc = masked(c0, jnp.full((8, HID), -3.4e38, jnp.float32))
        acc = masked(c1, acc)

        ni = jnp.maximum(c1 - c0 - 1, 0)
        n4 = ni // 4

        def interior4(j, acc):
            off = (c0 + 1 + j * 4) * 8
            blk = h_ref[pl.ds(off, 32), :].reshape(4, 8, HID)
            return jnp.maximum(acc, jnp.max(blk, axis=0))
        acc = lax.fori_loop(0, n4, interior4, acc)

        def interior1(j, acc):
            return jnp.maximum(acc, h_ref[pl.ds((c0 + 1 + n4 * 4 + j) * 8, 8), :])
        acc = lax.fori_loop(0, ni - n4 * 4, interior1, acc)

        pooled_ref[pl.ds(g, 1), :] = jnp.max(acc, axis=0, keepdims=True)
        return 0
    lax.fori_loop(0, G, pool_g, 0)

    out_ref[...] = (jnp.dot(pooled_ref[...], Wl_ref[...],
                            preferred_element_type=jnp.float32)
                    + bl_ref[...])


_tc_dense = pl.pallas_call(
    _tc_dense_body,
    out_shape=jax.ShapeDtypeStruct((G, OUT), jnp.float32),
    in_specs=[pl.BlockSpec(memory_space=pltpu.VMEM)] * 2
             + [pl.BlockSpec(memory_space=pltpu.SMEM)]
             + [pl.BlockSpec(memory_space=pltpu.VMEM)] * 7,
    scratch_shapes=[pltpu.VMEM((N, HID), jnp.float32),
                    pltpu.VMEM((G, HID), jnp.float32)],
)


def kernel(x, edge_index, edge_weights, batch, W1, b1, W2, b2, eps, Wl, bl):
    src = edge_index[0]
    dst = edge_index[1]
    seg = jnp.searchsorted(batch, jnp.arange(G + 1, dtype=jnp.int32)).astype(jnp.int32)
    xq = (x.reshape(N, D // 32, 2, 16).swapaxes(2, 3)
          .reshape(N, D).astype(jnp.bfloat16))
    xq32 = lax.bitcast_convert_type(xq.reshape(N, D // 2, 2), jnp.float32)
    agg = _sc_edge(xq32, src, dst, edge_weights)
    out = _tc_dense(x, agg, seg,
                    W1.astype(jnp.bfloat16), b1.reshape(1, -1),
                    W2.astype(jnp.bfloat16), b2.reshape(1, -1),
                    eps.reshape(1, 1), Wl, bl.reshape(1, -1))
    return out

# --- scband reference (transcript-rebuilt; emitter-appended) ---
"""Pipeline reference for scband-ginenet-30124900614321 (READ-ONLY COPY).

The authoritative reference and input builder live on the scoring server;
editing this copy changes nothing except your own understanding.
"""

import jax, jax.numpy as jnp
import numpy as np

N, E, D, HID, OUT, G = 10000, 320000, 128, 128, 128, 64

def setup_inputs(seed: int = 0) -> dict:
    key = jax.random.key(seed)
    ks = jax.random.split(key, 12)
    x = jax.random.normal(ks[0], (N, D), dtype=jnp.float32)
    edge_index = jax.random.randint(ks[1], (2, E), 0, N, dtype=jnp.int32)
    edge_weights = jax.random.normal(ks[2], (E, D), dtype=jnp.float32)
    batch = jnp.sort(jax.random.randint(ks[3], (N,), 0, G, dtype=jnp.int32))
    # GINEConv MLP: Linear(D, 2D) -> ReLU -> Linear(2D, HID)
    W1 = jax.random.normal(ks[4], (D, 2 * D), dtype=jnp.float32) * (1.0 / np.sqrt(D))
    b1 = jnp.zeros((2 * D,), dtype=jnp.float32)
    W2 = jax.random.normal(ks[5], (2 * D, HID), dtype=jnp.float32) * (1.0 / np.sqrt(2 * D))
    b2 = jnp.zeros((HID,), dtype=jnp.float32)
    eps = jnp.zeros((), dtype=jnp.float32)  # train_eps=True, init 0
    Wl = jax.random.normal(ks[6], (HID, OUT), dtype=jnp.float32) * (1.0 / np.sqrt(HID))
    bl = jnp.zeros((OUT,), dtype=jnp.float32)
    return {"x": x, "edge_index": edge_index, "edge_weights": edge_weights, "batch": batch,
            "W1": W1, "b1": b1, "W2": W2, "b2": b2, "eps": eps, "Wl": Wl, "bl": bl}

def reference(x, edge_index, edge_weights, batch, W1, b1, W2, b2, eps, Wl, bl):
    src = edge_index[0]
    dst = edge_index[1]
    # GINEConv message: ReLU(x_j + edge_attr), sum-aggregated at dst
    m = jax.nn.relu(x[src] + edge_weights)
    agg = jax.ops.segment_sum(m, dst, num_segments=N)
    h = (1.0 + eps) * x + agg
    # MLP
    h = jax.nn.relu(h @ W1 + b1) @ W2 + b2
    # global_max_pool over graphs
    pooled = jax.ops.segment_max(h, batch, num_segments=G)
    # dropout is identity in eval mode
    out = pooled @ Wl + bl
    return out

if __name__ == "__main__":
    import jax
    _d = setup_inputs()
    print(jax.jit(kernel)(*tuple(_d.values())))

</pallas_src>

<mosaic_0001>
#map = affine_map<(d0, d1) -> (0, 0)>
#map1 = affine_map<(d0, d1) -> (0)>
#map2 = affine_map<(d0, d1) -> (0, 0, 0)>
module attributes {stable_mosaic.version = 14 : i64} {
  func.func @_sc_edge_body(%arg0: i32, %arg1: i32, %arg2: memref<10000x64xf32, #tpu.memory_space<hbm>>, %arg3: memref<320000xi32, #tpu.memory_space<hbm>>, %arg4: memref<320000xi32, #tpu.memory_space<hbm>>, %arg5: memref<320000x128xf32, #tpu.memory_space<hbm>>, %arg6: memref<2x10240x128xf32, #tpu.memory_space<hbm>>, %arg7: memref<2x80x64xf32, #tpu.memory_space<vmem>>, %arg8: memref<3x80x128xf32, #tpu.memory_space<vmem>>, %arg9: memref<2x80xi32, #tpu.memory_space<vmem>>, %arg10: memref<4x80xi32, #tpu.memory_space<vmem>>, %arg11: memref<10240x128xf32, #tpu.memory_space<vmem_shared>>, %arg12: memref<2x!tpu.dma_semaphore, #tpu.memory_space<semaphore_mem>>, %arg13: memref<2x!tpu.dma_semaphore, #tpu.memory_space<semaphore_mem>>, %arg14: memref<2x!tpu.dma_semaphore, #tpu.memory_space<semaphore_mem>>, %arg15: memref<3x!tpu.dma_semaphore, #tpu.memory_space<semaphore_mem>>, %arg16: memref<3x!tpu.dma_semaphore, #tpu.memory_space<semaphore_mem>>) attributes {dimension_semantics = [#tpu.dimension_semantics<core_parallel>, #tpu.dimension_semantics<subcore_parallel>], iteration_bounds = array<i64: 2, 16>, scalar_prefetch = 0 : i64, scratch_operands = 10 : i64, tpu.core_type = #tpu.core_type<sc_vector_subcore>, window_params = [{transform_indices = #map}, {transform_indices = #map1}, {transform_indices = #map1}, {transform_indices = #map}, {transform_indices = #map2}]} {
    %mul3A = arith.constant 2 : i32
    %mul3A_0 = arith.muli %arg1, %mul3A : i32
    %add3A = arith.addi %mul3A_0, %arg0 : i32
    %scan3A = arith.constant 0 : i32
    %scan3A_1 = arith.constant 0 : i32
    %scan3A_2 = arith.constant 80 : i32
    %scan3A_3 = arith.addi %scan3A_1, %scan3A_2 : i32
    %scan3A_4 = arith.constant 1 : i32
    %scan3A_5 = scf.for %scan3A_245 = %scan3A_1 to %scan3A_3 step %scan3A_4 iter_args(%scan3A_246 = %scan3A) -> (i32)  : i32 {
      %broadcast_in_dim3A = arith.constant 0.000000e+00 : f32
      %broadcast_in_dim3A_247 = vector.broadcast %broadcast_in_dim3A : f32 to vector<16xf32>
      %swap3A = arith.constant 0 : i32
      %swap3A_248 = arith.index_cast %swap3A : i32 to index
      %swap3A_249 = arith.index_cast %scan3A_245 : i32 to index
      %swap3A_250 = arith.constant 0 : index
      %swap3A_251 = tpu.vector_load %arg8[%swap3A_248, %swap3A_249, %swap3A_250] {strides = array<i32>} : memref<3x80x128xf32, #tpu.memory_space<vmem>>, vector<16xf32>,
      tpu.vector_store %arg8[%swap3A_248, %swap3A_249, %swap3A_250], %broadcast_in_dim3A_247 {strides = array<i32>} : memref<3x80x128xf32, #tpu.memory_space<vmem>>, vector<16xf32>,
      %broadcast_in_dim3A_252 = arith.constant 0.000000e+00 : f32
      %broadcast_in_dim3A_253 = vector.broadcast %broadcast_in_dim3A_252 : f32 to vector<16xf32>
      %swap3A_254 = arith.constant 0 : i32
      %swap3A_255 = arith.index_cast %swap3A_254 : i32 to index
      %swap3A_256 = arith.index_cast %scan3A_245 : i32 to index
      %swap3A_257 = arith.constant 16 : index
      %swap3A_258 = tpu.vector_load %arg8[%swap3A_255, %swap3A_256, %swap3A_257] {strides = array<i32>} : memref<3x80x128xf32, #tpu.memory_space<vmem>>, vector<16xf32>,
      tpu.vector_store %arg8[%swap3A_255, %swap3A_256, %swap3A_257], %broadcast_in_dim3A_253 {strides = array<i32>} : memref<3x80x128xf32, #tpu.memory_space<vmem>>, vector<16xf32>,
      %broadcast_in_dim3A_259 = arith.constant 0.000000e+00 : f32
      %broadcast_in_dim3A_260 = vector.broadcast %broadcast_in_dim3A_259 : f32 to vector<16xf32>
      %swap3A_261 = arith.constant 0 : i32
      %swap3A_262 = arith.index_cast %swap3A_261 : i32 to index
      %swap3A_263 = arith.index_cast %scan3A_245 : i32 to index
      %swap3A_264 = arith.constant 32 : index
      %swap3A_265 = tpu.vector_load %arg8[%swap3A_262, %swap3A_263, %swap3A_264] {strides = array<i32>} : memref<3x80x128xf32, #tpu.memory_space<vmem>>, vector<16xf32>,
      tpu.vector_store %arg8[%swap3A_262, %swap3A_263, %swap3A_264], %broadcast_in_dim3A_260 {strides = array<i32>} : memref<3x80x128xf32, #tpu.memory_space<vmem>>, vector<16xf32>,
      %broadcast_in_dim3A_266 = arith.constant 0.000000e+00 : f32
      %broadcast_in_dim3A_267 = vector.broadcast %broadcast_in_dim3A_266 : f32 to vector<16xf32>
      %swap3A_268 = arith.constant 0 : i32
      %swap3A_269 = arith.index_cast %swap3A_268 : i32 to index
      %swap3A_270 = arith.index_cast %scan3A_245 : i32 to index
      %swap3A_271 = arith.constant 48 : index
      %swap3A_272 = tpu.vector_load %arg8[%swap3A_269, %swap3A_270, %swap3A_271] {strides = array<i32>} : memref<3x80x128xf32, #tpu.memory_space<vmem>>, vector<16xf32>,
      tpu.vector_store %arg8[%swap3A_269, %swap3A_270, %swap3A_271], %broadcast_in_dim3A_267 {strides = array<i32>} : memref<3x80x128xf32, #tpu.memory_space<vmem>>, vector<16xf32>,
      %broadcast_in_dim3A_273 = arith.constant 0.000000e+00 : f32
      %broadcast_in_dim3A_274 = vector.broadcast %broadcast_in_dim3A_273 : f32 to vector<16xf32>
      %swap3A_275 = arith.constant 0 : i32
      %swap3A_276 = arith.index_cast %swap3A_275 : i32 to index
      %swap3A_277 = arith.index_cast %scan3A_245 : i32 to index
      %swap3A_278 = arith.constant 64 : index
      %swap3A_279 = tpu.vector_load %arg8[%swap3A_276, %swap3A_277, %swap3A_278] {strides = array<i32>} : memref<3x80x128xf32, #tpu.memory_space<vmem>>, vector<16xf32>,
      tpu.vector_store %arg8[%swap3A_276, %swap3A_277, %swap3A_278], %broadcast_in_dim3A_274 {strides = array<i32>} : memref<3x80x128xf32, #tpu.memory_space<vmem>>, vector<16xf32>,
      %broadcast_in_dim3A_280 = arith.constant 0.000000e+00 : f32
      %broadcast_in_dim3A_281 = vector.broadcast %broadcast_in_dim3A_280 : f32 to vector<16xf32>
      %swap3A_282 = arith.constant 0 : i32
      %swap3A_283 = arith.index_cast %swap3A_282 : i32 to index
      %swap3A_284 = arith.index_cast %scan3A_245 : i32 to index
      %swap3A_285 = arith.constant 80 : index
      %swap3A_286 = tpu.vector_load %arg8[%swap3A_283, %swap3A_284, %swap3A_285] {strides = array<i32>} : memref<3x80x128xf32, #tpu.memory_space<vmem>>, vector<16xf32>,
      tpu.vector_store %arg8[%swap3A_283, %swap3A_284, %swap3A_285], %broadcast_in_dim3A_281 {strides = array<i32>} : memref<3x80x128xf32, #tpu.memory_space<vmem>>, vector<16xf32>,
      %broadcast_in_dim3A_287 = arith.constant 0.000000e+00 : f32
      %broadcast_in_dim3A_288 = vector.broadcast %broadcast_in_dim3A_287 : f32 to vector<16xf32>
      %swap3A_289 = arith.constant 0 : i32
      %swap3A_290 = arith.index_cast %swap3A_289 : i32 to index
      %swap3A_291 = arith.index_cast %scan3A_245 : i32 to index
      %swap3A_292 = arith.constant 96 : index
      %swap3A_293 = tpu.vector_load %arg8[%swap3A_290, %swap3A_291, %swap3A_292] {strides = array<i32>} : memref<3x80x128xf32, #tpu.memory_space<vmem>>, vector<16xf32>,
      tpu.vector_store %arg8[%swap3A_290, %swap3A_291, %swap3A_292], %broadcast_in_dim3A_288 {strides = array<i32>} : memref<3x80x128xf32, #tpu.memory_space<vmem>>, vector<16xf32>,
      %broadcast_in_dim3A_294 = arith.constant 0.000000e+00 : f32
      %broadcast_in_dim3A_295 = vector.broadcast %broadcast_in_dim3A_294 : f32 to vector<16xf32>
      %swap3A_296 = arith.constant 0 : i32
      %swap3A_297 = arith.index_cast %swap3A_296 : i32 to index
      %swap3A_298 = arith.index_cast %scan3A_245 : i32 to index
      %swap3A_299 = arith.constant 112 : index
      %swap3A_300 = tpu.vector_load %arg8[%swap3A_297, %swap3A_298, %swap3A_299] {strides = array<i32>} : memref<3x80x128xf32, #tpu.memory_space<vmem>>, vector<16xf32>,
      tpu.vector_store %arg8[%swap3A_297, %swap3A_298, %swap3A_299], %broadcast_in_dim3A_295 {strides = array<i32>} : memref<3x80x128xf32, #tpu.memory_space<vmem>>, vector<16xf32>,
      %scan3A_301 = arith.constant 0 : i32
      scf.yield %scan3A_301 : i32
    }
    %scan3A_6 = arith.constant 80 : i32
    %mul3A_7 = arith.constant 8 : i32
    %mul3A_8 = arith.muli %arg1, %mul3A_7 : i32
    %add3A_9 = arith.constant 0 : i32
    %add3A_10 = arith.addi %mul3A_8, %add3A_9 : i32
    %mul3A_11 = arith.constant 80 : i32
    %mul3A_12 = arith.muli %add3A_10, %mul3A_11 : i32
    %run_scoped3A = arith.constant 0 : i32
    "tpu.region"() ({
      %run_scoped3A_245 = tpu.sem_alloc : memref<!tpu.dma_semaphore, #tpu.memory_space<semaphore_mem>>
      %dma_start3A_246 = arith.constant 0 : i32
      %dma_start3A_247 = arith.constant 0 : i32
      %dma_start3A_248 = tpu.memref_slice %arg8[%run_scoped3A, %dma_start3A_246, %dma_start3A_247] : memref<3x80x128xf32, #tpu.memory_space<vmem>> -> memref<1x80x128xf32, #tpu.memory_space<vmem>>
      %dma_start3A_249 = tpu.memref_squeeze %dma_start3A_248 : memref<1x80x128xf32, #tpu.memory_space<vmem>> -> memref<80x128xf32, #tpu.memory_space<vmem>>
      %dma_start3A_250 = arith.constant 0 : i32
      %dma_start3A_251 = tpu.memref_slice %arg11[%mul3A_12, %dma_start3A_250] : memref<10240x128xf32, #tpu.memory_space<vmem_shared>> -> memref<80x128xf32, #tpu.memory_space<vmem_shared>>
      %dma_start3A_252 = arith.constant 0 : i32
      %dma_start3A_253 = tpu.memref_slice %arg11[%mul3A_12, %dma_start3A_252] : memref<10240x128xf32, #tpu.memory_space<vmem_shared>> -> memref<80x128xf32, #tpu.memory_space<vmem_shared>>
      %dma_start3A_254 = arith.constant 0 : i32
      %dma_start3A_255 = arith.constant 0 : i32
      %dma_start3A_256 = tpu.memref_slice %arg8[%run_scoped3A, %dma_start3A_254, %dma_start3A_255] : memref<3x80x128xf32, #tpu.memory_space<vmem>> -> memref<1x80x128xf32, #tpu.memory_space<vmem>>
      %dma_start3A_257 = tpu.memref_squeeze %dma_start3A_256 : memref<1x80x128xf32, #tpu.memory_space<vmem>> -> memref<80x128xf32, #tpu.memory_space<vmem>>
      tpu.enqueue_dma source(%dma_start3A_257 : memref<80x128xf32, #tpu.memory_space<vmem>>) target(%dma_start3A_253 : memref<80x128xf32, #tpu.memory_space<vmem_shared>>) target_semaphore(%run_scoped3A_245 : memref<!tpu.dma_semaphore, #tpu.memory_space<semaphore_mem>>)
      %dma_wait3A_258 = arith.constant 0 : i32
      %dma_wait3A_259 = arith.constant 0 : i32
      %dma_wait3A_260 = tpu.memref_slice %arg8[%run_scoped3A, %dma_wait3A_258, %dma_wait3A_259] : memref<3x80x128xf32, #tpu.memory_space<vmem>> -> memref<1x80x128xf32, #tpu.memory_space<vmem>>
      %dma_wait3A_261 = tpu.memref_squeeze %dma_wait3A_260 : memref<1x80x128xf32, #tpu.memory_space<vmem>> -> memref<80x128xf32, #tpu.memory_space<vmem>>
      %dma_wait3A_262 = arith.constant 0 : i32
      %dma_wait3A_263 = tpu.memref_slice %arg11[%mul3A_12, %dma_wait3A_262] : memref<10240x128xf32, #tpu.memory_space<vmem_shared>> -> memref<80x128xf32, #tpu.memory_space<vmem_shared>>
      %dma_wait3A_264 = arith.constant 0 : i32
      %dma_wait3A_265 = tpu.memref_slice %arg11[%mul3A_12, %dma_wait3A_264] : memref<10240x128xf32, #tpu.memory_space<vmem_shared>> -> memref<80x128xf32, #tpu.memory_space<vmem_shared>>
      %dma_wait3A_266 = arith.constant 0 : i32
      %dma_wait3A_267 = arith.constant 0 : i32
      %dma_wait3A_268 = tpu.memref_slice %arg8[%run_scoped3A, %dma_wait3A_266, %dma_wait3A_267] : memref<3x80x128xf32, #tpu.memory_space<vmem>> -> memref<1x80x128xf32, #tpu.memory_space<vmem>>
      %dma_wait3A_269 = tpu.memref_squeeze %dma_wait3A_268 : memref<1x80x128xf32, #tpu.memory_space<vmem>> -> memref<80x128xf32, #tpu.memory_space<vmem>>
      tpu.wait_dma2 semaphore(%run_scoped3A_245 : memref<!tpu.dma_semaphore, #tpu.memory_space<semaphore_mem>>) src(%dma_wait3A_269 : memref<80x128xf32, #tpu.memory_space<vmem>>) dst(%dma_wait3A_265 : memref<80x128xf32, #tpu.memory_space<vmem_shared>>)
      tpu.yield
    }) : () -> ()
    %mul3A_13 = arith.constant 8 : i32
    %mul3A_14 = arith.muli %arg1, %mul3A_13 : i32
    %add3A_15 = arith.constant 1 : i32
    %add3A_16 = arith.addi %mul3A_14, %add3A_15 : i32
    %mul3A_17 = arith.constant 80 : i32
    %mul3A_18 = arith.muli %add3A_16, %mul3A_17 : i32
    %run_scoped3A_19 = arith.constant 0 : i32
    "tpu.region"() ({
      %run_scoped3A_245 = tpu.sem_alloc : memref<!tpu.dma_semaphore, #tpu.memory_space<semaphore_mem>>
      %dma_start3A_246 = arith.constant 0 : i32
      %dma_start3A_247 = arith.constant 0 : i32
      %dma_start3A_248 = tpu.memref_slice %arg8[%run_scoped3A_19, %dma_start3A_246, %dma_start3A_247] : memref<3x80x128xf32, #tpu.memory_space<vmem>> -> memref<1x80x128xf32, #tpu.memory_space<vmem>>
      %dma_start3A_249 = tpu.memref_squeeze %dma_start3A_248 : memref<1x80x128xf32, #tpu.memory_space<vmem>> -> memref<80x128xf32, #tpu.memory_space<vmem>>
      %dma_start3A_250 = arith.constant 0 : i32
      %dma_start3A_251 = tpu.memref_slice %arg11[%mul3A_18, %dma_start3A_250] : memref<10240x128xf32, #tpu.memory_space<vmem_shared>> -> memref<80x128xf32, #tpu.memory_space<vmem_shared>>
      %dma_start3A_252 = arith.constant 0 : i32
      %dma_start3A_253 = tpu.memref_slice %arg11[%mul3A_18, %dma_start3A_252] : memref<10240x128xf32, #tpu.memory_space<vmem_shared>> -> memref<80x128xf32, #tpu.memory_space<vmem_shared>>
      %dma_start3A_254 = arith.constant 0 : i32
      %dma_start3A_255 = arith.constant 0 : i32
      %dma_start3A_256 = tpu.memref_slice %arg8[%run_scoped3A_19, %dma_start3A_254, %dma_start3A_255] : memref<3x80x128xf32, #tpu.memory_space<vmem>> -> memref<1x80x128xf32, #tpu.memory_space<vmem>>
      %dma_start3A_257 = tpu.memref_squeeze %dma_start3A_256 : memref<1x80x128xf32, #tpu.memory_space<vmem>> -> memref<80x128xf32, #tpu.memory_space<vmem>>
      tpu.enqueue_dma source(%dma_start3A_257 : memref<80x128xf32, #tpu.memory_space<vmem>>) target(%dma_start3A_253 : memref<80x128xf32, #tpu.memory_space<vmem_shared>>) target_semaphore(%run_scoped3A_245 : memref<!tpu.dma_semaphore, #tpu.memory_space<semaphore_mem>>)
      %dma_wait3A_258 = arith.constant 0 : i32
      %dma_wait3A_259 = arith.constant 0 : i32
      %dma_wait3A_260 = tpu.memref_slice %arg8[%run_scoped3A_19, %dma_wait3A_258, %dma_wait3A_259] : memref<3x80x128xf32, #tpu.memory_space<vmem>> -> memref<1x80x128xf32, #tpu.memory_space<vmem>>
      %dma_wait3A_261 = tpu.memref_squeeze %dma_wait3A_260 : memref<1x80x128xf32, #tpu.memory_space<vmem>> -> memref<80x128xf32, #tpu.memory_space<vmem>>
      %dma_wait3A_262 = arith.constant 0 : i32
      %dma_wait3A_263 = tpu.memref_slice %arg11[%mul3A_18, %dma_wait3A_262] : memref<10240x128xf32, #tpu.memory_space<vmem_shared>> -> memref<80x128xf32, #tpu.memory_space<vmem_shared>>
      %dma_wait3A_264 = arith.constant 0 : i32
      %dma_wait3A_265 = tpu.memref_slice %arg11[%mul3A_18, %dma_wait3A_264] : memref<10240x128xf32, #tpu.memory_space<vmem_shared>> -> memref<80x128xf32, #tpu.memory_space<vmem_shared>>
      %dma_wait3A_266 = arith.constant 0 : i32
      %dma_wait3A_267 = arith.constant 0 : i32
      %dma_wait3A_268 = tpu.memref_slice %arg8[%run_scoped3A_19, %dma_wait3A_266, %dma_wait3A_267] : memref<3x80x128xf32, #tpu.memory_space<vmem>> -> memref<1x80x128xf32, #tpu.memory_space<vmem>>
      %dma_wait3A_269 = tpu.memref_squeeze %dma_wait3A_268 : memref<1x80x128xf32, #tpu.memory_space<vmem>> -> memref<80x128xf32, #tpu.memory_space<vmem>>
      tpu.wait_dma2 semaphore(%run_scoped3A_245 : memref<!tpu.dma_semaphore, #tpu.memory_space<semaphore_mem>>) src(%dma_wait3A_269 : memref<80x128xf32, #tpu.memory_space<vmem>>) dst(%dma_wait3A_265 : memref<80x128xf32, #tpu.memory_space<vmem_shared>>)
      tpu.yield
    }) : () -> ()
    %mul3A_20 = arith.constant 8 : i32
    %mul3A_21 = arith.muli %arg1, %mul3A_20 : i32
    %add3A_22 = arith.constant 2 : i32
    %add3A_23 = arith.addi %mul3A_21, %add3A_22 : i32
    %mul3A_24 = arith.constant 80 : i32
    %mul3A_25 = arith.muli %add3A_23, %mul3A_24 : i32
    %run_scoped3A_26 = arith.constant 0 : i32
    "tpu.region"() ({
      %run_scoped3A_245 = tpu.sem_alloc : memref<!tpu.dma_semaphore, #tpu.memory_space<semaphore_mem>>
      %dma_start3A_246 = arith.constant 0 : i32
      %dma_start3A_247 = arith.constant 0 : i32
      %dma_start3A_248 = tpu.memref_slice %arg8[%run_scoped3A_26, %dma_start3A_246, %dma_start3A_247] : memref<3x80x128xf32, #tpu.memory_space<vmem>> -> memref<1x80x128xf32, #tpu.memory_space<vmem>>
      %dma_start3A_249 = tpu.memref_squeeze %dma_start3A_248 : memref<1x80x128xf32, #tpu.memory_space<vmem>> -> memref<80x128xf32, #tpu.memory_space<vmem>>
      %dma_start3A_250 = arith.constant 0 : i32
      %dma_start3A_251 = tpu.memref_slice %arg11[%mul3A_25, %dma_start3A_250] : memref<10240x128xf32, #tpu.memory_space<vmem_shared>> -> memref<80x128xf32, #tpu.memory_space<vmem_shared>>
      %dma_start3A_252 = arith.constant 0 : i32
      %dma_start3A_253 = tpu.memref_slice %arg11[%mul3A_25, %dma_start3A_252] : memref<10240x128xf32, #tpu.memory_space<vmem_shared>> -> memref<80x128xf32, #tpu.memory_space<vmem_shared>>
      %dma_start3A_254 = arith.constant 0 : i32
      %dma_start3A_255 = arith.constant 0 : i32
      %dma_start3A_256 = tpu.memref_slice %arg8[%run_scoped3A_26, %dma_start3A_254, %dma_start3A_255] : memref<3x80x128xf32, #tpu.memory_space<vmem>> -> memref<1x80x128xf32, #tpu.memory_space<vmem>>
      %dma_start3A_257 = tpu.memref_squeeze %dma_start3A_256 : memref<1x80x128xf32, #tpu.memory_space<vmem>> -> memref<80x128xf32, #tpu.memory_space<vmem>>
      tpu.enqueue_dma source(%dma_start3A_257 : memref<80x128xf32, #tpu.memory_space<vmem>>) target(%dma_start3A_253 : memref<80x128xf32, #tpu.memory_space<vmem_shared>>) target_semaphore(%run_scoped3A_245 : memref<!tpu.dma_semaphore, #tpu.memory_space<semaphore_mem>>)
      %dma_wait3A_258 = arith.constant 0 : i32
      %dma_wait3A_259 = arith.constant 0 : i32
      %dma_wait3A_260 = tpu.memref_slice %arg8[%run_scoped3A_26, %dma_wait3A_258, %dma_wait3A_259] : memref<3x80x128xf32, #tpu.memory_space<vmem>> -> memref<1x80x128xf32, #tpu.memory_space<vmem>>
      %dma_wait3A_261 = tpu.memref_squeeze %dma_wait3A_260 : memref<1x80x128xf32, #tpu.memory_space<vmem>> -> memref<80x128xf32, #tpu.memory_space<vmem>>
      %dma_wait3A_262 = arith.constant 0 : i32
      %dma_wait3A_263 = tpu.memref_slice %arg11[%mul3A_25, %dma_wait3A_262] : memref<10240x128xf32, #tpu.memory_space<vmem_shared>> -> memref<80x128xf32, #tpu.memory_space<vmem_shared>>
      %dma_wait3A_264 = arith.constant 0 : i32
      %dma_wait3A_265 = tpu.memref_slice %arg11[%mul3A_25, %dma_wait3A_264] : memref<10240x128xf32, #tpu.memory_space<vmem_shared>> -> memref<80x128xf32, #tpu.memory_space<vmem_shared>>
      %dma_wait3A_266 = arith.constant 0 : i32
      %dma_wait3A_267 = arith.constant 0 : i32
      %dma_wait3A_268 = tpu.memref_slice %arg8[%run_scoped3A_26, %dma_wait3A_266, %dma_wait3A_267] : memref<3x80x128xf32, #tpu.memory_space<vmem>> -> memref<1x80x128xf32, #tpu.memory_space<vmem>>
      %dma_wait3A_269 = tpu.memref_squeeze %dma_wait3A_268 : memref<1x80x128xf32, #tpu.memory_space<vmem>> -> memref<80x128xf32, #tpu.memory_space<vmem>>
      tpu.wait_dma2 semaphore(%run_scoped3A_245 : memref<!tpu.dma_semaphore, #tpu.memory_space<semaphore_mem>>) src(%dma_wait3A_269 : memref<80x128xf32, #tpu.memory_space<vmem>>) dst(%dma_wait3A_265 : memref<80x128xf32, #tpu.memory_space<vmem_shared>>)
      tpu.yield
    }) : () -> ()
    %mul3A_27 = arith.constant 8 : i32
    %mul3A_28 = arith.muli %arg1, %mul3A_27 : i32
    %add3A_29 = arith.constant 3 : i32
    %add3A_30 = arith.addi %mul3A_28, %add3A_29 : i32
    %mul3A_31 = arith.constant 80 : i32
    %mul3A_32 = arith.muli %add3A_30, %mul3A_31 : i32
    %run_scoped3A_33 = arith.constant 0 : i32
    "tpu.region"() ({
      %run_scoped3A_245 = tpu.sem_alloc : memref<!tpu.dma_semaphore, #tpu.memory_space<semaphore_mem>>
      %dma_start3A_246 = arith.constant 0 : i32
      %dma_start3A_247 = arith.constant 0 : i32
      %dma_start3A_248 = tpu.memref_slice %arg8[%run_scoped3A_33, %dma_start3A_246, %dma_start3A_247] : memref<3x80x128xf32, #tpu.memory_space<vmem>> -> memref<1x80x128xf32, #tpu.memory_space<vmem>>
      %dma_start3A_249 = tpu.memref_squeeze %dma_start3A_248 : memref<1x80x128xf32, #tpu.memory_space<vmem>> -> memref<80x128xf32, #tpu.memory_space<vmem>>
      %dma_start3A_250 = arith.constant 0 : i32
      %dma_start3A_251 = tpu.memref_slice %arg11[%mul3A_32, %dma_start3A_250] : memref<10240x128xf32, #tpu.memory_space<vmem_shared>> -> memref<80x128xf32, #tpu.memory_space<vmem_shared>>
      %dma_start3A_252 = arith.constant 0 : i32
      %dma_start3A_253 = tpu.memref_slice %arg11[%mul3A_32, %dma_start3A_252] : memref<10240x128xf32, #tpu.memory_space<vmem_shared>> -> memref<80x128xf32, #tpu.memory_space<vmem_shared>>
      %dma_start3A_254 = arith.constant 0 : i32
      %dma_start3A_255 = arith.constant 0 : i32
      %dma_start3A_256 = tpu.memref_slice %arg8[%run_scoped3A_33, %dma_start3A_254, %dma_start3A_255] : memref<3x80x128xf32, #tpu.memory_space<vmem>> -> memref<1x80x128xf32, #tpu.memory_space<vmem>>
      %dma_start3A_257 = tpu.memref_squeeze %dma_start3A_256 : memref<1x80x128xf32, #tpu.memory_space<vmem>> -> memref<80x128xf32, #tpu.memory_space<vmem>>
      tpu.enqueue_dma source(%dma_start3A_257 : memref<80x128xf32, #tpu.memory_space<vmem>>) target(%dma_start3A_253 : memref<80x128xf32, #tpu.memory_space<vmem_shared>>) target_semaphore(%run_scoped3A_245 : memref<!tpu.dma_semaphore, #tpu.memory_space<semaphore_mem>>)
      %dma_wait3A_258 = arith.constant 0 : i32
      %dma_wait3A_259 = arith.constant 0 : i32
      %dma_wait3A_260 = tpu.memref_slice %arg8[%run_scoped3A_33, %dma_wait3A_258, %dma_wait3A_259] : memref<3x80x128xf32, #tpu.memory_space<vmem>> -> memref<1x80x128xf32, #tpu.memory_space<vmem>>
      %dma_wait3A_261 = tpu.memref_squeeze %dma_wait3A_260 : memref<1x80x128xf32, #tpu.memory_space<vmem>> -> memref<80x128xf32, #tpu.memory_space<vmem>>
      %dma_wait3A_262 = arith.constant 0 : i32
      %dma_wait3A_263 = tpu.memref_slice %arg11[%mul3A_32, %dma_wait3A_262] : memref<10240x128xf32, #tpu.memory_space<vmem_shared>> -> memref<80x128xf32, #tpu.memory_space<vmem_shared>>
      %dma_wait3A_264 = arith.constant 0 : i32
      %dma_wait3A_265 = tpu.memref_slice %arg11[%mul3A_32, %dma_wait3A_264] : memref<10240x128xf32, #tpu.memory_space<vmem_shared>> -> memref<80x128xf32, #tpu.memory_space<vmem_shared>>
      %dma_wait3A_266 = arith.constant 0 : i32
      %dma_wait3A_267 = arith.constant 0 : i32
      %dma_wait3A_268 = tpu.memref_slice %arg8[%run_scoped3A_33, %dma_wait3A_266, %dma_wait3A_267] : memref<3x80x128xf32, #tpu.memory_space<vmem>> -> memref<1x80x128xf32, #tpu.memory_space<vmem>>
      %dma_wait3A_269 = tpu.memref_squeeze %dma_wait3A_268 : memref<1x80x128xf32, #tpu.memory_space<vmem>> -> memref<80x128xf32, #tpu.memory_space<vmem>>
      tpu.wait_dma2 semaphore(%run_scoped3A_245 : memref<!tpu.dma_semaphore, #tpu.memory_space<semaphore_mem>>) src(%dma_wait3A_269 : memref<80x128xf32, #tpu.memory_space<vmem>>) dst(%dma_wait3A_265 : memref<80x128xf32, #tpu.memory_space<vmem_shared>>)
      tpu.yield
    }) : () -> ()
    %mul3A_34 = arith.constant 8 : i32
    %mul3A_35 = arith.muli %arg1, %mul3A_34 : i32
    %add3A_36 = arith.constant 4 : i32
    %add3A_37 = arith.addi %mul3A_35, %add3A_36 : i32
    %mul3A_38 = arith.constant 80 : i32
    %mul3A_39 = arith.muli %add3A_37, %mul3A_38 : i32
    %run_scoped3A_40 = arith.constant 0 : i32
    "tpu.region"() ({
      %run_scoped3A_245 = tpu.sem_alloc : memref<!tpu.dma_semaphore, #tpu.memory_space<semaphore_mem>>
      %dma_start3A_246 = arith.constant 0 : i32
      %dma_start3A_247 = arith.constant 0 : i32
      %dma_start3A_248 = tpu.memref_slice %arg8[%run_scoped3A_40, %dma_start3A_246, %dma_start3A_247] : memref<3x80x128xf32, #tpu.memory_space<vmem>> -> memref<1x80x128xf32, #tpu.memory_space<vmem>>
      %dma_start3A_249 = tpu.memref_squeeze %dma_start3A_248 : memref<1x80x128xf32, #tpu.memory_space<vmem>> -> memref<80x128xf32, #tpu.memory_space<vmem>>
      %dma_start3A_250 = arith.constant 0 : i32
      %dma_start3A_251 = tpu.memref_slice %arg11[%mul3A_39, %dma_start3A_250] : memref<10240x128xf32, #tpu.memory_space<vmem_shared>> -> memref<80x128xf32, #tpu.memory_space<vmem_shared>>
      %dma_start3A_252 = arith.constant 0 : i32
      %dma_start3A_253 = tpu.memref_slice %arg11[%mul3A_39, %dma_start3A_252] : memref<10240x128xf32, #tpu.memory_space<vmem_shared>> -> memref<80x128xf32, #tpu.memory_space<vmem_shared>>
      %dma_start3A_254 = arith.constant 0 : i32
      %dma_start3A_255 = arith.constant 0 : i32
      %dma_start3A_256 = tpu.memref_slice %arg8[%run_scoped3A_40, %dma_start3A_254, %dma_start3A_255] : memref<3x80x128xf32, #tpu.memory_space<vmem>> -> memref<1x80x128xf32, #tpu.memory_space<vmem>>
      %dma_start3A_257 = tpu.memref_squeeze %dma_start3A_256 : memref<1x80x128xf32, #tpu.memory_space<vmem>> -> memref<80x128xf32, #tpu.memory_space<vmem>>
      tpu.enqueue_dma source(%dma_start3A_257 : memref<80x128xf32, #tpu.memory_space<vmem>>) target(%dma_start3A_253 : memref<80x128xf32, #tpu.memory_space<vmem_shared>>) target_semaphore(%run_scoped3A_245 : memref<!tpu.dma_semaphore, #tpu.memory_space<semaphore_mem>>)
      %dma_wait3A_258 = arith.constant 0 : i32
      %dma_wait3A_259 = arith.constant 0 : i32
      %dma_wait3A_260 = tpu.memref_slice %arg8[%run_scoped3A_40, %dma_wait3A_258, %dma_wait3A_259] : memref<3x80x128xf32, #tpu.memory_space<vmem>> -> memref<1x80x128xf32, #tpu.memory_space<vmem>>
      %dma_wait3A_261 = tpu.memref_squeeze %dma_wait3A_260 : memref<1x80x128xf32, #tpu.memory_space<vmem>> -> memref<80x128xf32, #tpu.memory_space<vmem>>
      %dma_wait3A_262 = arith.constant 0 : i32
      %dma_wait3A_263 = tpu.memref_slice %arg11[%mul3A_39, %dma_wait3A_262] : memref<10240x128xf32, #tpu.memory_space<vmem_shared>> -> memref<80x128xf32, #tpu.memory_space<vmem_shared>>
      %dma_wait3A_264 = arith.constant 0 : i32
      %dma_wait3A_265 = tpu.memref_slice %arg11[%mul3A_39, %dma_wait3A_264] : memref<10240x128xf32, #tpu.memory_space<vmem_shared>> -> memref<80x128xf32, #tpu.memory_space<vmem_shared>>
      %dma_wait3A_266 = arith.constant 0 : i32
      %dma_wait3A_267 = arith.constant 0 : i32
      %dma_wait3A_268 = tpu.memref_slice %arg8[%run_scoped3A_40, %dma_wait3A_266, %dma_wait3A_267] : memref<3x80x128xf32, #tpu.memory_space<vmem>> -> memref<1x80x128xf32, #tpu.memory_space<vmem>>
      %dma_wait3A_269 = tpu.memref_squeeze %dma_wait3A_268 : memref<1x80x128xf32, #tpu.memory_space<vmem>> -> memref<80x128xf32, #tpu.memory_space<vmem>>
      tpu.wait_dma2 semaphore(%run_scoped3A_245 : memref<!tpu.dma_semaphore, #tpu.memory_space<semaphore_mem>>) src(%dma_wait3A_269 : memref<80x128xf32, #tpu.memory_space<vmem>>) dst(%dma_wait3A_265 : memref<80x128xf32, #tpu.memory_space<vmem_shared>>)
      tpu.yield
    }) : () -> ()
    %mul3A_41 = arith.constant 8 : i32
    %mul3A_42 = arith.muli %arg1, %mul3A_41 : i32
    %add3A_43 = arith.constant 5 : i32
    %add3A_44 = arith.addi %mul3A_42, %add3A_43 : i32
    %mul3A_45 = arith.constant 80 : i32
    %mul3A_46 = arith.muli %add3A_44, %mul3A_45 : i32
    %run_scoped3A_47 = arith.constant 0 : i32
    "tpu.region"() ({
      %run_scoped3A_245 = tpu.sem_alloc : memref<!tpu.dma_semaphore, #tpu.memory_space<semaphore_mem>>
      %dma_start3A_246 = arith.constant 0 : i32
      %dma_start3A_247 = arith.constant 0 : i32
      %dma_start3A_248 = tpu.memref_slice %arg8[%run_scoped3A_47, %dma_start3A_246, %dma_start3A_247] : memref<3x80x128xf32, #tpu.memory_space<vmem>> -> memref<1x80x128xf32, #tpu.memory_space<vmem>>
      %dma_start3A_249 = tpu.memref_squeeze %dma_start3A_248 : memref<1x80x128xf32, #tpu.memory_space<vmem>> -> memref<80x128xf32, #tpu.memory_space<vmem>>
      %dma_start3A_250 = arith.constant 0 : i32
      %dma_start3A_251 = tpu.memref_slice %arg11[%mul3A_46, %dma_start3A_250] : memref<10240x128xf32, #tpu.memory_space<vmem_shared>> -> memref<80x128xf32, #tpu.memory_space<vmem_shared>>
      %dma_start3A_252 = arith.constant 0 : i32
      %dma_start3A_253 = tpu.memref_slice %arg11[%mul3A_46, %dma_start3A_252] : memref<10240x128xf32, #tpu.memory_space<vmem_shared>> -> memref<80x128xf32, #tpu.memory_space<vmem_shared>>
      %dma_start3A_254 = arith.constant 0 : i32
      %dma_start3A_255 = arith.constant 0 : i32
      %dma_start3A_256 = tpu.memref_slice %arg8[%run_scoped3A_47, %dma_start3A_254, %dma_start3A_255] : memref<3x80x128xf32, #tpu.memory_space<vmem>> -> memref<1x80x128xf32, #tpu.memory_space<vmem>>
      %dma_start3A_257 = tpu.memref_squeeze %dma_start3A_256 : memref<1x80x128xf32, #tpu.memory_space<vmem>> -> memref<80x128xf32, #tpu.memory_space<vmem>>
      tpu.enqueue_dma source(%dma_start3A_257 : memref<80x128xf32, #tpu.memory_space<vmem>>) target(%dma_start3A_253 : memref<80x128xf32, #tpu.memory_space<vmem_shared>>) target_semaphore(%run_scoped3A_245 : memref<!tpu.dma_semaphore, #tpu.memory_space<semaphore_mem>>)
      %dma_wait3A_258 = arith.constant 0 : i32
      %dma_wait3A_259 = arith.constant 0 : i32
      %dma_wait3A_260 = tpu.memref_slice %arg8[%run_scoped3A_47, %dma_wait3A_258, %dma_wait3A_259] : memref<3x80x128xf32, #tpu.memory_space<vmem>> -> memref<1x80x128xf32, #tpu.memory_space<vmem>>
      %dma_wait3A_261 = tpu.memref_squeeze %dma_wait3A_260 : memref<1x80x128xf32, #tpu.memory_space<vmem>> -> memref<80x128xf32, #tpu.memory_space<vmem>>
      %dma_wait3A_262 = arith.constant 0 : i32
      %dma_wait3A_263 = tpu.memref_slice %arg11[%mul3A_46, %dma_wait3A_262] : memref<10240x128xf32, #tpu.memory_space<vmem_shared>> -> memref<80x128xf32, #tpu.memory_space<vmem_shared>>
      %dma_wait3A_264 = arith.constant 0 : i32
      %dma_wait3A_265 = tpu.memref_slice %arg11[%mul3A_46, %dma_wait3A_264] : memref<10240x128xf32, #tpu.memory_space<vmem_shared>> -> memref<80x128xf32, #tpu.memory_space<vmem_shared>>
      %dma_wait3A_266 = arith.constant 0 : i32
      %dma_wait3A_267 = arith.constant 0 : i32
      %dma_wait3A_268 = tpu.memref_slice %arg8[%run_scoped3A_47, %dma_wait3A_266, %dma_wait3A_267] : memref<3x80x128xf32, #tpu.memory_space<vmem>> -> memref<1x80x128xf32, #tpu.memory_space<vmem>>
      %dma_wait3A_269 = tpu.memref_squeeze %dma_wait3A_268 : memref<1x80x128xf32, #tpu.memory_space<vmem>> -> memref<80x128xf32, #tpu.memory_space<vmem>>
      tpu.wait_dma2 semaphore(%run_scoped3A_245 : memref<!tpu.dma_semaphore, #tpu.memory_space<semaphore_mem>>) src(%dma_wait3A_269 : memref<80x128xf32, #tpu.memory_space<vmem>>) dst(%dma_wait3A_265 : memref<80x128xf32, #tpu.memory_space<vmem_shared>>)
      tpu.yield
    }) : () -> ()
    %mul3A_48 = arith.constant 8 : i32
    %mul3A_49 = arith.muli %arg1, %mul3A_48 : i32
    %add3A_50 = arith.constant 6 : i32
    %add3A_51 = arith.addi %mul3A_49, %add3A_50 : i32
    %mul3A_52 = arith.constant 80 : i32
    %mul3A_53 = arith.muli %add3A_51, %mul3A_52 : i32
    %run_scoped3A_54 = arith.constant 0 : i32
    "tpu.region"() ({
      %run_scoped3A_245 = tpu.sem_alloc : memref<!tpu.dma_semaphore, #tpu.memory_space<semaphore_mem>>
      %dma_start3A_246 = arith.constant 0 : i32
      %dma_start3A_247 = arith.constant 0 : i32
      %dma_start3A_248 = tpu.memref_slice %arg8[%run_scoped3A_54, %dma_start3A_246, %dma_start3A_247] : memref<3x80x128xf32, #tpu.memory_space<vmem>> -> memref<1x80x128xf32, #tpu.memory_space<vmem>>
      %dma_start3A_249 = tpu.memref_squeeze %dma_start3A_248 : memref<1x80x128xf32, #tpu.memory_space<vmem>> -> memref<80x128xf32, #tpu.memory_space<vmem>>
      %dma_start3A_250 = arith.constant 0 : i32
      %dma_start3A_251 = tpu.memref_slice %arg11[%mul3A_53, %dma_start3A_250] : memref<10240x128xf32, #tpu.memory_space<vmem_shared>> -> memref<80x128xf32, #tpu.memory_space<vmem_shared>>
      %dma_start3A_252 = arith.constant 0 : i32
      %dma_start3A_253 = tpu.memref_slice %arg11[%mul3A_53, %dma_start3A_252] : memref<10240x128xf32, #tpu.memory_space<vmem_shared>> -> memref<80x128xf32, #tpu.memory_space<vmem_shared>>
      %dma_start3A_254 = arith.constant 0 : i32
      %dma_start3A_255 = arith.constant 0 : i32
      %dma_start3A_256 = tpu.memref_slice %arg8[%run_scoped3A_54, %dma_start3A_254, %dma_start3A_255] : memref<3x80x128xf32, #tpu.memory_space<vmem>> -> memref<1x80x128xf32, #tpu.memory_space<vmem>>
      %dma_start3A_257 = tpu.memref_squeeze %dma_start3A_256 : memref<1x80x128xf32, #tpu.memory_space<vmem>> -> memref<80x128xf32, #tpu.memory_space<vmem>>
      tpu.enqueue_dma source(%dma_start3A_257 : memref<80x128xf32, #tpu.memory_space<vmem>>) target(%dma_start3A_253 : memref<80x128xf32, #tpu.memory_space<vmem_shared>>) target_semaphore(%run_scoped3A_245 : memref<!tpu.dma_semaphore, #tpu.memory_space<semaphore_mem>>)
      %dma_wait3A_258 = arith.constant 0 : i32
      %dma_wait3A_259 = arith.constant 0 : i32
      %dma_wait3A_260 = tpu.memref_slice %arg8[%run_scoped3A_54, %dma_wait3A_258, %dma_wait3A_259] : memref<3x80x128xf32, #tpu.memory_space<vmem>> -> memref<1x80x128xf32, #tpu.memory_space<vmem>>
      %dma_wait3A_261 = tpu.memref_squeeze %dma_wait3A_260 : memref<1x80x128xf32, #tpu.memory_space<vmem>> -> memref<80x128xf32, #tpu.memory_space<vmem>>
      %dma_wait3A_262 = arith.constant 0 : i32
      %dma_wait3A_263 = tpu.memref_slice %arg11[%mul3A_53, %dma_wait3A_262] : memref<10240x128xf32, #tpu.memory_space<vmem_shared>> -> memref<80x128xf32, #tpu.memory_space<vmem_shared>>
      %dma_wait3A_264 = arith.constant 0 : i32
      %dma_wait3A_265 = tpu.memref_slice %arg11[%mul3A_53, %dma_wait3A_264] : memref<10240x128xf32, #tpu.memory_space<vmem_shared>> -> memref<80x128xf32, #tpu.memory_space<vmem_shared>>
      %dma_wait3A_266 = arith.constant 0 : i32
      %dma_wait3A_267 = arith.constant 0 : i32
      %dma_wait3A_268 = tpu.memref_slice %arg8[%run_scoped3A_54, %dma_wait3A_266, %dma_wait3A_267] : memref<3x80x128xf32, #tpu.memory_space<vmem>> -> memref<1x80x128xf32, #tpu.memory_space<vmem>>
      %dma_wait3A_269 = tpu.memref_squeeze %dma_wait3A_268 : memref<1x80x128xf32, #tpu.memory_space<vmem>> -> memref<80x128xf32, #tpu.memory_space<vmem>>
      tpu.wait_dma2 semaphore(%run_scoped3A_245 : memref<!tpu.dma_semaphore, #tpu.memory_space<semaphore_mem>>) src(%dma_wait3A_269 : memref<80x128xf32, #tpu.memory_space<vmem>>) dst(%dma_wait3A_265 : memref<80x128xf32, #tpu.memory_space<vmem_shared>>)
      tpu.yield
    }) : () -> ()
    %mul3A_55 = arith.constant 8 : i32
    %mul3A_56 = arith.muli %arg1, %mul3A_55 : i32
    %add3A_57 = arith.constant 7 : i32
    %add3A_58 = arith.addi %mul3A_56, %add3A_57 : i32
    %mul3A_59 = arith.constant 80 : i32
    %mul3A_60 = arith.muli %add3A_58, %mul3A_59 : i32
    %run_scoped3A_61 = arith.constant 0 : i32
    "tpu.region"() ({
      %run_scoped3A_245 = tpu.sem_alloc : memref<!tpu.dma_semaphore, #tpu.memory_space<semaphore_mem>>
      %dma_start3A_246 = arith.constant 0 : i32
      %dma_start3A_247 = arith.constant 0 : i32
      %dma_start3A_248 = tpu.memref_slice %arg8[%run_scoped3A_61, %dma_start3A_246, %dma_start3A_247] : memref<3x80x128xf32, #tpu.memory_space<vmem>> -> memref<1x80x128xf32, #tpu.memory_space<vmem>>
      %dma_start3A_249 = tpu.memref_squeeze %dma_start3A_248 : memref<1x80x128xf32, #tpu.memory_space<vmem>> -> memref<80x128xf32, #tpu.memory_space<vmem>>
      %dma_start3A_250 = arith.constant 0 : i32
      %dma_start3A_251 = tpu.memref_slice %arg11[%mul3A_60, %dma_start3A_250] : memref<10240x128xf32, #tpu.memory_space<vmem_shared>> -> memref<80x128xf32, #tpu.memory_space<vmem_shared>>
      %dma_start3A_252 = arith.constant 0 : i32
      %dma_start3A_253 = tpu.memref_slice %arg11[%mul3A_60, %dma_start3A_252] : memref<10240x128xf32, #tpu.memory_space<vmem_shared>> -> memref<80x128xf32, #tpu.memory_space<vmem_shared>>
      %dma_start3A_254 = arith.constant 0 : i32
      %dma_start3A_255 = arith.constant 0 : i32
      %dma_start3A_256 = tpu.memref_slice %arg8[%run_scoped3A_61, %dma_start3A_254, %dma_start3A_255] : memref<3x80x128xf32, #tpu.memory_space<vmem>> -> memref<1x80x128xf32, #tpu.memory_space<vmem>>
      %dma_start3A_257 = tpu.memref_squeeze %dma_start3A_256 : memref<1x80x128xf32, #tpu.memory_space<vmem>> -> memref<80x128xf32, #tpu.memory_space<vmem>>
      tpu.enqueue_dma source(%dma_start3A_257 : memref<80x128xf32, #tpu.memory_space<vmem>>) target(%dma_start3A_253 : memref<80x128xf32, #tpu.memory_space<vmem_shared>>) target_semaphore(%run_scoped3A_245 : memref<!tpu.dma_semaphore, #tpu.memory_space<semaphore_mem>>)
      %dma_wait3A_258 = arith.constant 0 : i32
      %dma_wait3A_259 = arith.constant 0 : i32
      %dma_wait3A_260 = tpu.memref_slice %arg8[%run_scoped3A_61, %dma_wait3A_258, %dma_wait3A_259] : memref<3x80x128xf32, #tpu.memory_space<vmem>> -> memref<1x80x128xf32, #tpu.memory_space<vmem>>
      %dma_wait3A_261 = tpu.memref_squeeze %dma_wait3A_260 : memref<1x80x128xf32, #tpu.memory_space<vmem>> -> memref<80x128xf32, #tpu.memory_space<vmem>>
      %dma_wait3A_262 = arith.constant 0 : i32
      %dma_wait3A_263 = tpu.memref_slice %arg11[%mul3A_60, %dma_wait3A_262] : memref<10240x128xf32, #tpu.memory_space<vmem_shared>> -> memref<80x128xf32, #tpu.memory_space<vmem_shared>>
      %dma_wait3A_264 = arith.constant 0 : i32
      %dma_wait3A_265 = tpu.memref_slice %arg11[%mul3A_60, %dma_wait3A_264] : memref<10240x128xf32, #tpu.memory_space<vmem_shared>> -> memref<80x128xf32, #tpu.memory_space<vmem_shared>>
      %dma_wait3A_266 = arith.constant 0 : i32
      %dma_wait3A_267 = arith.constant 0 : i32
      %dma_wait3A_268 = tpu.memref_slice %arg8[%run_scoped3A_61, %dma_wait3A_266, %dma_wait3A_267] : memref<3x80x128xf32, #tpu.memory_space<vmem>> -> memref<1x80x128xf32, #tpu.memory_space<vmem>>
      %dma_wait3A_269 = tpu.memref_squeeze %dma_wait3A_268 : memref<1x80x128xf32, #tpu.memory_space<vmem>> -> memref<80x128xf32, #tpu.memory_space<vmem>>
      tpu.wait_dma2 semaphore(%run_scoped3A_245 : memref<!tpu.dma_semaphore, #tpu.memory_space<semaphore_mem>>) src(%dma_wait3A_269 : memref<80x128xf32, #tpu.memory_space<vmem>>) dst(%dma_wait3A_265 : memref<80x128xf32, #tpu.memory_space<vmem_shared>>)
      tpu.yield
    }) : () -> ()
    %barrier3A = arith.constant 0 : index
    tpu.barrier barrier_id(%barrier3A)
    %mul3A_62 = arith.constant 80 : i32
    %mul3A_63 = arith.muli %add3A, %mul3A_62 : i32
    %multiple_of3A = tpu.assume_multiple %mul3A_63, 8 : i32
    %dma_start3A = arith.constant 0 : i32
    %dma_start3A_64 = arith.constant 0 : i32
    %dma_start3A_65 = arith.constant 0 : i32
    %dma_start3A_66 = tpu.memref_slice %arg9[%dma_start3A, %dma_start3A_65] : memref<2x80xi32, #tpu.memory_space<vmem>> -> memref<1x80xi32, #tpu.memory_space<vmem>>
    %dma_start3A_67 = tpu.memref_squeeze %dma_start3A_66 : memref<1x80xi32, #tpu.memory_space<vmem>> -> memref<80xi32, #tpu.memory_space<vmem>>
    %dma_start3A_68 = tpu.memref_slice %arg3[%multiple_of3A] : memref<320000xi32, #tpu.memory_space<hbm>> -> memref<80xi32, #tpu.memory_space<hbm>>
    %dma_start3A_69 = tpu.memref_slice %arg12[%dma_start3A_64] : memref<2x!tpu.dma_semaphore, #tpu.memory_space<semaphore_mem>> -> memref<1x!tpu.dma_semaphore, #tpu.memory_space<semaphore_mem>>
    %dma_start3A_70 = tpu.memref_squeeze %dma_start3A_69 : memref<1x!tpu.dma_semaphore, #tpu.memory_space<semaphore_mem>> -> memref<!tpu.dma_semaphore, #tpu.memory_space<semaphore_mem>>
    %dma_start3A_71 = arith.constant 0 : i32
    %dma_start3A_72 = tpu.memref_slice %arg9[%dma_start3A, %dma_start3A_71] : memref<2x80xi32, #tpu.memory_space<vmem>> -> memref<1x80xi32, #tpu.memory_space<vmem>>
    %dma_start3A_73 = tpu.memref_squeeze %dma_start3A_72 : memref<1x80xi32, #tpu.memory_space<vmem>> -> memref<80xi32, #tpu.memory_space<vmem>>
    %dma_start3A_74 = tpu.memref_slice %arg3[%multiple_of3A] : memref<320000xi32, #tpu.memory_space<hbm>> -> memref<80xi32, #tpu.memory_space<hbm>>
    tpu.enqueue_dma source(%dma_start3A_74 : memref<80xi32, #tpu.memory_space<hbm>>) target(%dma_start3A_73 : memref<80xi32, #tpu.memory_space<vmem>>) target_semaphore(%dma_start3A_70 : memref<!tpu.dma_semaphore, #tpu.memory_space<semaphore_mem>>)
    %dma_start3A_75 = arith.constant 0 : i32
    %dma_start3A_76 = arith.constant 0 : i32
    %dma_start3A_77 = arith.constant 0 : i32
    %dma_start3A_78 = tpu.memref_slice %arg10[%dma_start3A_75, %dma_start3A_77] : memref<4x80xi32, #tpu.memory_space<vmem>> -> memref<1x80xi32, #tpu.memory_space<vmem>>
    %dma_start3A_79 = tpu.memref_squeeze %dma_start3A_78 : memref<1x80xi32, #tpu.memory_space<vmem>> -> memref<80xi32, #tpu.memory_space<vmem>>
    %dma_start3A_80 = tpu.memref_slice %arg4[%multiple_of3A] : memref<320000xi32, #tpu.memory_space<hbm>> -> memref<80xi32, #tpu.memory_space<hbm>>
    %dma_start3A_81 = tpu.memref_slice %arg13[%dma_start3A_76] : memref<2x!tpu.dma_semaphore, #tpu.memory_space<semaphore_mem>> -> memref<1x!tpu.dma_semaphore, #tpu.memory_space<semaphore_mem>>
    %dma_start3A_82 = tpu.memref_squeeze %dma_start3A_81 : memref<1x!tpu.dma_semaphore, #tpu.memory_space<semaphore_mem>> -> memref<!tpu.dma_semaphore, #tpu.memory_space<semaphore_mem>>
    %dma_start3A_83 = arith.constant 0 : i32
    %dma_start3A_84 = tpu.memref_slice %arg10[%dma_start3A_75, %dma_start3A_83] : memref<4x80xi32, #tpu.memory_space<vmem>> -> memref<1x80xi32, #tpu.memory_space<vmem>>
    %dma_start3A_85 = tpu.memref_squeeze %dma_start3A_84 : memref<1x80xi32, #tpu.memory_space<vmem>> -> memref<80xi32, #tpu.memory_space<vmem>>
    %dma_start3A_86 = tpu.memref_slice %arg4[%multiple_of3A] : memref<320000xi32, #tpu.memory_space<hbm>> -> memref<80xi32, #tpu.memory_space<hbm>>
    tpu.enqueue_dma source(%dma_start3A_86 : memref<80xi32, #tpu.memory_space<hbm>>) target(%dma_start3A_85 : memref<80xi32, #tpu.memory_space<vmem>>) target_semaphore(%dma_start3A_82 : memref<!tpu.dma_semaphore, #tpu.memory_space<semaphore_mem>>)
    %add3A_87 = arith.constant 32 : i32
    %add3A_88 = arith.addi %add3A, %add3A_87 : i32
    %mul3A_89 = arith.constant 80 : i32
    %mul3A_90 = arith.muli %add3A_88, %mul3A_89 : i32
    %multiple_of3A_91 = tpu.assume_multiple %mul3A_90, 8 : i32
    %dma_start3A_92 = arith.constant 1 : i32
    %dma_start3A_93 = arith.constant 1 : i32
    %dma_start3A_94 = arith.constant 0 : i32
    %dma_start3A_95 = tpu.memref_slice %arg9[%dma_start3A_92, %dma_start3A_94] : memref<2x80xi32, #tpu.memory_space<vmem>> -> memref<1x80xi32, #tpu.memory_space<vmem>>
    %dma_start3A_96 = tpu.memref_squeeze %dma_start3A_95 : memref<1x80xi32, #tpu.memory_space<vmem>> -> memref<80xi32, #tpu.memory_space<vmem>>
    %dma_start3A_97 = tpu.memref_slice %arg3[%multiple_of3A_91] : memref<320000xi32, #tpu.memory_space<hbm>> -> memref<80xi32, #tpu.memory_space<hbm>>
    %dma_start3A_98 = tpu.memref_slice %arg12[%dma_start3A_93] : memref<2x!tpu.dma_semaphore, #tpu.memory_space<semaphore_mem>> -> memref<1x!tpu.dma_semaphore, #tpu.memory_space<semaphore_mem>>
    %dma_start3A_99 = tpu.memref_squeeze %dma_start3A_98 : memref<1x!tpu.dma_semaphore, #tpu.memory_space<semaphore_mem>> -> memref<!tpu.dma_semaphore, #tpu.memory_space<semaphore_mem>>
    %dma_start3A_100 = arith.constant 0 : i32
    %dma_start3A_101 = tpu.memref_slice %arg9[%dma_start3A_92, %dma_start3A_100] : memref<2x80xi32, #tpu.memory_space<vmem>> -> memref<1x80xi32, #tpu.memory_space<vmem>>
    %dma_start3A_102 = tpu.memref_squeeze %dma_start3A_101 : memref<1x80xi32, #tpu.memory_space<vmem>> -> memref<80xi32, #tpu.memory_space<vmem>>
    %dma_start3A_103 = tpu.memref_slice %arg3[%multiple_of3A_91] : memref<320000xi32, #tpu.memory_space<hbm>> -> memref<80xi32, #tpu.memory_space<hbm>>
    tpu.enqueue_dma source(%dma_start3A_103 : memref<80xi32, #tpu.memory_space<hbm>>) target(%dma_start3A_102 : memref<80xi32, #tpu.memory_space<vmem>>) target_semaphore(%dma_start3A_99 : memref<!tpu.dma_semaphore, #tpu.memory_space<semaphore_mem>>)
    %dma_start3A_104 = arith.constant 1 : i32
    %dma_start3A_105 = arith.constant 1 : i32
    %dma_start3A_106 = arith.constant 0 : i32
    %dma_start3A_107 = tpu.memref_slice %arg10[%dma_start3A_104, %dma_start3A_106] : memref<4x80xi32, #tpu.memory_space<vmem>> -> memref<1x80xi32, #tpu.memory_space<vmem>>
    %dma_start3A_108 = tpu.memref_squeeze %dma_start3A_107 : memref<1x80xi32, #tpu.memory_space<vmem>> -> memref<80xi32, #tpu.memory_space<vmem>>
    %dma_start3A_109 = tpu.memref_slice %arg4[%multiple_of3A_91] : memref<320000xi32, #tpu.memory_space<hbm>> -> memref<80xi32, #tpu.memory_space<hbm>>
    %dma_start3A_110 = tpu.memref_slice %arg13[%dma_start3A_105] : memref<2x!tpu.dma_semaphore, #tpu.memory_space<semaphore_mem>> -> memref<1x!tpu.dma_semaphore, #tpu.memory_space<semaphore_mem>>
    %dma_start3A_111 = tpu.memref_squeeze %dma_start3A_110 : memref<1x!tpu.dma_semaphore, #tpu.memory_space<semaphore_mem>> -> memref<!tpu.dma_semaphore, #tpu.memory_space<semaphore_mem>>
    %dma_start3A_112 = arith.constant 0 : i32
    %dma_start3A_113 = tpu.memref_slice %arg10[%dma_start3A_104, %dma_start3A_112] : memref<4x80xi32, #tpu.memory_space<vmem>> -> memref<1x80xi32, #tpu.memory_space<vmem>>
    %dma_start3A_114 = tpu.memref_squeeze %dma_start3A_113 : memref<1x80xi32, #tpu.memory_space<vmem>> -> memref<80xi32, #tpu.memory_space<vmem>>
    %dma_start3A_115 = tpu.memref_slice %arg4[%multiple_of3A_91] : memref<320000xi32, #tpu.memory_space<hbm>> -> memref<80xi32, #tpu.memory_space<hbm>>
    tpu.enqueue_dma source(%dma_start3A_115 : memref<80xi32, #tpu.memory_space<hbm>>) target(%dma_start3A_114 : memref<80xi32, #tpu.memory_space<vmem>>) target_semaphore(%dma_start3A_111 : memref<!tpu.dma_semaphore, #tpu.memory_space<semaphore_mem>>)
    %mul3A_116 = arith.constant 80 : i32
    %mul3A_117 = arith.muli %add3A, %mul3A_116 : i32
    %multiple_of3A_118 = tpu.assume_multiple %mul3A_117, 8 : i32
    %dma_start3A_119 = arith.constant 0 : i32
    %dma_start3A_120 = arith.constant 0 : i32
    %dma_start3A_121 = arith.constant 0 : i32
    %dma_start3A_122 = arith.constant 0 : i32
    %dma_start3A_123 = tpu.memref_slice %arg8[%dma_start3A_119, %dma_start3A_121, %dma_start3A_122] : memref<3x80x128xf32, #tpu.memory_space<vmem>> -> memref<1x80x128xf32, #tpu.memory_space<vmem>>
    %dma_start3A_124 = tpu.memref_squeeze %dma_start3A_123 : memref<1x80x128xf32, #tpu.memory_space<vmem>> -> memref<80x128xf32, #tpu.memory_space<vmem>>
    %dma_start3A_125 = arith.constant 0 : i32
    %dma_start3A_126 = tpu.memref_slice %arg5[%multiple_of3A_118, %dma_start3A_125] : memref<320000x128xf32, #tpu.memory_space<hbm>> -> memref<80x128xf32, #tpu.memory_space<hbm>>
    %dma_start3A_127 = tpu.memref_slice %arg15[%dma_start3A_120] : memref<3x!tpu.dma_semaphore, #tpu.memory_space<semaphore_mem>> -> memref<1x!tpu.dma_semaphore, #tpu.memory_space<semaphore_mem>>
    %dma_start3A_128 = tpu.memref_squeeze %dma_start3A_127 : memref<1x!tpu.dma_semaphore, #tpu.memory_space<semaphore_mem>> -> memref<!tpu.dma_semaphore, #tpu.memory_space<semaphore_mem>>
    %dma_start3A_129 = arith.constant 0 : i32
    %dma_start3A_130 = arith.constant 0 : i32
    %dma_start3A_131 = tpu.memref_slice %arg8[%dma_start3A_119, %dma_start3A_129, %dma_start3A_130] : memref<3x80x128xf32, #tpu.memory_space<vmem>> -> memref<1x80x128xf32, #tpu.memory_space<vmem>>
    %dma_start3A_132 = tpu.memref_squeeze %dma_start3A_131 : memref<1x80x128xf32, #tpu.memory_space<vmem>> -> memref<80x128xf32, #tpu.memory_space<vmem>>
    %dma_start3A_133 = arith.constant 0 : i32
    %dma_start3A_134 = tpu.memref_slice %arg5[%multiple_of3A_118, %dma_start3A_133] : memref<320000x128xf32, #tpu.memory_space<hbm>> -> memref<80x128xf32, #tpu.memory_space<hbm>>
    tpu.enqueue_dma source(%dma_start3A_134 : memref<80x128xf32, #tpu.memory_space<hbm>>) target(%dma_start3A_132 : memref<80x128xf32, #tpu.memory_space<vmem>>) target_semaphore(%dma_start3A_128 : memref<!tpu.dma_semaphore, #tpu.memory_space<semaphore_mem>>)
    %dma_wait3A = arith.constant 0 : i32
    %dma_wait3A_135 = arith.constant 0 : i32
    %dma_wait3A_136 = arith.constant 0 : i32
    %dma_wait3A_137 = tpu.memref_slice %arg9[%dma_wait3A, %dma_wait3A_136] : memref<2x80xi32, #tpu.memory_space<vmem>> -> memref<1x80xi32, #tpu.memory_space<vmem>>
    %dma_wait3A_138 = tpu.memref_squeeze %dma_wait3A_137 : memref<1x80xi32, #tpu.memory_space<vmem>> -> memref<80xi32, #tpu.memory_space<vmem>>
    %dma_wait3A_139 = arith.constant 0 : i32
    %dma_wait3A_140 = tpu.memref_slice %arg3[%dma_wait3A_139] : memref<320000xi32, #tpu.memory_space<hbm>> -> memref<80xi32, #tpu.memory_space<hbm>>
    %dma_wait3A_141 = tpu.memref_slice %arg12[%dma_wait3A_135] : memref<2x!tpu.dma_semaphore, #tpu.memory_space<semaphore_mem>> -> memref<1x!tpu.dma_semaphore, #tpu.memory_space<semaphore_mem>>
    %dma_wait3A_142 = tpu.memref_squeeze %dma_wait3A_141 : memref<1x!tpu.dma_semaphore, #tpu.memory_space<semaphore_mem>> -> memref<!tpu.dma_semaphore, #tpu.memory_space<semaphore_mem>>
    %dma_wait3A_143 = arith.constant 0 : i32
    %dma_wait3A_144 = tpu.memref_slice %arg9[%dma_wait3A, %dma_wait3A_143] : memref<2x80xi32, #tpu.memory_space<vmem>> -> memref<1x80xi32, #tpu.memory_space<vmem>>
    %dma_wait3A_145 = tpu.memref_squeeze %dma_wait3A_144 : memref<1x80xi32, #tpu.memory_space<vmem>> -> memref<80xi32, #tpu.memory_space<vmem>>
    %dma_wait3A_146 = arith.constant 0 : i32
    %dma_wait3A_147 = tpu.memref_slice %arg3[%dma_wait3A_146] : memref<320000xi32, #tpu.memory_space<hbm>> -> memref<80xi32, #tpu.memory_space<hbm>>
    tpu.wait_dma2 semaphore(%dma_wait3A_142 : memref<!tpu.dma_semaphore, #tpu.memory_space<semaphore_mem>>) src(%dma_wait3A_147 : memref<80xi32, #tpu.memory_space<hbm>>) dst(%dma_wait3A_145 : memref<80xi32, #tpu.memory_space<vmem>>)
    %dma_wait3A_148 = arith.constant 0 : i32
    %dma_wait3A_149 = arith.constant 0 : i32
    %dma_wait3A_150 = arith.constant 0 : i32
    %dma_wait3A_151 = tpu.memref_slice %arg10[%dma_wait3A_148, %dma_wait3A_150] : memref<4x80xi32, #tpu.memory_space<vmem>> -> memref<1x80xi32, #tpu.memory_space<vmem>>
    %dma_wait3A_152 = tpu.memref_squeeze %dma_wait3A_151 : memref<1x80xi32, #tpu.memory_space<vmem>> -> memref<80xi32, #tpu.memory_space<vmem>>
    %dma_wait3A_153 = arith.constant 0 : i32
    %dma_wait3A_154 = tpu.memref_slice %arg4[%dma_wait3A_153] : memref<320000xi32, #tpu.memory_space<hbm>> -> memref<80xi32, #tpu.memory_space<hbm>>
    %dma_wait3A_155 = tpu.memref_slice %arg13[%dma_wait3A_149] : memref<2x!tpu.dma_semaphore, #tpu.memory_space<semaphore_mem>> -> memref<1x!tpu.dma_semaphore, #tpu.memory_space<semaphore_mem>>
    %dma_wait3A_156 = tpu.memref_squeeze %dma_wait3A_155 : memref<1x!tpu.dma_semaphore, #tpu.memory_space<semaphore_mem>> -> memref<!tpu.dma_semaphore, #tpu.memory_space<semaphore_mem>>
    %dma_wait3A_157 = arith.constant 0 : i32
    %dma_wait3A_158 = tpu.memref_slice %arg10[%dma_wait3A_148, %dma_wait3A_157] : memref<4x80xi32, #tpu.memory_space<vmem>> -> memref<1x80xi32, #tpu.memory_space<vmem>>
    %dma_wait3A_159 = tpu.memref_squeeze %dma_wait3A_158 : memref<1x80xi32, #tpu.memory_space<vmem>> -> memref<80xi32, #tpu.memory_space<vmem>>
    %dma_wait3A_160 = arith.constant 0 : i32
    %dma_wait3A_161 = tpu.memref_slice %arg4[%dma_wait3A_160] : memref<320000xi32, #tpu.memory_space<hbm>> -> memref<80xi32, #tpu.memory_space<hbm>>
    tpu.wait_dma2 semaphore(%dma_wait3A_156 : memref<!tpu.dma_semaphore, #tpu.memory_space<semaphore_mem>>) src(%dma_wait3A_161 : memref<80xi32, #tpu.memory_space<hbm>>) dst(%dma_wait3A_159 : memref<80xi32, #tpu.memory_space<vmem>>)
    %dma_start3A_162 = arith.constant 0 : i32
    %dma_start3A_163 = arith.constant 0 : i32
    %dma_start3A_164 = arith.constant 0 : i32
    %dma_start3A_165 = arith.constant 0 : i32
    %dma_start3A_166 = arith.constant 0 : i32
    %dma_start3A_167 = tpu.memref_slice %arg7[%dma_start3A_163, %dma_start3A_165, %dma_start3A_166] : memref<2x80x64xf32, #tpu.memory_space<vmem>> -> memref<1x80x64xf32, #tpu.memory_space<vmem>>
    %dma_start3A_168 = tpu.memref_squeeze %dma_start3A_167 : memref<1x80x64xf32, #tpu.memory_space<vmem>> -> memref<80x64xf32, #tpu.memory_space<vmem>>
    %dma_start3A_169 = arith.constant 0 : i32
    %dma_start3A_170 = tpu.memref_slice %arg9[%dma_start3A_162, %dma_start3A_169] : memref<2x80xi32, #tpu.memory_space<vmem>> -> memref<1x80xi32, #tpu.memory_space<vmem>>
    %dma_start3A_171 = tpu.memref_squeeze %dma_start3A_170 : memref<1x80xi32, #tpu.memory_space<vmem>> -> memref<80xi32, #tpu.memory_space<vmem>>
    %dma_start3A_172 = arith.constant 0 : i32
    %dma_start3A_173 = arith.constant 0 : i32
    %dma_start3A_174 = tpu.memref_slice %arg2[%dma_start3A_172, %dma_start3A_173] : memref<10000x64xf32, #tpu.memory_space<hbm>> -> memref<10000x64xf32, #tpu.memory_space<hbm>>
    %dma_start3A_175 = tpu.memref_slice %arg14[%dma_start3A_164] : memref<2x!tpu.dma_semaphore, #tpu.memory_space<semaphore_mem>> -> memref<1x!tpu.dma_semaphore, #tpu.memory_space<semaphore_mem>>
    %dma_start3A_176 = tpu.memref_squeeze %dma_start3A_175 : memref<1x!tpu.dma_semaphore, #tpu.memory_space<semaphore_mem>> -> memref<!tpu.dma_semaphore, #tpu.memory_space<semaphore_mem>>
    tpu.enqueue_indirect_dma source(%dma_start3A_174 : memref<10000x64xf32, #tpu.memory_space<hbm>>) target(%dma_start3A_168 : memref<80x64xf32, #tpu.memory_space<vmem>>) offsets(%dma_start3A_171 : memref<80xi32, #tpu.memory_space<vmem>>) semaphore(%dma_start3A_176 : memref<!tpu.dma_semaphore, #tpu.memory_space<semaphore_mem>>)
    %scan3A_177 = arith.constant 0 : i32
    %scan3A_178 = arith.constant 0 : i32
    %scan3A_179 = arith.constant 125 : i32
    %scan3A_180 = arith.addi %scan3A_178, %scan3A_179 : i32
    %scan3A_181 = arith.constant 1 : i32
    %scan3A_182 = scf.for %scan3A_245 = %scan3A_178 to %scan3A_180 step %scan3A_181 iter_args(%scan3A_246 = %scan3A_177) -> (i32)  : i32 {
      %jit3A = arith.constant 2 : i32
      %eq3A = arith.constant 0 : i32
      %eq3A_247 = arith.cmpi eq, %jit3A, %eq3A : i32
      %jit3A_248 = arith.constant 1 : i32
      %select_n3A = arith.select %eq3A_247, %jit3A_248, %jit3A : i32
      %rem3A = arith.remsi %scan3A_245, %select_n3A : i32
      %ne3A = arith.constant 0 : i32
      %ne3A_249 = arith.cmpi ne, %rem3A, %ne3A : i32
      %lt3A = arith.constant 0 : i32
      %lt3A_250 = arith.cmpi slt, %rem3A, %lt3A : i32
      %lt3A_251 = arith.constant 0 : i32
      %lt3A_252 = arith.cmpi slt, %select_n3A, %lt3A_251 : i32
      %ne3A_253 = arith.xori %lt3A_250, %lt3A_252 : i1
      %and3A = arith.andi %ne3A_253, %ne3A_249 : i1
      %add3A_254 = arith.addi %rem3A, %select_n3A : i32
      %select_n3A_255 = arith.select %and3A, %add3A_254, %rem3A : i32
      %add3A_256 = arith.constant 1 : i32
      %add3A_257 = arith.addi %scan3A_245, %add3A_256 : i32
      %jit3A_258 = arith.constant 2 : i32
      %eq3A_259 = arith.constant 0 : i32
      %eq3A_260 = arith.cmpi eq, %jit3A_258, %eq3A_259 : i32
      %jit3A_261 = arith.constant 1 : i32
      %select_n3A_262 = arith.select %eq3A_260, %jit3A_261, %jit3A_258 : i32
      %rem3A_263 = arith.remsi %add3A_257, %select_n3A_262 : i32
      %ne3A_264 = arith.constant 0 : i32
      %ne3A_265 = arith.cmpi ne, %rem3A_263, %ne3A_264 : i32
      %lt3A_266 = arith.constant 0 : i32
      %lt3A_267 = arith.cmpi slt, %rem3A_263, %lt3A_266 : i32
      %lt3A_268 = arith.constant 0 : i32
      %lt3A_269 = arith.cmpi slt, %select_n3A_262, %lt3A_268 : i32
      %ne3A_270 = arith.xori %lt3A_267, %lt3A_269 : i1
      %and3A_271 = arith.andi %ne3A_270, %ne3A_265 : i1
      %add3A_272 = arith.addi %rem3A_263, %select_n3A_262 : i32
      %select_n3A_273 = arith.select %and3A_271, %add3A_272, %rem3A_263 : i32
      %jit3A_274 = arith.constant 3 : i32
      %eq3A_275 = arith.constant 0 : i32
      %eq3A_276 = arith.cmpi eq, %jit3A_274, %eq3A_275 : i32
      %jit3A_277 = arith.constant 1 : i32
      %select_n3A_278 = arith.select %eq3A_276, %jit3A_277, %jit3A_274 : i32
      %rem3A_279 = arith.remsi %scan3A_245, %select_n3A_278 : i32
      %ne3A_280 = arith.constant 0 : i32
      %ne3A_281 = arith.cmpi ne, %rem3A_279, %ne3A_280 : i32
      %lt3A_282 = arith.constant 0 : i32
      %lt3A_283 = arith.cmpi slt, %rem3A_279, %lt3A_282 : i32
      %lt3A_284 = arith.constant 0 : i32
      %lt3A_285 = arith.cmpi slt, %select_n3A_278, %lt3A_284 : i32
      %ne3A_286 = arith.xori %lt3A_283, %lt3A_285 : i1
      %and3A_287 = arith.andi %ne3A_286, %ne3A_281 : i1
      %add3A_288 = arith.addi %rem3A_279, %select_n3A_278 : i32
      %select_n3A_289 = arith.select %and3A_287, %add3A_288, %rem3A_279 : i32
      %add3A_290 = arith.constant 1 : i32
      %add3A_291 = arith.addi %scan3A_245, %add3A_290 : i32
      %jit3A_292 = arith.constant 3 : i32
      %eq3A_293 = arith.constant 0 : i32
      %eq3A_294 = arith.cmpi eq, %jit3A_292, %eq3A_293 : i32
      %jit3A_295 = arith.constant 1 : i32
      %select_n3A_296 = arith.select %eq3A_294, %jit3A_295, %jit3A_292 : i32
      %rem3A_297 = arith.remsi %add3A_291, %select_n3A_296 : i32
      %ne3A_298 = arith.constant 0 : i32
      %ne3A_299 = arith.cmpi ne, %rem3A_297, %ne3A_298 : i32
      %lt3A_300 = arith.constant 0 : i32
      %lt3A_301 = arith.cmpi slt, %rem3A_297, %lt3A_300 : i32
      %lt3A_302 = arith.constant 0 : i32
      %lt3A_303 = arith.cmpi slt, %select_n3A_296, %lt3A_302 : i32
      %ne3A_304 = arith.xori %lt3A_301, %lt3A_303 : i1
      %and3A_305 = arith.andi %ne3A_304, %ne3A_299 : i1
      %add3A_306 = arith.addi %rem3A_297, %select_n3A_296 : i32
      %select_n3A_307 = arith.select %and3A_305, %add3A_306, %rem3A_297 : i32
      %ge3A = arith.constant 2 : i32
      %ge3A_308 = arith.cmpi sge, %scan3A_245, %ge3A : i32
      %convert_element_type3A = arith.extui %ge3A_308 : i1 to i32
      %cond3A = arith.constant 0 : i32
      %cond3A_309 = arith.cmpi ne, %convert_element_type3A, %cond3A : i32
      scf.if %cond3A_309 {
        %sub3A = arith.constant 2 : i32
        %sub3A_384 = arith.subi %scan3A_245, %sub3A : i32
        %jit3A_385 = arith.constant 3 : i32
        %eq3A_386 = arith.constant 0 : i32
        %eq3A_387 = arith.cmpi eq, %jit3A_385, %eq3A_386 : i32
        %jit3A_388 = arith.constant 1 : i32
        %select_n3A_389 = arith.select %eq3A_387, %jit3A_388, %jit3A_385 : i32
        %rem3A_390 = arith.remsi %sub3A_384, %select_n3A_389 : i32
        %ne3A_391 = arith.constant 0 : i32
        %ne3A_392 = arith.cmpi ne, %rem3A_390, %ne3A_391 : i32
        %lt3A_393 = arith.constant 0 : i32
        %lt3A_394 = arith.cmpi slt, %rem3A_390, %lt3A_393 : i32
        %lt3A_395 = arith.constant 0 : i32
        %lt3A_396 = arith.cmpi slt, %select_n3A_389, %lt3A_395 : i32
        %ne3A_397 = arith.xori %lt3A_394, %lt3A_396 : i1
        %and3A_398 = arith.andi %ne3A_397, %ne3A_392 : i1
        %add3A_399 = arith.addi %rem3A_390, %select_n3A_389 : i32
        %select_n3A_400 = arith.select %and3A_398, %add3A_399, %rem3A_390 : i32
        %sub3A_401 = arith.constant 2 : i32
        %sub3A_402 = arith.subi %scan3A_245, %sub3A_401 : i32
        %jit3A_403 = arith.constant 4 : i32
        %eq3A_404 = arith.constant 0 : i32
        %eq3A_405 = arith.cmpi eq, %jit3A_403, %eq3A_404 : i32
        %jit3A_406 = arith.constant 1 : i32
        %select_n3A_407 = arith.select %eq3A_405, %jit3A_406, %jit3A_403 : i32
        %rem3A_408 = arith.remsi %sub3A_402, %select_n3A_407 : i32
        %ne3A_409 = arith.constant 0 : i32
        %ne3A_410 = arith.cmpi ne, %rem3A_408, %ne3A_409 : i32
        %lt3A_411 = arith.constant 0 : i32
        %lt3A_412 = arith.cmpi slt, %rem3A_408, %lt3A_411 : i32
        %lt3A_413 = arith.constant 0 : i32
        %lt3A_414 = arith.cmpi slt, %select_n3A_407, %lt3A_413 : i32
        %ne3A_415 = arith.xori %lt3A_412, %lt3A_414 : i1
        %and3A_416 = arith.andi %ne3A_415, %ne3A_410 : i1
        %add3A_417 = arith.addi %rem3A_408, %select_n3A_407 : i32
        %select_n3A_418 = arith.select %and3A_416, %add3A_417, %rem3A_408 : i32
        %dma_wait3A_419 = arith.constant 0 : i32
        %dma_wait3A_420 = arith.constant 0 : i32
        %dma_wait3A_421 = tpu.memref_slice %arg8[%select_n3A_400, %dma_wait3A_419, %dma_wait3A_420] : memref<3x80x128xf32, #tpu.memory_space<vmem>> -> memref<1x80x128xf32, #tpu.memory_space<vmem>>
        %dma_wait3A_422 = tpu.memref_squeeze %dma_wait3A_421 : memref<1x80x128xf32, #tpu.memory_space<vmem>> -> memref<80x128xf32, #tpu.memory_space<vmem>>
        %dma_wait3A_423 = arith.constant 0 : i32
        %dma_wait3A_424 = tpu.memref_slice %arg10[%select_n3A_418, %dma_wait3A_423] : memref<4x80xi32, #tpu.memory_space<vmem>> -> memref<1x80xi32, #tpu.memory_space<vmem>>
        %dma_wait3A_425 = tpu.memref_squeeze %dma_wait3A_424 : memref<1x80xi32, #tpu.memory_space<vmem>> -> memref<80xi32, #tpu.memory_space<vmem>>
        %dma_wait3A_426 = arith.constant 0 : i32
        %dma_wait3A_427 = arith.constant 0 : i32
        %dma_wait3A_428 = tpu.memref_slice %arg11[%dma_wait3A_426, %dma_wait3A_427] : memref<10240x128xf32, #tpu.memory_space<vmem_shared>> -> memref<10240x128xf32, #tpu.memory_space<vmem_shared>>
        %dma_wait3A_429 = tpu.memref_slice %arg16[%select_n3A_400] : memref<3x!tpu.dma_semaphore, #tpu.memory_space<semaphore_mem>> -> memref<1x!tpu.dma_semaphore, #tpu.memory_space<semaphore_mem>>
        %dma_wait3A_430 = tpu.memref_squeeze %dma_wait3A_429 : memref<1x!tpu.dma_semaphore, #tpu.memory_space<semaphore_mem>> -> memref<!tpu.dma_semaphore, #tpu.memory_space<semaphore_mem>>
        tpu.wait_indirect_dma semaphore(%dma_wait3A_430 : memref<!tpu.dma_semaphore, #tpu.memory_space<semaphore_mem>>) src(%dma_wait3A_422 : memref<80x128xf32, #tpu.memory_space<vmem>>) dst(%dma_wait3A_428 : memref<10240x128xf32, #tpu.memory_space<vmem_shared>>)
      } else {
      }
      %lt3A_310 = arith.constant 124 : i32
      %lt3A_311 = arith.cmpi slt, %scan3A_245, %lt3A_310 : i32
      %convert_element_type3A_312 = arith.extui %lt3A_311 : i1 to i32
      %cond3A_313 = arith.constant 0 : i32
      %cond3A_314 = arith.cmpi ne, %convert_element_type3A_312, %cond3A_313 : i32
      scf.if %cond3A_314 {
        %add3A_384 = arith.constant 1 : i32
        %add3A_385 = arith.addi %scan3A_245, %add3A_384 : i32
        %mul3A_386 = arith.constant 32 : i32
        %mul3A_387 = arith.muli %add3A_385, %mul3A_386 : i32
        %add3A_388 = arith.addi %add3A, %mul3A_387 : i32
        %mul3A_389 = arith.constant 80 : i32
        %mul3A_390 = arith.muli %add3A_388, %mul3A_389 : i32
        %multiple_of3A_391 = tpu.assume_multiple %mul3A_390, 8 : i32
        %dma_start3A_392 = arith.constant 0 : i32
        %dma_start3A_393 = arith.constant 0 : i32
        %dma_start3A_394 = tpu.memref_slice %arg8[%select_n3A_307, %dma_start3A_392, %dma_start3A_393] : memref<3x80x128xf32, #tpu.memory_space<vmem>> -> memref<1x80x128xf32, #tpu.memory_space<vmem>>
        %dma_start3A_395 = tpu.memref_squeeze %dma_start3A_394 : memref<1x80x128xf32, #tpu.memory_space<vmem>> -> memref<80x128xf32, #tpu.memory_space<vmem>>
        %dma_start3A_396 = arith.constant 0 : i32
        %dma_start3A_397 = tpu.memref_slice %arg5[%multiple_of3A_391, %dma_start3A_396] : memref<320000x128xf32, #tpu.memory_space<hbm>> -> memref<80x128xf32, #tpu.memory_space<hbm>>
        %dma_start3A_398 = tpu.memref_slice %arg15[%select_n3A_307] : memref<3x!tpu.dma_semaphore, #tpu.memory_space<semaphore_mem>> -> memref<1x!tpu.dma_semaphore, #tpu.memory_space<semaphore_mem>>
        %dma_start3A_399 = tpu.memref_squeeze %dma_start3A_398 : memref<1x!tpu.dma_semaphore, #tpu.memory_space<semaphore_mem>> -> memref<!tpu.dma_semaphore, #tpu.memory_space<semaphore_mem>>
        %dma_start3A_400 = arith.constant 0 : i32
        %dma_start3A_401 = arith.constant 0 : i32
        %dma_start3A_402 = tpu.memref_slice %arg8[%select_n3A_307, %dma_start3A_400, %dma_start3A_401] : memref<3x80x128xf32, #tpu.memory_space<vmem>> -> memref<1x80x128xf32, #tpu.memory_space<vmem>>
        %dma_start3A_403 = tpu.memref_squeeze %dma_start3A_402 : memref<1x80x128xf32, #tpu.memory_space<vmem>> -> memref<80x128xf32, #tpu.memory_space<vmem>>
        %dma_start3A_404 = arith.constant 0 : i32
        %dma_start3A_405 = tpu.memref_slice %arg5[%multiple_of3A_391, %dma_start3A_404] : memref<320000x128xf32, #tpu.memory_space<hbm>> -> memref<80x128xf32, #tpu.memory_space<hbm>>
        tpu.enqueue_dma source(%dma_start3A_405 : memref<80x128xf32, #tpu.memory_space<hbm>>) target(%dma_start3A_403 : memref<80x128xf32, #tpu.memory_space<vmem>>) target_semaphore(%dma_start3A_399 : memref<!tpu.dma_semaphore, #tpu.memory_space<semaphore_mem>>)
      } else {
      }
      %dma_wait3A_315 = arith.constant 0 : i32
      %dma_wait3A_316 = arith.constant 0 : i32
      %dma_wait3A_317 = tpu.memref_slice %arg8[%select_n3A_289, %dma_wait3A_315, %dma_wait3A_316] : memref<3x80x128xf32, #tpu.memory_space<vmem>> -> memref<1x80x128xf32, #tpu.memory_space<vmem>>
      %dma_wait3A_318 = tpu.memref_squeeze %dma_wait3A_317 : memref<1x80x128xf32, #tpu.memory_space<vmem>> -> memref<80x128xf32, #tpu.memory_space<vmem>>
      %dma_wait3A_319 = arith.constant 0 : i32
      %dma_wait3A_320 = arith.constant 0 : i32
      %dma_wait3A_321 = tpu.memref_slice %arg5[%dma_wait3A_319, %dma_wait3A_320] : memref<320000x128xf32, #tpu.memory_space<hbm>> -> memref<80x128xf32, #tpu.memory_space<hbm>>
      %dma_wait3A_322 = tpu.memref_slice %arg15[%select_n3A_289] : memref<3x!tpu.dma_semaphore, #tpu.memory_space<semaphore_mem>> -> memref<1x!tpu.dma_semaphore, #tpu.memory_space<semaphore_mem>>
      %dma_wait3A_323 = tpu.memref_squeeze %dma_wait3A_322 : memref<1x!tpu.dma_semaphore, #tpu.memory_space<semaphore_mem>> -> memref<!tpu.dma_semaphore, #tpu.memory_space<semaphore_mem>>
      %dma_wait3A_324 = arith.constant 0 : i32
      %dma_wait3A_325 = arith.constant 0 : i32
      %dma_wait3A_326 = tpu.memref_slice %arg8[%select_n3A_289, %dma_wait3A_324, %dma_wait3A_325] : memref<3x80x128xf32, #tpu.memory_space<vmem>> -> memref<1x80x128xf32, #tpu.memory_space<vmem>>
      %dma_wait3A_327 = tpu.memref_squeeze %dma_wait3A_326 : memref<1x80x128xf32, #tpu.memory_space<vmem>> -> memref<80x128xf32, #tpu.memory_space<vmem>>
      %dma_wait3A_328 = arith.constant 0 : i32
      %dma_wait3A_329 = arith.constant 0 : i32
      %dma_wait3A_330 = tpu.memref_slice %arg5[%dma_wait3A_328, %dma_wait3A_329] : memref<320000x128xf32, #tpu.memory_space<hbm>> -> memref<80x128xf32, #tpu.memory_space<hbm>>
      tpu.wait_dma2 semaphore(%dma_wait3A_323 : memref<!tpu.dma_semaphore, #tpu.memory_space<semaphore_mem>>) src(%dma_wait3A_330 : memref<80x128xf32, #tpu.memory_space<hbm>>) dst(%dma_wait3A_327 : memref<80x128xf32, #tpu.memory_space<vmem>>)
      %dma_wait3A_331 = arith.constant 0 : i32
      %dma_wait3A_332 = arith.constant 0 : i32
      %dma_wait3A_333 = tpu.memref_slice %arg7[%select_n3A_255, %dma_wait3A_331, %dma_wait3A_332] : memref<2x80x64xf32, #tpu.memory_space<vmem>> -> memref<1x80x64xf32, #tpu.memory_space<vmem>>
      %dma_wait3A_334 = tpu.memref_squeeze %dma_wait3A_333 : memref<1x80x64xf32, #tpu.memory_space<vmem>> -> memref<80x64xf32, #tpu.memory_space<vmem>>
      %dma_wait3A_335 = arith.constant 0 : i32
      %dma_wait3A_336 = tpu.memref_slice %arg9[%select_n3A_255, %dma_wait3A_335] : memref<2x80xi32, #tpu.memory_space<vmem>> -> memref<1x80xi32, #tpu.memory_space<vmem>>
      %dma_wait3A_337 = tpu.memref_squeeze %dma_wait3A_336 : memref<1x80xi32, #tpu.memory_space<vmem>> -> memref<80xi32, #tpu.memory_space<vmem>>
      %dma_wait3A_338 = arith.constant 0 : i32
      %dma_wait3A_339 = arith.constant 0 : i32
      %dma_wait3A_340 = tpu.memref_slice %arg2[%dma_wait3A_338, %dma_wait3A_339] : memref<10000x64xf32, #tpu.memory_space<hbm>> -> memref<10000x64xf32, #tpu.memory_space<hbm>>
      %dma_wait3A_341 = tpu.memref_slice %arg14[%select_n3A_255] : memref<2x!tpu.dma_semaphore, #tpu.memory_space<semaphore_mem>> -> memref<1x!tpu.dma_semaphore, #tpu.memory_space<semaphore_mem>>
      %dma_wait3A_342 = tpu.memref_squeeze %dma_wait3A_341 : memref<1x!tpu.dma_semaphore, #tpu.memory_space<semaphore_mem>> -> memref<!tpu.dma_semaphore, #tpu.memory_space<semaphore_mem>>
      tpu.wait_indirect_dma semaphore(%dma_wait3A_342 : memref<!tpu.dma_semaphore, #tpu.memory_space<semaphore_mem>>) src(%dma_wait3A_340 : memref<10000x64xf32, #tpu.memory_space<hbm>>) dst(%dma_wait3A_334 : memref<80x64xf32, #tpu.memory_space<vmem>>)
      %lt3A_343 = arith.constant 123 : i32
      %lt3A_344 = arith.cmpi slt, %scan3A_245, %lt3A_343 : i32
      %convert_element_type3A_345 = arith.extui %lt3A_344 : i1 to i32
      %cond3A_346 = arith.constant 0 : i32
      %cond3A_347 = arith.cmpi ne, %convert_element_type3A_345, %cond3A_346 : i32
      scf.if %cond3A_347 {
        %add3A_384 = arith.constant 2 : i32
        %add3A_385 = arith.addi %scan3A_245, %add3A_384 : i32
        %mul3A_386 = arith.constant 32 : i32
        %mul3A_387 = arith.muli %add3A_385, %mul3A_386 : i32
        %add3A_388 = arith.addi %add3A, %mul3A_387 : i32
        %add3A_389 = arith.constant 2 : i32
        %add3A_390 = arith.addi %scan3A_245, %add3A_389 : i32
        %jit3A_391 = arith.constant 4 : i32
        %eq3A_392 = arith.constant 0 : i32
        %eq3A_393 = arith.cmpi eq, %jit3A_391, %eq3A_392 : i32
        %jit3A_394 = arith.constant 1 : i32
        %select_n3A_395 = arith.select %eq3A_393, %jit3A_394, %jit3A_391 : i32
        %rem3A_396 = arith.remsi %add3A_390, %select_n3A_395 : i32
        %ne3A_397 = arith.constant 0 : i32
        %ne3A_398 = arith.cmpi ne, %rem3A_396, %ne3A_397 : i32
        %lt3A_399 = arith.constant 0 : i32
        %lt3A_400 = arith.cmpi slt, %rem3A_396, %lt3A_399 : i32
        %lt3A_401 = arith.constant 0 : i32
        %lt3A_402 = arith.cmpi slt, %select_n3A_395, %lt3A_401 : i32
        %ne3A_403 = arith.xori %lt3A_400, %lt3A_402 : i1
        %and3A_404 = arith.andi %ne3A_403, %ne3A_398 : i1
        %add3A_405 = arith.addi %rem3A_396, %select_n3A_395 : i32
        %select_n3A_406 = arith.select %and3A_404, %add3A_405, %rem3A_396 : i32
        %mul3A_407 = arith.constant 80 : i32
        %mul3A_408 = arith.muli %add3A_388, %mul3A_407 : i32
        %multiple_of3A_409 = tpu.assume_multiple %mul3A_408, 8 : i32
        %dma_start3A_410 = arith.constant 0 : i32
        %dma_start3A_411 = tpu.memref_slice %arg9[%select_n3A_255, %dma_start3A_410] : memref<2x80xi32, #tpu.memory_space<vmem>> -> memref<1x80xi32, #tpu.memory_space<vmem>>
        %dma_start3A_412 = tpu.memref_squeeze %dma_start3A_411 : memref<1x80xi32, #tpu.memory_space<vmem>> -> memref<80xi32, #tpu.memory_space<vmem>>
        %dma_start3A_413 = tpu.memref_slice %arg3[%multiple_of3A_409] : memref<320000xi32, #tpu.memory_space<hbm>> -> memref<80xi32, #tpu.memory_space<hbm>>
        %dma_start3A_414 = tpu.memref_slice %arg12[%select_n3A_255] : memref<2x!tpu.dma_semaphore, #tpu.memory_space<semaphore_mem>> -> memref<1x!tpu.dma_semaphore, #tpu.memory_space<semaphore_mem>>
        %dma_start3A_415 = tpu.memref_squeeze %dma_start3A_414 : memref<1x!tpu.dma_semaphore, #tpu.memory_space<semaphore_mem>> -> memref<!tpu.dma_semaphore, #tpu.memory_space<semaphore_mem>>
        %dma_start3A_416 = arith.constant 0 : i32
        %dma_start3A_417 = tpu.memref_slice %arg9[%select_n3A_255, %dma_start3A_416] : memref<2x80xi32, #tpu.memory_space<vmem>> -> memref<1x80xi32, #tpu.memory_space<vmem>>
        %dma_start3A_418 = tpu.memref_squeeze %dma_start3A_417 : memref<1x80xi32, #tpu.memory_space<vmem>> -> memref<80xi32, #tpu.memory_space<vmem>>
        %dma_start3A_419 = tpu.memref_slice %arg3[%multiple_of3A_409] : memref<320000xi32, #tpu.memory_space<hbm>> -> memref<80xi32, #tpu.memory_space<hbm>>
        tpu.enqueue_dma source(%dma_start3A_419 : memref<80xi32, #tpu.memory_space<hbm>>) target(%dma_start3A_418 : memref<80xi32, #tpu.memory_space<vmem>>) target_semaphore(%dma_start3A_415 : memref<!tpu.dma_semaphore, #tpu.memory_space<semaphore_mem>>)
        %dma_start3A_420 = arith.constant 0 : i32
        %dma_start3A_421 = tpu.memref_slice %arg10[%select_n3A_406, %dma_start3A_420] : memref<4x80xi32, #tpu.memory_space<vmem>> -> memref<1x80xi32, #tpu.memory_space<vmem>>
        %dma_start3A_422 = tpu.memref_squeeze %dma_start3A_421 : memref<1x80xi32, #tpu.memory_space<vmem>> -> memref<80xi32, #tpu.memory_space<vmem>>
        %dma_start3A_423 = tpu.memref_slice %arg4[%multiple_of3A_409] : memref<320000xi32, #tpu.memory_space<hbm>> -> memref<80xi32, #tpu.memory_space<hbm>>
        %dma_start3A_424 = tpu.memref_slice %arg13[%select_n3A_255] : memref<2x!tpu.dma_semaphore, #tpu.memory_space<semaphore_mem>> -> memref<1x!tpu.dma_semaphore, #tpu.memory_space<semaphore_mem>>
        %dma_start3A_425 = tpu.memref_squeeze %dma_start3A_424 : memref<1x!tpu.dma_semaphore, #tpu.memory_space<semaphore_mem>> -> memref<!tpu.dma_semaphore, #tpu.memory_space<semaphore_mem>>
        %dma_start3A_426 = arith.constant 0 : i32
        %dma_start3A_427 = tpu.memref_slice %arg10[%select_n3A_406, %dma_start3A_426] : memref<4x80xi32, #tpu.memory_space<vmem>> -> memref<1x80xi32, #tpu.memory_space<vmem>>
        %dma_start3A_428 = tpu.memref_squeeze %dma_start3A_427 : memref<1x80xi32, #tpu.memory_space<vmem>> -> memref<80xi32, #tpu.memory_space<vmem>>
        %dma_start3A_429 = tpu.memref_slice %arg4[%multiple_of3A_409] : memref<320000xi32, #tpu.memory_space<hbm>> -> memref<80xi32, #tpu.memory_space<hbm>>
        tpu.enqueue_dma source(%dma_start3A_429 : memref<80xi32, #tpu.memory_space<hbm>>) target(%dma_start3A_428 : memref<80xi32, #tpu.memory_space<vmem>>) target_semaphore(%dma_start3A_425 : memref<!tpu.dma_semaphore, #tpu.memory_space<semaphore_mem>>)
      } else {
      }
      %lt3A_348 = arith.constant 124 : i32
      %lt3A_349 = arith.cmpi slt, %scan3A_245, %lt3A_348 : i32
      %convert_element_type3A_350 = arith.extui %lt3A_349 : i1 to i32
      %cond3A_351 = arith.constant 0 : i32
      %cond3A_352 = arith.cmpi ne, %convert_element_type3A_350, %cond3A_351 : i32
      scf.if %cond3A_352 {
        %dma_wait3A_384 = arith.constant 0 : i32
        %dma_wait3A_385 = tpu.memref_slice %arg9[%select_n3A_273, %dma_wait3A_384] : memref<2x80xi32, #tpu.memory_space<vmem>> -> memref<1x80xi32, #tpu.memory_space<vmem>>
        %dma_wait3A_386 = tpu.memref_squeeze %dma_wait3A_385 : memref<1x80xi32, #tpu.memory_space<vmem>> -> memref<80xi32, #tpu.memory_space<vmem>>
        %dma_wait3A_387 = arith.constant 0 : i32
        %dma_wait3A_388 = tpu.memref_slice %arg3[%dma_wait3A_387] : memref<320000xi32, #tpu.memory_space<hbm>> -> memref<80xi32, #tpu.memory_space<hbm>>
        %dma_wait3A_389 = tpu.memref_slice %arg12[%select_n3A_273] : memref<2x!tpu.dma_semaphore, #tpu.memory_space<semaphore_mem>> -> memref<1x!tpu.dma_semaphore, #tpu.memory_space<semaphore_mem>>
        %dma_wait3A_390 = tpu.memref_squeeze %dma_wait3A_389 : memref<1x!tpu.dma_semaphore, #tpu.memory_space<semaphore_mem>> -> memref<!tpu.dma_semaphore, #tpu.memory_space<semaphore_mem>>
        %dma_wait3A_391 = arith.constant 0 : i32
        %dma_wait3A_392 = tpu.memref_slice %arg9[%select_n3A_273, %dma_wait3A_391] : memref<2x80xi32, #tpu.memory_space<vmem>> -> memref<1x80xi32, #tpu.memory_space<vmem>>
        %dma_wait3A_393 = tpu.memref_squeeze %dma_wait3A_392 : memref<1x80xi32, #tpu.memory_space<vmem>> -> memref<80xi32, #tpu.memory_space<vmem>>
        %dma_wait3A_394 = arith.constant 0 : i32
        %dma_wait3A_395 = tpu.memref_slice %arg3[%dma_wait3A_394] : memref<320000xi32, #tpu.memory_space<hbm>> -> memref<80xi32, #tpu.memory_space<hbm>>
        tpu.wait_dma2 semaphore(%dma_wait3A_390 : memref<!tpu.dma_semaphore, #tpu.memory_space<semaphore_mem>>) src(%dma_wait3A_395 : memref<80xi32, #tpu.memory_space<hbm>>) dst(%dma_wait3A_393 : memref<80xi32, #tpu.memory_space<vmem>>)
        %dma_wait3A_396 = arith.constant 0 : i32
        %dma_wait3A_397 = arith.constant 0 : i32
        %dma_wait3A_398 = tpu.memref_slice %arg10[%dma_wait3A_396, %dma_wait3A_397] : memref<4x80xi32, #tpu.memory_space<vmem>> -> memref<1x80xi32, #tpu.memory_space<vmem>>
        %dma_wait3A_399 = tpu.memref_squeeze %dma_wait3A_398 : memref<1x80xi32, #tpu.memory_space<vmem>> -> memref<80xi32, #tpu.memory_space<vmem>>
        %dma_wait3A_400 = arith.constant 0 : i32
        %dma_wait3A_401 = tpu.memref_slice %arg4[%dma_wait3A_400] : memref<320000xi32, #tpu.memory_space<hbm>> -> memref<80xi32, #tpu.memory_space<hbm>>
        %dma_wait3A_402 = tpu.memref_slice %arg13[%select_n3A_273] : memref<2x!tpu.dma_semaphore, #tpu.memory_space<semaphore_mem>> -> memref<1x!tpu.dma_semaphore, #tpu.memory_space<semaphore_mem>>
        %dma_wait3A_403 = tpu.memref_squeeze %dma_wait3A_402 : memref<1x!tpu.dma_semaphore, #tpu.memory_space<semaphore_mem>> -> memref<!tpu.dma_semaphore, #tpu.memory_space<semaphore_mem>>
        %dma_wait3A_404 = arith.constant 0 : i32
        %dma_wait3A_405 = tpu.memref_slice %arg10[%dma_wait3A_396, %dma_wait3A_404] : memref<4x80xi32, #tpu.memory_space<vmem>> -> memref<1x80xi32, #tpu.memory_space<vmem>>
        %dma_wait3A_406 = tpu.memref_squeeze %dma_wait3A_405 : memref<1x80xi32, #tpu.memory_space<vmem>> -> memref<80xi32, #tpu.memory_space<vmem>>
        %dma_wait3A_407 = arith.constant 0 : i32
        %dma_wait3A_408 = tpu.memref_slice %arg4[%dma_wait3A_407] : memref<320000xi32, #tpu.memory_space<hbm>> -> memref<80xi32, #tpu.memory_space<hbm>>
        tpu.wait_dma2 semaphore(%dma_wait3A_403 : memref<!tpu.dma_semaphore, #tpu.memory_space<semaphore_mem>>) src(%dma_wait3A_408 : memref<80xi32, #tpu.memory_space<hbm>>) dst(%dma_wait3A_406 : memref<80xi32, #tpu.memory_space<vmem>>)
        %dma_start3A_409 = arith.constant 0 : i32
        %dma_start3A_410 = arith.constant 0 : i32
        %dma_start3A_411 = tpu.memref_slice %arg7[%select_n3A_273, %dma_start3A_409, %dma_start3A_410] : memref<2x80x64xf32, #tpu.memory_space<vmem>> -> memref<1x80x64xf32, #tpu.memory_space<vmem>>
        %dma_start3A_412 = tpu.memref_squeeze %dma_start3A_411 : memref<1x80x64xf32, #tpu.memory_space<vmem>> -> memref<80x64xf32, #tpu.memory_space<vmem>>
        %dma_start3A_413 = arith.constant 0 : i32
        %dma_start3A_414 = tpu.memref_slice %arg9[%select_n3A_273, %dma_start3A_413] : memref<2x80xi32, #tpu.memory_space<vmem>> -> memref<1x80xi32, #tpu.memory_space<vmem>>
        %dma_start3A_415 = tpu.memref_squeeze %dma_start3A_414 : memref<1x80xi32, #tpu.memory_space<vmem>> -> memref<80xi32, #tpu.memory_space<vmem>>
        %dma_start3A_416 = arith.constant 0 : i32
        %dma_start3A_417 = arith.constant 0 : i32
        %dma_start3A_418 = tpu.memref_slice %arg2[%dma_start3A_416, %dma_start3A_417] : memref<10000x64xf32, #tpu.memory_space<hbm>> -> memref<10000x64xf32, #tpu.memory_space<hbm>>
        %dma_start3A_419 = tpu.memref_slice %arg14[%select_n3A_273] : memref<2x!tpu.dma_semaphore, #tpu.memory_space<semaphore_mem>> -> memref<1x!tpu.dma_semaphore, #tpu.memory_space<semaphore_mem>>
        %dma_start3A_420 = tpu.memref_squeeze %dma_start3A_419 : memref<1x!tpu.dma_semaphore, #tpu.memory_space<semaphore_mem>> -> memref<!tpu.dma_semaphore, #tpu.memory_space<semaphore_mem>>
        tpu.enqueue_indirect_dma source(%dma_start3A_418 : memref<10000x64xf32, #tpu.memory_space<hbm>>) target(%dma_start3A_412 : memref<80x64xf32, #tpu.memory_space<vmem>>) offsets(%dma_start3A_415 : memref<80xi32, #tpu.memory_space<vmem>>) semaphore(%dma_start3A_420 : memref<!tpu.dma_semaphore, #tpu.memory_space<semaphore_mem>>)
      } else {
      }
      %parallel_loop3A = arith.constant 0 : i32
      %parallel_loop3A_353 = arith.constant 80 : i32
      %parallel_loop3A_354 = arith.constant 1 : i32
      scf.for %parallel_loop3A_384 = %parallel_loop3A to %parallel_loop3A_353 step %parallel_loop3A_354  : i32 {
        %parallel_loop3A_385 = arith.index_cast %select_n3A_255 : i32 to index
        %parallel_loop3A_386 = arith.index_cast %parallel_loop3A_384 : i32 to index
        %parallel_loop3A_387 = arith.constant 0 : index
        %parallel_loop3A_388 = tpu.vector_load %arg7[%parallel_loop3A_385, %parallel_loop3A_386, %parallel_loop3A_387] {strides = array<i32>} : memref<2x80x64xf32, #tpu.memory_space<vmem>>, vector<16xf32>,
        %parallel_loop3A_389 = vector.bitcast %parallel_loop3A_388 : vector<16xf32> to vector<32xbf16>
        %parallel_loop3A_390 = tpu.unpack_subelements %parallel_loop3A_389, 0 {pack_format = #tpu.pack_format<interleaved>} : vector<32xbf16> -> vector<16xf32>
        %parallel_loop3A_391 = tpu.unpack_subelements %parallel_loop3A_389, 1 {pack_format = #tpu.pack_format<interleaved>} : vector<32xbf16> -> vector<16xf32>
        %parallel_loop3A_392 = arith.index_cast %select_n3A_289 : i32 to index
        %parallel_loop3A_393 = arith.index_cast %parallel_loop3A_384 : i32 to index
        %parallel_loop3A_394 = arith.constant 0 : index
        %parallel_loop3A_395 = tpu.vector_load %arg8[%parallel_loop3A_392, %parallel_loop3A_393, %parallel_loop3A_394] {strides = array<i32>} : memref<3x80x128xf32, #tpu.memory_space<vmem>>, vector<16xf32>,
        %parallel_loop3A_396 = arith.addf %parallel_loop3A_390, %parallel_loop3A_395 : vector<16xf32>
        %parallel_loop3A_397 = arith.constant 0.000000e+00 : f32
        %parallel_loop3A_398 = vector.broadcast %parallel_loop3A_397 : f32 to vector<16xf32>
        %parallel_loop3A_399 = arith.maximumf %parallel_loop3A_396, %parallel_loop3A_398 : vector<16xf32>
        %parallel_loop3A_400 = arith.index_cast %select_n3A_289 : i32 to index
        %parallel_loop3A_401 = arith.index_cast %parallel_loop3A_384 : i32 to index
        %parallel_loop3A_402 = arith.constant 0 : index
        %parallel_loop3A_403 = tpu.vector_load %arg8[%parallel_loop3A_400, %parallel_loop3A_401, %parallel_loop3A_402] {strides = array<i32>} : memref<3x80x128xf32, #tpu.memory_space<vmem>>, vector<16xf32>,
        tpu.vector_store %arg8[%parallel_loop3A_400, %parallel_loop3A_401, %parallel_loop3A_402], %parallel_loop3A_399 {strides = array<i32>} : memref<3x80x128xf32, #tpu.memory_space<vmem>>, vector<16xf32>,
        %parallel_loop3A_404 = arith.index_cast %select_n3A_289 : i32 to index
        %parallel_loop3A_405 = arith.index_cast %parallel_loop3A_384 : i32 to index
        %parallel_loop3A_406 = arith.constant 16 : index
        %parallel_loop3A_407 = tpu.vector_load %arg8[%parallel_loop3A_404, %parallel_loop3A_405, %parallel_loop3A_406] {strides = array<i32>} : memref<3x80x128xf32, #tpu.memory_space<vmem>>, vector<16xf32>,
        %parallel_loop3A_408 = arith.addf %parallel_loop3A_391, %parallel_loop3A_407 : vector<16xf32>
        %parallel_loop3A_409 = arith.constant 0.000000e+00 : f32
        %parallel_loop3A_410 = vector.broadcast %parallel_loop3A_409 : f32 to vector<16xf32>
        %parallel_loop3A_411 = arith.maximumf %parallel_loop3A_408, %parallel_loop3A_410 : vector<16xf32>
        %parallel_loop3A_412 = arith.index_cast %select_n3A_289 : i32 to index
        %parallel_loop3A_413 = arith.index_cast %parallel_loop3A_384 : i32 to index
        %parallel_loop3A_414 = arith.constant 16 : index
        %parallel_loop3A_415 = tpu.vector_load %arg8[%parallel_loop3A_412, %parallel_loop3A_413, %parallel_loop3A_414] {strides = array<i32>} : memref<3x80x128xf32, #tpu.memory_space<vmem>>, vector<16xf32>,
        tpu.vector_store %arg8[%parallel_loop3A_412, %parallel_loop3A_413, %parallel_loop3A_414], %parallel_loop3A_411 {strides = array<i32>} : memref<3x80x128xf32, #tpu.memory_space<vmem>>, vector<16xf32>,
        %parallel_loop3A_416 = arith.index_cast %select_n3A_255 : i32 to index
        %parallel_loop3A_417 = arith.index_cast %parallel_loop3A_384 : i32 to index
        %parallel_loop3A_418 = arith.constant 16 : index
        %parallel_loop3A_419 = tpu.vector_load %arg7[%parallel_loop3A_416, %parallel_loop3A_417, %parallel_loop3A_418] {strides = array<i32>} : memref<2x80x64xf32, #tpu.memory_space<vmem>>, vector<16xf32>,
        %parallel_loop3A_420 = vector.bitcast %parallel_loop3A_419 : vector<16xf32> to vector<32xbf16>
        %parallel_loop3A_421 = tpu.unpack_subelements %parallel_loop3A_420, 0 {pack_format = #tpu.pack_format<interleaved>} : vector<32xbf16> -> vector<16xf32>
        %parallel_loop3A_422 = tpu.unpack_subelements %parallel_loop3A_420, 1 {pack_format = #tpu.pack_format<interleaved>} : vector<32xbf16> -> vector<16xf32>
        %parallel_loop3A_423 = arith.index_cast %select_n3A_289 : i32 to index
        %parallel_loop3A_424 = arith.index_cast %parallel_loop3A_384 : i32 to index
        %parallel_loop3A_425 = arith.constant 32 : index
        %parallel_loop3A_426 = tpu.vector_load %arg8[%parallel_loop3A_423, %parallel_loop3A_424, %parallel_loop3A_425] {strides = array<i32>} : memref<3x80x128xf32, #tpu.memory_space<vmem>>, vector<16xf32>,
        %parallel_loop3A_427 = arith.addf %parallel_loop3A_421, %parallel_loop3A_426 : vector<16xf32>
        %parallel_loop3A_428 = arith.constant 0.000000e+00 : f32
        %parallel_loop3A_429 = vector.broadcast %parallel_loop3A_428 : f32 to vector<16xf32>
        %parallel_loop3A_430 = arith.maximumf %parallel_loop3A_427, %parallel_loop3A_429 : vector<16xf32>
        %parallel_loop3A_431 = arith.index_cast %select_n3A_289 : i32 to index
        %parallel_loop3A_432 = arith.index_cast %parallel_loop3A_384 : i32 to index
        %parallel_loop3A_433 = arith.constant 32 : index
        %parallel_loop3A_434 = tpu.vector_load %arg8[%parallel_loop3A_431, %parallel_loop3A_432, %parallel_loop3A_433] {strides = array<i32>} : memref<3x80x128xf32, #tpu.memory_space<vmem>>, vector<16xf32>,
        tpu.vector_store %arg8[%parallel_loop3A_431, %parallel_loop3A_432, %parallel_loop3A_433], %parallel_loop3A_430 {strides = array<i32>} : memref<3x80x128xf32, #tpu.memory_space<vmem>>, vector<16xf32>,
        %parallel_loop3A_435 = arith.index_cast %select_n3A_289 : i32 to index
        %parallel_loop3A_436 = arith.index_cast %parallel_loop3A_384 : i32 to index
        %parallel_loop3A_437 = arith.constant 48 : index
        %parallel_loop3A_438 = tpu.vector_load %arg8[%parallel_loop3A_435, %parallel_loop3A_436, %parallel_loop3A_437] {strides = array<i32>} : memref<3x80x128xf32, #tpu.memory_space<vmem>>, vector<16xf32>,
        %parallel_loop3A_439 = arith.addf %parallel_loop3A_422, %parallel_loop3A_438 : vector<16xf32>
        %parallel_loop3A_440 = arith.constant 0.000000e+00 : f32
        %parallel_loop3A_441 = vector.broadcast %parallel_loop3A_440 : f32 to vector<16xf32>
        %parallel_loop3A_442 = arith.maximumf %parallel_loop3A_439, %parallel_loop3A_441 : vector<16xf32>
        %parallel_loop3A_443 = arith.index_cast %select_n3A_289 : i32 to index
        %parallel_loop3A_444 = arith.index_cast %parallel_loop3A_384 : i32 to index
        %parallel_loop3A_445 = arith.constant 48 : index
        %parallel_loop3A_446 = tpu.vector_load %arg8[%parallel_loop3A_443, %parallel_loop3A_444, %parallel_loop3A_445] {strides = array<i32>} : memref<3x80x128xf32, #tpu.memory_space<vmem>>, vector<16xf32>,
        tpu.vector_store %arg8[%parallel_loop3A_443, %parallel_loop3A_444, %parallel_loop3A_445], %parallel_loop3A_442 {strides = array<i32>} : memref<3x80x128xf32, #tpu.memory_space<vmem>>, vector<16xf32>,
        %parallel_loop3A_447 = arith.index_cast %select_n3A_255 : i32 to index
        %parallel_loop3A_448 = arith.index_cast %parallel_loop3A_384 : i32 to index
        %parallel_loop3A_449 = arith.constant 32 : index
        %parallel_loop3A_450 = tpu.vector_load %arg7[%parallel_loop3A_447, %parallel_loop3A_448, %parallel_loop3A_449] {strides = array<i32>} : memref<2x80x64xf32, #tpu.memory_space<vmem>>, vector<16xf32>,
        %parallel_loop3A_451 = vector.bitcast %parallel_loop3A_450 : vector<16xf32> to vector<32xbf16>
        %parallel_loop3A_452 = tpu.unpack_subelements %parallel_loop3A_451, 0 {pack_format = #tpu.pack_format<interleaved>} : vector<32xbf16> -> vector<16xf32>
        %parallel_loop3A_453 = tpu.unpack_subelements %parallel_loop3A_451, 1 {pack_format = #tpu.pack_format<interleaved>} : vector<32xbf16> -> vector<16xf32>
        %parallel_loop3A_454 = arith.index_cast %select_n3A_289 : i32 to index
        %parallel_loop3A_455 = arith.index_cast %parallel_loop3A_384 : i32 to index
        %parallel_loop3A_456 = arith.constant 64 : index
        %parallel_loop3A_457 = tpu.vector_load %arg8[%parallel_loop3A_454, %parallel_loop3A_455, %parallel_loop3A_456] {strides = array<i32>} : memref<3x80x128xf32, #tpu.memory_space<vmem>>, vector<16xf32>,
        %parallel_loop3A_458 = arith.addf %parallel_loop3A_452, %parallel_loop3A_457 : vector<16xf32>
        %parallel_loop3A_459 = arith.constant 0.000000e+00 : f32
        %parallel_loop3A_460 = vector.broadcast %parallel_loop3A_459 : f32 to vector<16xf32>
        %parallel_loop3A_461 = arith.maximumf %parallel_loop3A_458, %parallel_loop3A_460 : vector<16xf32>
        %parallel_loop3A_462 = arith.index_cast %select_n3A_289 : i32 to index
        %parallel_loop3A_463 = arith.index_cast %parallel_loop3A_384 : i32 to index
        %parallel_loop3A_464 = arith.constant 64 : index
        %parallel_loop3A_465 = tpu.vector_load %arg8[%parallel_loop3A_462, %parallel_loop3A_463, %parallel_loop3A_464] {strides = array<i32>} : memref<3x80x128xf32, #tpu.memory_space<vmem>>, vector<16xf32>,
        tpu.vector_store %arg8[%parallel_loop3A_462, %parallel_loop3A_463, %parallel_loop3A_464], %parallel_loop3A_461 {strides = array<i32>} : memref<3x80x128xf32, #tpu.memory_space<vmem>>, vector<16xf32>,
        %parallel_loop3A_466 = arith.index_cast %select_n3A_289 : i32 to index
        %parallel_loop3A_467 = arith.index_cast %parallel_loop3A_384 : i32 to index
        %parallel_loop3A_468 = arith.constant 80 : index
        %parallel_loop3A_469 = tpu.vector_load %arg8[%parallel_loop3A_466, %parallel_loop3A_467, %parallel_loop3A_468] {strides = array<i32>} : memref<3x80x128xf32, #tpu.memory_space<vmem>>, vector<16xf32>,
        %parallel_loop3A_470 = arith.addf %parallel_loop3A_453, %parallel_loop3A_469 : vector<16xf32>
        %parallel_loop3A_471 = arith.constant 0.000000e+00 : f32
        %parallel_loop3A_472 = vector.broadcast %parallel_loop3A_471 : f32 to vector<16xf32>
        %parallel_loop3A_473 = arith.maximumf %parallel_loop3A_470, %parallel_loop3A_472 : vector<16xf32>
        %parallel_loop3A_474 = arith.index_cast %select_n3A_289 : i32 to index
        %parallel_loop3A_475 = arith.index_cast %parallel_loop3A_384 : i32 to index
        %parallel_loop3A_476 = arith.constant 80 : index
        %parallel_loop3A_477 = tpu.vector_load %arg8[%parallel_loop3A_474, %parallel_loop3A_475, %parallel_loop3A_476] {strides = array<i32>} : memref<3x80x128xf32, #tpu.memory_space<vmem>>, vector<16xf32>,
        tpu.vector_store %arg8[%parallel_loop3A_474, %parallel_loop3A_475, %parallel_loop3A_476], %parallel_loop3A_473 {strides = array<i32>} : memref<3x80x128xf32, #tpu.memory_space<vmem>>, vector<16xf32>,
        %parallel_loop3A_478 = arith.index_cast %select_n3A_255 : i32 to index
        %parallel_loop3A_479 = arith.index_cast %parallel_loop3A_384 : i32 to index
        %parallel_loop3A_480 = arith.constant 48 : index
        %parallel_loop3A_481 = tpu.vector_load %arg7[%parallel_loop3A_478, %parallel_loop3A_479, %parallel_loop3A_480] {strides = array<i32>} : memref<2x80x64xf32, #tpu.memory_space<vmem>>, vector<16xf32>,
        %parallel_loop3A_482 = vector.bitcast %parallel_loop3A_481 : vector<16xf32> to vector<32xbf16>
        %parallel_loop3A_483 = tpu.unpack_subelements %parallel_loop3A_482, 0 {pack_format = #tpu.pack_format<interleaved>} : vector<32xbf16> -> vector<16xf32>
        %parallel_loop3A_484 = tpu.unpack_subelements %parallel_loop3A_482, 1 {pack_format = #tpu.pack_format<interleaved>} : vector<32xbf16> -> vector<16xf32>
        %parallel_loop3A_485 = arith.index_cast %select_n3A_289 : i32 to index
        %parallel_loop3A_486 = arith.index_cast %parallel_loop3A_384 : i32 to index
        %parallel_loop3A_487 = arith.constant 96 : index
        %parallel_loop3A_488 = tpu.vector_load %arg8[%parallel_loop3A_485, %parallel_loop3A_486, %parallel_loop3A_487] {strides = array<i32>} : memref<3x80x128xf32, #tpu.memory_space<vmem>>, vector<16xf32>,
        %parallel_loop3A_489 = arith.addf %parallel_loop3A_483, %parallel_loop3A_488 : vector<16xf32>
        %parallel_loop3A_490 = arith.constant 0.000000e+00 : f32
        %parallel_loop3A_491 = vector.broadcast %parallel_loop3A_490 : f32 to vector<16xf32>
        %parallel_loop3A_492 = arith.maximumf %parallel_loop3A_489, %parallel_loop3A_491 : vector<16xf32>
        %parallel_loop3A_493 = arith.index_cast %select_n3A_289 : i32 to index
        %parallel_loop3A_494 = arith.index_cast %parallel_loop3A_384 : i32 to index
        %parallel_loop3A_495 = arith.constant 96 : index
        %parallel_loop3A_496 = tpu.vector_load %arg8[%parallel_loop3A_493, %parallel_loop3A_494, %parallel_loop3A_495] {strides = array<i32>} : memref<3x80x128xf32, #tpu.memory_space<vmem>>, vector<16xf32>,
        tpu.vector_store %arg8[%parallel_loop3A_493, %parallel_loop3A_494, %parallel_loop3A_495], %parallel_loop3A_492 {strides = array<i32>} : memref<3x80x128xf32, #tpu.memory_space<vmem>>, vector<16xf32>,
        %parallel_loop3A_497 = arith.index_cast %select_n3A_289 : i32 to index
        %parallel_loop3A_498 = arith.index_cast %parallel_loop3A_384 : i32 to index
        %parallel_loop3A_499 = arith.constant 112 : index
        %parallel_loop3A_500 = tpu.vector_load %arg8[%parallel_loop3A_497, %parallel_loop3A_498, %parallel_loop3A_499] {strides = array<i32>} : memref<3x80x128xf32, #tpu.memory_space<vmem>>, vector<16xf32>,
        %parallel_loop3A_501 = arith.addf %parallel_loop3A_484, %parallel_loop3A_500 : vector<16xf32>
        %parallel_loop3A_502 = arith.constant 0.000000e+00 : f32
        %parallel_loop3A_503 = vector.broadcast %parallel_loop3A_502 : f32 to vector<16xf32>
        %parallel_loop3A_504 = arith.maximumf %parallel_loop3A_501, %parallel_loop3A_503 : vector<16xf32>
        %parallel_loop3A_505 = arith.index_cast %select_n3A_289 : i32 to index
        %parallel_loop3A_506 = arith.index_cast %parallel_loop3A_384 : i32 to index
        %parallel_loop3A_507 = arith.constant 112 : index
        %parallel_loop3A_508 = tpu.vector_load %arg8[%parallel_loop3A_505, %parallel_loop3A_506, %parallel_loop3A_507] {strides = array<i32>} : memref<3x80x128xf32, #tpu.memory_space<vmem>>, vector<16xf32>,
        tpu.vector_store %arg8[%parallel_loop3A_505, %parallel_loop3A_506, %parallel_loop3A_507], %parallel_loop3A_504 {strides = array<i32>} : memref<3x80x128xf32, #tpu.memory_space<vmem>>, vector<16xf32>,
      } {sc.loop_unroll_factor = 8 : i64, sc.parallel_access}
      %jit3A_355 = arith.constant 4 : i32
      %eq3A_356 = arith.constant 0 : i32
      %eq3A_357 = arith.cmpi eq, %jit3A_355, %eq3A_356 : i32
      %jit3A_358 = arith.constant 1 : i32
      %select_n3A_359 = arith.select %eq3A_357, %jit3A_358, %jit3A_355 : i32
      %rem3A_360 = arith.remsi %scan3A_245, %select_n3A_359 : i32
      %ne3A_361 = arith.constant 0 : i32
      %ne3A_362 = arith.cmpi ne, %rem3A_360, %ne3A_361 : i32
      %lt3A_363 = arith.constant 0 : i32
      %lt3A_364 = arith.cmpi slt, %rem3A_360, %lt3A_363 : i32
      %lt3A_365 = arith.constant 0 : i32
      %lt3A_366 = arith.cmpi slt, %select_n3A_359, %lt3A_365 : i32
      %ne3A_367 = arith.xori %lt3A_364, %lt3A_366 : i1
      %and3A_368 = arith.andi %ne3A_367, %ne3A_362 : i1
      %add3A_369 = arith.addi %rem3A_360, %select_n3A_359 : i32
      %select_n3A_370 = arith.select %and3A_368, %add3A_369, %rem3A_360 : i32
      %dma_start3A_371 = arith.constant 0 : i32
      %dma_start3A_372 = arith.constant 0 : i32
      %dma_start3A_373 = tpu.memref_slice %arg8[%select_n3A_289, %dma_start3A_371, %dma_start3A_372] : memref<3x80x128xf32, #tpu.memory_space<vmem>> -> memref<1x80x128xf32, #tpu.memory_space<vmem>>
      %dma_start3A_374 = tpu.memref_squeeze %dma_start3A_373 : memref<1x80x128xf32, #tpu.memory_space<vmem>> -> memref<80x128xf32, #tpu.memory_space<vmem>>
      %dma_start3A_375 = arith.constant 0 : i32
      %dma_start3A_376 = tpu.memref_slice %arg10[%select_n3A_370, %dma_start3A_375] : memref<4x80xi32, #tpu.memory_space<vmem>> -> memref<1x80xi32, #tpu.memory_space<vmem>>
      %dma_start3A_377 = tpu.memref_squeeze %dma_start3A_376 : memref<1x80xi32, #tpu.memory_space<vmem>> -> memref<80xi32, #tpu.memory_space<vmem>>
      %dma_start3A_378 = arith.constant 0 : i32
      %dma_start3A_379 = arith.constant 0 : i32
      %dma_start3A_380 = tpu.memref_slice %arg11[%dma_start3A_378, %dma_start3A_379] : memref<10240x128xf32, #tpu.memory_space<vmem_shared>> -> memref<10240x128xf32, #tpu.memory_space<vmem_shared>>
      %dma_start3A_381 = tpu.memref_slice %arg16[%select_n3A_289] : memref<3x!tpu.dma_semaphore, #tpu.memory_space<semaphore_mem>> -> memref<1x!tpu.dma_semaphore, #tpu.memory_space<semaphore_mem>>
      %dma_start3A_382 = tpu.memref_squeeze %dma_start3A_381 : memref<1x!tpu.dma_semaphore, #tpu.memory_space<semaphore_mem>> -> memref<!tpu.dma_semaphore, #tpu.memory_space<semaphore_mem>>
      tpu.enqueue_indirect_dma source(%dma_start3A_374 : memref<80x128xf32, #tpu.memory_space<vmem>>) target(%dma_start3A_380 : memref<10240x128xf32, #tpu.memory_space<vmem_shared>>) offsets(%dma_start3A_377 : memref<80xi32, #tpu.memory_space<vmem>>) semaphore(%dma_start3A_382 : memref<!tpu.dma_semaphore, #tpu.memory_space<semaphore_mem>>) {add = true}
      %scan3A_383 = arith.constant 0 : i32
      scf.yield %scan3A_383 : i32
    }
    %scan3A_183 = arith.constant 125 : i32
    %dma_wait3A_184 = arith.constant 0 : i32
    %dma_wait3A_185 = arith.constant 3 : i32
    %dma_wait3A_186 = arith.constant 0 : i32
    %dma_wait3A_187 = arith.constant 0 : i32
    %dma_wait3A_188 = arith.constant 0 : i32
    %dma_wait3A_189 = tpu.memref_slice %arg8[%dma_wait3A_184, %dma_wait3A_187, %dma_wait3A_188] : memref<3x80x128xf32, #tpu.memory_space<vmem>> -> memref<1x80x128xf32, #tpu.memory_space<vmem>>
    %dma_wait3A_190 = tpu.memref_squeeze %dma_wait3A_189 : memref<1x80x128xf32, #tpu.memory_space<vmem>> -> memref<80x128xf32, #tpu.memory_space<vmem>>
    %dma_wait3A_191 = arith.constant 0 : i32
    %dma_wait3A_192 = tpu.memref_slice %arg10[%dma_wait3A_185, %dma_wait3A_191] : memref<4x80xi32, #tpu.memory_space<vmem>> -> memref<1x80xi32, #tpu.memory_space<vmem>>
    %dma_wait3A_193 = tpu.memref_squeeze %dma_wait3A_192 : memref<1x80xi32, #tpu.memory_space<vmem>> -> memref<80xi32, #tpu.memory_space<vmem>>
    %dma_wait3A_194 = arith.constant 0 : i32
    %dma_wait3A_195 = arith.constant 0 : i32
    %dma_wait3A_196 = tpu.memref_slice %arg11[%dma_wait3A_194, %dma_wait3A_195] : memref<10240x128xf32, #tpu.memory_space<vmem_shared>> -> memref<10240x128xf32, #tpu.memory_space<vmem_shared>>
    %dma_wait3A_197 = tpu.memref_slice %arg16[%dma_wait3A_186] : memref<3x!tpu.dma_semaphore, #tpu.memory_space<semaphore_mem>> -> memref<1x!tpu.dma_semaphore, #tpu.memory_space<semaphore_mem>>
    %dma_wait3A_198 = tpu.memref_squeeze %dma_wait3A_197 : memref<1x!tpu.dma_semaphore, #tpu.memory_space<semaphore_mem>> -> memref<!tpu.dma_semaphore, #tpu.memory_space<semaphore_mem>>
    tpu.wait_indirect_dma semaphore(%dma_wait3A_198 : memref<!tpu.dma_semaphore, #tpu.memory_space<semaphore_mem>>) src(%dma_wait3A_190 : memref<80x128xf32, #tpu.memory_space<vmem>>) dst(%dma_wait3A_196 : memref<10240x128xf32, #tpu.memory_space<vmem_shared>>)
    %dma_wait3A_199 = arith.constant 1 : i32
    %dma_wait3A_200 = arith.constant 0 : i32
    %dma_wait3A_201 = arith.constant 1 : i32
    %dma_wait3A_202 = arith.constant 0 : i32
    %dma_wait3A_203 = arith.constant 0 : i32
    %dma_wait3A_204 = tpu.memref_slice %arg8[%dma_wait3A_199, %dma_wait3A_202, %dma_wait3A_203] : memref<3x80x128xf32, #tpu.memory_space<vmem>> -> memref<1x80x128xf32, #tpu.memory_space<vmem>>
    %dma_wait3A_205 = tpu.memref_squeeze %dma_wait3A_204 : memref<1x80x128xf32, #tpu.memory_space<vmem>> -> memref<80x128xf32, #tpu.memory_space<vmem>>
    %dma_wait3A_206 = arith.constant 0 : i32
    %dma_wait3A_207 = tpu.memref_slice %arg10[%dma_wait3A_200, %dma_wait3A_206] : memref<4x80xi32, #tpu.memory_space<vmem>> -> memref<1x80xi32, #tpu.memory_space<vmem>>
    %dma_wait3A_208 = tpu.memref_squeeze %dma_wait3A_207 : memref<1x80xi32, #tpu.memory_space<vmem>> -> memref<80xi32, #tpu.memory_space<vmem>>
    %dma_wait3A_209 = arith.constant 0 : i32
    %dma_wait3A_210 = arith.constant 0 : i32
    %dma_wait3A_211 = tpu.memref_slice %arg11[%dma_wait3A_209, %dma_wait3A_210] : memref<10240x128xf32, #tpu.memory_space<vmem_shared>> -> memref<10240x128xf32, #tpu.memory_space<vmem_shared>>
    %dma_wait3A_212 = tpu.memref_slice %arg16[%dma_wait3A_201] : memref<3x!tpu.dma_semaphore, #tpu.memory_space<semaphore_mem>> -> memref<1x!tpu.dma_semaphore, #tpu.memory_space<semaphore_mem>>
    %dma_wait3A_213 = tpu.memref_squeeze %dma_wait3A_212 : memref<1x!tpu.dma_semaphore, #tpu.memory_space<semaphore_mem>> -> memref<!tpu.dma_semaphore, #tpu.memory_space<semaphore_mem>>
    tpu.wait_indirect_dma semaphore(%dma_wait3A_213 : memref<!tpu.dma_semaphore, #tpu.memory_space<semaphore_mem>>) src(%dma_wait3A_205 : memref<80x128xf32, #tpu.memory_space<vmem>>) dst(%dma_wait3A_211 : memref<10240x128xf32, #tpu.memory_space<vmem_shared>>)
    %barrier3A_214 = arith.constant 0 : index
    tpu.barrier barrier_id(%barrier3A_214)
    %mul3A_215 = arith.constant 5 : i32
    %mul3A_216 = arith.muli %arg1, %mul3A_215 : i32
    %add3A_217 = arith.constant 0 : i32
    %add3A_218 = arith.addi %mul3A_216, %add3A_217 : i32
    %mul3A_219 = arith.constant 128 : i32
    %mul3A_220 = arith.muli %add3A_218, %mul3A_219 : i32
    "tpu.region"() ({
      %run_scoped3A_245 = tpu.sem_alloc : memref<!tpu.dma_semaphore, #tpu.memory_space<semaphore_mem>>
      %dma_start3A_246 = arith.constant 0 : i32
      %dma_start3A_247 = tpu.memref_slice %arg6[%arg0, %mul3A_220, %dma_start3A_246] : memref<2x10240x128xf32, #tpu.memory_space<hbm>> -> memref<1x128x128xf32, #tpu.memory_space<hbm>>
      %dma_start3A_248 = tpu.memref_squeeze %dma_start3A_247 : memref<1x128x128xf32, #tpu.memory_space<hbm>> -> memref<128x128xf32, #tpu.memory_space<hbm>>
      %dma_start3A_249 = arith.constant 0 : i32
      %dma_start3A_250 = tpu.memref_slice %arg11[%mul3A_220, %dma_start3A_249] : memref<10240x128xf32, #tpu.memory_space<vmem_shared>> -> memref<128x128xf32, #tpu.memory_space<vmem_shared>>
      tpu.enqueue_dma source(%dma_start3A_250 : memref<128x128xf32, #tpu.memory_space<vmem_shared>>) target(%dma_start3A_248 : memref<128x128xf32, #tpu.memory_space<hbm>>) target_semaphore(%run_scoped3A_245 : memref<!tpu.dma_semaphore, #tpu.memory_space<semaphore_mem>>)
      %dma_wait3A_251 = arith.constant 0 : i32
      %dma_wait3A_252 = tpu.memref_slice %arg6[%arg0, %mul3A_220, %dma_wait3A_251] : memref<2x10240x128xf32, #tpu.memory_space<hbm>> -> memref<1x128x128xf32, #tpu.memory_space<hbm>>
      %dma_wait3A_253 = tpu.memref_squeeze %dma_wait3A_252 : memref<1x128x128xf32, #tpu.memory_space<hbm>> -> memref<128x128xf32, #tpu.memory_space<hbm>>
      %dma_wait3A_254 = arith.constant 0 : i32
      %dma_wait3A_255 = tpu.memref_slice %arg11[%mul3A_220, %dma_wait3A_254] : memref<10240x128xf32, #tpu.memory_space<vmem_shared>> -> memref<128x128xf32, #tpu.memory_space<vmem_shared>>
      tpu.wait_dma2 semaphore(%run_scoped3A_245 : memref<!tpu.dma_semaphore, #tpu.memory_space<semaphore_mem>>) src(%dma_wait3A_255 : memref<128x128xf32, #tpu.memory_space<vmem_shared>>) dst(%dma_wait3A_253 : memref<128x128xf32, #tpu.memory_space<hbm>>)
      tpu.yield
    }) : () -> ()
    %mul3A_221 = arith.constant 5 : i32
    %mul3A_222 = arith.muli %arg1, %mul3A_221 : i32
    %add3A_223 = arith.constant 1 : i32
    %add3A_224 = arith.addi %mul3A_222, %add3A_223 : i32
    %mul3A_225 = arith.constant 128 : i32
    %mul3A_226 = arith.muli %add3A_224, %mul3A_225 : i32
    "tpu.region"() ({
      %run_scoped3A_245 = tpu.sem_alloc : memref<!tpu.dma_semaphore, #tpu.memory_space<semaphore_mem>>
      %dma_start3A_246 = arith.constant 0 : i32
      %dma_start3A_247 = tpu.memref_slice %arg6[%arg0, %mul3A_226, %dma_start3A_246] : memref<2x10240x128xf32, #tpu.memory_space<hbm>> -> memref<1x128x128xf32, #tpu.memory_space<hbm>>
      %dma_start3A_248 = tpu.memref_squeeze %dma_start3A_247 : memref<1x128x128xf32, #tpu.memory_space<hbm>> -> memref<128x128xf32, #tpu.memory_space<hbm>>
      %dma_start3A_249 = arith.constant 0 : i32
      %dma_start3A_250 = tpu.memref_slice %arg11[%mul3A_226, %dma_start3A_249] : memref<10240x128xf32, #tpu.memory_space<vmem_shared>> -> memref<128x128xf32, #tpu.memory_space<vmem_shared>>
      tpu.enqueue_dma source(%dma_start3A_250 : memref<128x128xf32, #tpu.memory_space<vmem_shared>>) target(%dma_start3A_248 : memref<128x128xf32, #tpu.memory_space<hbm>>) target_semaphore(%run_scoped3A_245 : memref<!tpu.dma_semaphore, #tpu.memory_space<semaphore_mem>>)
      %dma_wait3A_251 = arith.constant 0 : i32
      %dma_wait3A_252 = tpu.memref_slice %arg6[%arg0, %mul3A_226, %dma_wait3A_251] : memref<2x10240x128xf32, #tpu.memory_space<hbm>> -> memref<1x128x128xf32, #tpu.memory_space<hbm>>
      %dma_wait3A_253 = tpu.memref_squeeze %dma_wait3A_252 : memref<1x128x128xf32, #tpu.memory_space<hbm>> -> memref<128x128xf32, #tpu.memory_space<hbm>>
      %dma_wait3A_254 = arith.constant 0 : i32
      %dma_wait3A_255 = tpu.memref_slice %arg11[%mul3A_226, %dma_wait3A_254] : memref<10240x128xf32, #tpu.memory_space<vmem_shared>> -> memref<128x128xf32, #tpu.memory_space<vmem_shared>>
      tpu.wait_dma2 semaphore(%run_scoped3A_245 : memref<!tpu.dma_semaphore, #tpu.memory_space<semaphore_mem>>) src(%dma_wait3A_255 : memref<128x128xf32, #tpu.memory_space<vmem_shared>>) dst(%dma_wait3A_253 : memref<128x128xf32, #tpu.memory_space<hbm>>)
      tpu.yield
    }) : () -> ()
    %mul3A_227 = arith.constant 5 : i32
    %mul3A_228 = arith.muli %arg1, %mul3A_227 : i32
    %add3A_229 = arith.constant 2 : i32
    %add3A_230 = arith.addi %mul3A_228, %add3A_229 : i32
    %mul3A_231 = arith.constant 128 : i32
    %mul3A_232 = arith.muli %add3A_230, %mul3A_231 : i32
    "tpu.region"() ({
      %run_scoped3A_245 = tpu.sem_alloc : memref<!tpu.dma_semaphore, #tpu.memory_space<semaphore_mem>>
      %dma_start3A_246 = arith.constant 0 : i32
      %dma_start3A_247 = tpu.memref_slice %arg6[%arg0, %mul3A_232, %dma_start3A_246] : memref<2x10240x128xf32, #tpu.memory_space<hbm>> -> memref<1x128x128xf32, #tpu.memory_space<hbm>>
      %dma_start3A_248 = tpu.memref_squeeze %dma_start3A_247 : memref<1x128x128xf32, #tpu.memory_space<hbm>> -> memref<128x128xf32, #tpu.memory_space<hbm>>
      %dma_start3A_249 = arith.constant 0 : i32
      %dma_start3A_250 = tpu.memref_slice %arg11[%mul3A_232, %dma_start3A_249] : memref<10240x128xf32, #tpu.memory_space<vmem_shared>> -> memref<128x128xf32, #tpu.memory_space<vmem_shared>>
      tpu.enqueue_dma source(%dma_start3A_250 : memref<128x128xf32, #tpu.memory_space<vmem_shared>>) target(%dma_start3A_248 : memref<128x128xf32, #tpu.memory_space<hbm>>) target_semaphore(%run_scoped3A_245 : memref<!tpu.dma_semaphore, #tpu.memory_space<semaphore_mem>>)
      %dma_wait3A_251 = arith.constant 0 : i32
      %dma_wait3A_252 = tpu.memref_slice %arg6[%arg0, %mul3A_232, %dma_wait3A_251] : memref<2x10240x128xf32, #tpu.memory_space<hbm>> -> memref<1x128x128xf32, #tpu.memory_space<hbm>>
      %dma_wait3A_253 = tpu.memref_squeeze %dma_wait3A_252 : memref<1x128x128xf32, #tpu.memory_space<hbm>> -> memref<128x128xf32, #tpu.memory_space<hbm>>
      %dma_wait3A_254 = arith.constant 0 : i32
      %dma_wait3A_255 = tpu.memref_slice %arg11[%mul3A_232, %dma_wait3A_254] : memref<10240x128xf32, #tpu.memory_space<vmem_shared>> -> memref<128x128xf32, #tpu.memory_space<vmem_shared>>
      tpu.wait_dma2 semaphore(%run_scoped3A_245 : memref<!tpu.dma_semaphore, #tpu.memory_space<semaphore_mem>>) src(%dma_wait3A_255 : memref<128x128xf32, #tpu.memory_space<vmem_shared>>) dst(%dma_wait3A_253 : memref<128x128xf32, #tpu.memory_space<hbm>>)
      tpu.yield
    }) : () -> ()
    %mul3A_233 = arith.constant 5 : i32
    %mul3A_234 = arith.muli %arg1, %mul3A_233 : i32
    %add3A_235 = arith.constant 3 : i32
    %add3A_236 = arith.addi %mul3A_234, %add3A_235 : i32
    %mul3A_237 = arith.constant 128 : i32
    %mul3A_238 = arith.muli %add3A_236, %mul3A_237 : i32
    "tpu.region"() ({
      %run_scoped3A_245 = tpu.sem_alloc : memref<!tpu.dma_semaphore, #tpu.memory_space<semaphore_mem>>
      %dma_start3A_246 = arith.constant 0 : i32
      %dma_start3A_247 = tpu.memref_slice %arg6[%arg0, %mul3A_238, %dma_start3A_246] : memref<2x10240x128xf32, #tpu.memory_space<hbm>> -> memref<1x128x128xf32, #tpu.memory_space<hbm>>
      %dma_start3A_248 = tpu.memref_squeeze %dma_start3A_247 : memref<1x128x128xf32, #tpu.memory_space<hbm>> -> memref<128x128xf32, #tpu.memory_space<hbm>>
      %dma_start3A_249 = arith.constant 0 : i32
      %dma_start3A_250 = tpu.memref_slice %arg11[%mul3A_238, %dma_start3A_249] : memref<10240x128xf32, #tpu.memory_space<vmem_shared>> -> memref<128x128xf32, #tpu.memory_space<vmem_shared>>
      tpu.enqueue_dma source(%dma_start3A_250 : memref<128x128xf32, #tpu.memory_space<vmem_shared>>) target(%dma_start3A_248 : memref<128x128xf32, #tpu.memory_space<hbm>>) target_semaphore(%run_scoped3A_245 : memref<!tpu.dma_semaphore, #tpu.memory_space<semaphore_mem>>)
      %dma_wait3A_251 = arith.constant 0 : i32
      %dma_wait3A_252 = tpu.memref_slice %arg6[%arg0, %mul3A_238, %dma_wait3A_251] : memref<2x10240x128xf32, #tpu.memory_space<hbm>> -> memref<1x128x128xf32, #tpu.memory_space<hbm>>
      %dma_wait3A_253 = tpu.memref_squeeze %dma_wait3A_252 : memref<1x128x128xf32, #tpu.memory_space<hbm>> -> memref<128x128xf32, #tpu.memory_space<hbm>>
      %dma_wait3A_254 = arith.constant 0 : i32
      %dma_wait3A_255 = tpu.memref_slice %arg11[%mul3A_238, %dma_wait3A_254] : memref<10240x128xf32, #tpu.memory_space<vmem_shared>> -> memref<128x128xf32, #tpu.memory_space<vmem_shared>>
      tpu.wait_dma2 semaphore(%run_scoped3A_245 : memref<!tpu.dma_semaphore, #tpu.memory_space<semaphore_mem>>) src(%dma_wait3A_255 : memref<128x128xf32, #tpu.memory_space<vmem_shared>>) dst(%dma_wait3A_253 : memref<128x128xf32, #tpu.memory_space<hbm>>)
      tpu.yield
    }) : () -> ()
    %mul3A_239 = arith.constant 5 : i32
    %mul3A_240 = arith.muli %arg1, %mul3A_239 : i32
    %add3A_241 = arith.constant 4 : i32
    %add3A_242 = arith.addi %mul3A_240, %add3A_241 : i32
    %mul3A_243 = arith.constant 128 : i32
    %mul3A_244 = arith.muli %add3A_242, %mul3A_243 : i32
    "tpu.region"() ({
      %run_scoped3A_245 = tpu.sem_alloc : memref<!tpu.dma_semaphore, #tpu.memory_space<semaphore_mem>>
      %dma_start3A_246 = arith.constant 0 : i32
      %dma_start3A_247 = tpu.memref_slice %arg6[%arg0, %mul3A_244, %dma_start3A_246] : memref<2x10240x128xf32, #tpu.memory_space<hbm>> -> memref<1x128x128xf32, #tpu.memory_space<hbm>>
      %dma_start3A_248 = tpu.memref_squeeze %dma_start3A_247 : memref<1x128x128xf32, #tpu.memory_space<hbm>> -> memref<128x128xf32, #tpu.memory_space<hbm>>
      %dma_start3A_249 = arith.constant 0 : i32
      %dma_start3A_250 = tpu.memref_slice %arg11[%mul3A_244, %dma_start3A_249] : memref<10240x128xf32, #tpu.memory_space<vmem_shared>> -> memref<128x128xf32, #tpu.memory_space<vmem_shared>>
      tpu.enqueue_dma source(%dma_start3A_250 : memref<128x128xf32, #tpu.memory_space<vmem_shared>>) target(%dma_start3A_248 : memref<128x128xf32, #tpu.memory_space<hbm>>) target_semaphore(%run_scoped3A_245 : memref<!tpu.dma_semaphore, #tpu.memory_space<semaphore_mem>>)
      %dma_wait3A_251 = arith.constant 0 : i32
      %dma_wait3A_252 = tpu.memref_slice %arg6[%arg0, %mul3A_244, %dma_wait3A_251] : memref<2x10240x128xf32, #tpu.memory_space<hbm>> -> memref<1x128x128xf32, #tpu.memory_space<hbm>>
      %dma_wait3A_253 = tpu.memref_squeeze %dma_wait3A_252 : memref<1x128x128xf32, #tpu.memory_space<hbm>> -> memref<128x128xf32, #tpu.memory_space<hbm>>
      %dma_wait3A_254 = arith.constant 0 : i32
      %dma_wait3A_255 = tpu.memref_slice %arg11[%mul3A_244, %dma_wait3A_254] : memref<10240x128xf32, #tpu.memory_space<vmem_shared>> -> memref<128x128xf32, #tpu.memory_space<vmem_shared>>
      tpu.wait_dma2 semaphore(%run_scoped3A_245 : memref<!tpu.dma_semaphore, #tpu.memory_space<semaphore_mem>>) src(%dma_wait3A_255 : memref<128x128xf32, #tpu.memory_space<vmem_shared>>) dst(%dma_wait3A_253 : memref<128x128xf32, #tpu.memory_space<hbm>>)
      tpu.yield
    }) : () -> ()
    return
  }
}

module attributes {stable_mosaic.version = 14 : i64} {
  func.func @_tc_dense_body(%arg0: memref<10000x128xf32, #tpu.memory_space<vmem>>, %arg1: memref<2x10240x128xf32, #tpu.memory_space<vmem>>, %arg2: memref<65xi32, #tpu.memory_space<smem>>, %arg3: memref<128x256xbf16, #tpu.memory_space<vmem>>, %arg4: memref<1x256xf32, #tpu.memory_space<vmem>>, %arg5: memref<256x128xbf16, #tpu.memory_space<vmem>>, %arg6: memref<1x128xf32, #tpu.memory_space<vmem>>, %arg7: memref<1x1xf32, #tpu.memory_space<vmem>>, %arg8: memref<128x128xf32, #tpu.memory_space<vmem>>, %arg9: memref<1x128xf32, #tpu.memory_space<vmem>>, %arg10: memref<64x128xf32, #tpu.memory_space<vmem>>, %arg11: memref<10000x128xf32, #tpu.memory_space<vmem>>, %arg12: memref<64x128xf32, #tpu.memory_space<vmem>>) attributes {dimension_semantics = [], scalar_prefetch = 0 : i64, scratch_operands = 2 : i64, tpu.core_type = #tpu.core_type<tc>} {
    %get3A = arith.constant 0 : index
    %get3A_0 = arith.constant 0 : index
    %get3A_1 = vector.load %arg7[%get3A, %get3A_0] : memref<1x1xf32, #tpu.memory_space<vmem>>, vector<1x1xf32>
    %add3A = arith.constant 1.000000e+00 : f32
    %add3A_2 = vector.broadcast %add3A : f32 to vector<1x1xf32>
    %add3A_3 = arith.addf %add3A_2, %get3A_1 : vector<1x1xf32>
    %get3A_4 = arith.constant 0 : index
    %get3A_5 = arith.constant 0 : index
    %get3A_6 = vector.load %arg0[%get3A_4, %get3A_5] : memref<10000x128xf32, #tpu.memory_space<vmem>>, vector<10000x128xf32>
    %mul3A = vector.broadcast %add3A_3 : vector<1x1xf32> to vector<10000x128xf32>
    %mul3A_7 = arith.mulf %mul3A, %get3A_6 : vector<10000x128xf32>
    %get3A_8 = arith.constant 0 : index
    %get3A_9 = arith.constant 0 : index
    %get3A_10 = arith.constant 0 : index
    %get3A_11 = vector.load %arg1[%get3A_8, %get3A_9, %get3A_10] : memref<2x10240x128xf32, #tpu.memory_space<vmem>>, vector<1x10000x128xf32>
    %get3A_12 = vector.shape_cast %get3A_11 : vector<1x10000x128xf32> to vector<10000x128xf32>
    %add3A_13 = arith.addf %mul3A_7, %get3A_12 : vector<10000x128xf32>
    %get3A_14 = arith.constant 1 : index
    %get3A_15 = arith.constant 0 : index
    %get3A_16 = arith.constant 0 : index
    %get3A_17 = vector.load %arg1[%get3A_14, %get3A_15, %get3A_16] : memref<2x10240x128xf32, #tpu.memory_space<vmem>>, vector<1x10000x128xf32>
    %get3A_18 = vector.shape_cast %get3A_17 : vector<1x10000x128xf32> to vector<10000x128xf32>
    %add3A_19 = arith.addf %add3A_13, %get3A_18 : vector<10000x128xf32>
    %convert_element_type3A = arith.truncf %add3A_19 : vector<10000x128xf32> to vector<10000x128xbf16>
    %get3A_20 = arith.constant 0 : index
    %get3A_21 = arith.constant 0 : index
    %get3A_22 = vector.load %arg3[%get3A_20, %get3A_21] : memref<128x256xbf16, #tpu.memory_space<vmem>>, vector<128x256xbf16>
    %dot_general3A = arith.constant dense<0.000000e+00> : vector<10000x256xf32>
    %dot_general3A_23 = tpu.matmul %convert_element_type3A, %get3A_22, %dot_general3A {dimension_numbers = #tpu.dot_dimension_numbers<[1], [0], [0], [1], [0, 0, 1, 1], [], []>, transpose_lhs_hint = false} : vector<10000x128xbf16>, vector<128x256xbf16>, vector<10000x256xf32> -> vector<10000x256xf32>
    %get3A_24 = arith.constant 0 : index
    %get3A_25 = arith.constant 0 : index
    %get3A_26 = vector.load %arg4[%get3A_24, %get3A_25] : memref<1x256xf32, #tpu.memory_space<vmem>>, vector<1x256xf32>
    %add3A_27 = vector.broadcast %get3A_26 : vector<1x256xf32> to vector<10000x256xf32>
    %add3A_28 = arith.addf %dot_general3A_23, %add3A_27 : vector<10000x256xf32>
    %max3A = arith.constant 0.000000e+00 : f32
    %max3A_29 = vector.broadcast %max3A : f32 to vector<10000x256xf32>
    %max3A_30 = arith.maximumf %add3A_28, %max3A_29 : vector<10000x256xf32>
    %convert_element_type3A_31 = arith.truncf %max3A_30 : vector<10000x256xf32> to vector<10000x256xbf16>
    %get3A_32 = arith.constant 0 : index
    %get3A_33 = arith.constant 0 : index
    %get3A_34 = vector.load %arg5[%get3A_32, %get3A_33] : memref<256x128xbf16, #tpu.memory_space<vmem>>, vector<256x128xbf16>
    %dot_general3A_35 = arith.constant dense<0.000000e+00> : vector<10000x128xf32>
    %dot_general3A_36 = tpu.matmul %convert_element_type3A_31, %get3A_34, %dot_general3A_35 {dimension_numbers = #tpu.dot_dimension_numbers<[1], [0], [0], [1], [0, 0, 1, 1], [], []>, transpose_lhs_hint = false} : vector<10000x256xbf16>, vector<256x128xbf16>, vector<10000x128xf32> -> vector<10000x128xf32>
    %get3A_37 = arith.constant 0 : index
    %get3A_38 = arith.constant 0 : index
    %get3A_39 = vector.load %arg6[%get3A_37, %get3A_38] : memref<1x128xf32, #tpu.memory_space<vmem>>, vector<1x128xf32>
    %add3A_40 = vector.broadcast %get3A_39 : vector<1x128xf32> to vector<10000x128xf32>
    %add3A_41 = arith.addf %dot_general3A_36, %add3A_40 : vector<10000x128xf32>
    %swap3A = arith.constant 0 : index
    %swap3A_42 = arith.constant 0 : index
    %swap3A_43 = vector.load %arg11[%swap3A, %swap3A_42] : memref<10000x128xf32, #tpu.memory_space<vmem>>, vector<10000x128xf32>
    tpu.vector_store %arg11[%swap3A, %swap3A_42], %add3A_41 {strides = array<i32>} : memref<10000x128xf32, #tpu.memory_space<vmem>>, vector<10000x128xf32>,
    %scan3A = arith.constant 0 : i32
    %scan3A_44 = arith.constant 64 : i32
    %scan3A_45 = arith.addi %scan3A, %scan3A_44 : i32
    %scan3A_46 = arith.constant 1 : i32
    scf.for %scan3A_64 = %scan3A to %scan3A_45 step %scan3A_46  : i32 {
      %get3A_65 = arith.index_cast %scan3A_64 : i32 to index
      %get3A_66 = memref.load %arg2[%get3A_65] : memref<65xi32, #tpu.memory_space<smem>>
      %add3A_67 = arith.constant 1 : i32
      %add3A_68 = arith.addi %scan3A_64, %add3A_67 : i32
      %get3A_69 = arith.index_cast %add3A_68 : i32 to index
      %get3A_70 = memref.load %arg2[%get3A_69] : memref<65xi32, #tpu.memory_space<smem>>
      %jit3A = arith.constant 8 : i32
      %div3A = arith.divsi %get3A_66, %jit3A : i32
      %sign3A = arith.constant 0 : i32
      %sign3A_71 = arith.cmpi sgt, %get3A_66, %sign3A : i32
      %sign3A_72 = arith.extui %sign3A_71 : i1 to i32
      %sign3A_73 = arith.constant 0 : i32
      %sign3A_74 = arith.cmpi slt, %get3A_66, %sign3A_73 : i32
      %sign3A_75 = arith.extui %sign3A_74 : i1 to i32
      %sign3A_76 = arith.subi %sign3A_72, %sign3A_75 : i32
      %sign3A_77 = arith.constant 0 : i32
      %sign3A_78 = arith.cmpi sgt, %jit3A, %sign3A_77 : i32
      %sign3A_79 = arith.extui %sign3A_78 : i1 to i32
      %sign3A_80 = arith.constant 0 : i32
      %sign3A_81 = arith.cmpi slt, %jit3A, %sign3A_80 : i32
      %sign3A_82 = arith.extui %sign3A_81 : i1 to i32
      %sign3A_83 = arith.subi %sign3A_79, %sign3A_82 : i32
      %ne3A = arith.cmpi ne, %sign3A_76, %sign3A_83 : i32
      %rem3A = arith.remsi %get3A_66, %jit3A : i32
      %ne3A_84 = arith.constant 0 : i32
      %ne3A_85 = arith.cmpi ne, %rem3A, %ne3A_84 : i32
      %and3A = arith.andi %ne3A, %ne3A_85 : i1
      %sub3A = arith.constant 1 : i32
      %sub3A_86 = arith.subi %div3A, %sub3A : i32
      %select_n3A = arith.select %and3A, %sub3A_86, %div3A : i32
      %sub3A_87 = arith.constant 1 : i32
      %sub3A_88 = arith.subi %get3A_70, %sub3A_87 : i32
      %jit3A_89 = arith.constant 8 : i32
      %div3A_90 = arith.divsi %sub3A_88, %jit3A_89 : i32
      %sign3A_91 = arith.constant 0 : i32
      %sign3A_92 = arith.cmpi sgt, %sub3A_88, %sign3A_91 : i32
      %sign3A_93 = arith.extui %sign3A_92 : i1 to i32
      %sign3A_94 = arith.constant 0 : i32
      %sign3A_95 = arith.cmpi slt, %sub3A_88, %sign3A_94 : i32
      %sign3A_96 = arith.extui %sign3A_95 : i1 to i32
      %sign3A_97 = arith.subi %sign3A_93, %sign3A_96 : i32
      %sign3A_98 = arith.constant 0 : i32
      %sign3A_99 = arith.cmpi sgt, %jit3A_89, %sign3A_98 : i32
      %sign3A_100 = arith.extui %sign3A_99 : i1 to i32
      %sign3A_101 = arith.constant 0 : i32
      %sign3A_102 = arith.cmpi slt, %jit3A_89, %sign3A_101 : i32
      %sign3A_103 = arith.extui %sign3A_102 : i1 to i32
      %sign3A_104 = arith.subi %sign3A_100, %sign3A_103 : i32
      %ne3A_105 = arith.cmpi ne, %sign3A_97, %sign3A_104 : i32
      %rem3A_106 = arith.remsi %sub3A_88, %jit3A_89 : i32
      %ne3A_107 = arith.constant 0 : i32
      %ne3A_108 = arith.cmpi ne, %rem3A_106, %ne3A_107 : i32
      %and3A_109 = arith.andi %ne3A_105, %ne3A_108 : i1
      %sub3A_110 = arith.constant 1 : i32
      %sub3A_111 = arith.subi %div3A_90, %sub3A_110 : i32
      %select_n3A_112 = arith.select %and3A_109, %sub3A_111, %div3A_90 : i32
      %max3A_113 = arith.constant 0 : i32
      %max3A_114 = arith.maxsi %select_n3A_112, %max3A_113 : i32
      %broadcast_in_dim3A = arith.constant -3.400000e+38 : f32
      %broadcast_in_dim3A_115 = vector.broadcast %broadcast_in_dim3A : f32 to vector<8x128xf32>
      %mul3A_116 = arith.constant 8 : i32
      %mul3A_117 = arith.muli %select_n3A, %mul3A_116 : i32
      %get3A_118 = arith.index_cast %mul3A_117 : i32 to index
      %get3A_119 = arith.constant 0 : index
      %get3A_120 = vector.load %arg11[%get3A_118, %get3A_119] : memref<10000x128xf32, #tpu.memory_space<vmem>>, vector<8x128xf32>
      %iota3A = tpu.iota {dimensions = array<i32: 0>} : vector<8x128xi32>
      %add3A_121 = vector.broadcast %mul3A_117 : i32 to vector<8x128xi32>
      %add3A_122 = arith.addi %add3A_121, %iota3A : vector<8x128xi32>
      %ge3A = vector.broadcast %get3A_66 : i32 to vector<8x128xi32>
      %ge3A_123 = arith.cmpi sge, %add3A_122, %ge3A : vector<8x128xi32>
      %lt3A = vector.broadcast %get3A_70 : i32 to vector<8x128xi32>
      %lt3A_124 = arith.cmpi slt, %add3A_122, %lt3A : vector<8x128xi32>
      %and3A_125 = arith.andi %ge3A_123, %lt3A_124 : vector<8x128xi1>
      %jit3A_126 = arith.constant -3.400000e+38 : f32
      %broadcast_in_dim3A_127 = vector.broadcast %jit3A_126 : f32 to vector<8x128xf32>
      %select_n3A_128 = arith.select %and3A_125, %get3A_120, %broadcast_in_dim3A_127 : vector<8x128xi1>, vector<8x128xf32>
      %max3A_129 = arith.maximumf %broadcast_in_dim3A_115, %select_n3A_128 : vector<8x128xf32>
      %mul3A_130 = arith.constant 8 : i32
      %mul3A_131 = arith.muli %max3A_114, %mul3A_130 : i32
      %get3A_132 = arith.index_cast %mul3A_131 : i32 to index
      %get3A_133 = arith.constant 0 : index
      %get3A_134 = vector.load %arg11[%get3A_132, %get3A_133] : memref<10000x128xf32, #tpu.memory_space<vmem>>, vector<8x128xf32>
      %iota3A_135 = tpu.iota {dimensions = array<i32: 0>} : vector<8x128xi32>
      %add3A_136 = vector.broadcast %mul3A_131 : i32 to vector<8x128xi32>
      %add3A_137 = arith.addi %add3A_136, %iota3A_135 : vector<8x128xi32>
      %ge3A_138 = vector.broadcast %get3A_66 : i32 to vector<8x128xi32>
      %ge3A_139 = arith.cmpi sge, %add3A_137, %ge3A_138 : vector<8x128xi32>
      %lt3A_140 = vector.broadcast %get3A_70 : i32 to vector<8x128xi32>
      %lt3A_141 = arith.cmpi slt, %add3A_137, %lt3A_140 : vector<8x128xi32>
      %and3A_142 = arith.andi %ge3A_139, %lt3A_141 : vector<8x128xi1>
      %jit3A_143 = arith.constant -3.400000e+38 : f32
      %broadcast_in_dim3A_144 = vector.broadcast %jit3A_143 : f32 to vector<8x128xf32>
      %select_n3A_145 = arith.select %and3A_142, %get3A_134, %broadcast_in_dim3A_144 : vector<8x128xi1>, vector<8x128xf32>
      %max3A_146 = arith.maximumf %max3A_129, %select_n3A_145 : vector<8x128xf32>
      %sub3A_147 = arith.subi %max3A_114, %select_n3A : i32
      %sub3A_148 = arith.constant 1 : i32
      %sub3A_149 = arith.subi %sub3A_147, %sub3A_148 : i32
      %max3A_150 = arith.constant 0 : i32
      %max3A_151 = arith.maxsi %sub3A_149, %max3A_150 : i32
      %jit3A_152 = arith.constant 4 : i32
      %div3A_153 = arith.divsi %max3A_151, %jit3A_152 : i32
      %sign3A_154 = arith.constant 0 : i32
      %sign3A_155 = arith.cmpi sgt, %max3A_151, %sign3A_154 : i32
      %sign3A_156 = arith.extui %sign3A_155 : i1 to i32
      %sign3A_157 = arith.constant 0 : i32
      %sign3A_158 = arith.cmpi slt, %max3A_151, %sign3A_157 : i32
      %sign3A_159 = arith.extui %sign3A_158 : i1 to i32
      %sign3A_160 = arith.subi %sign3A_156, %sign3A_159 : i32
      %sign3A_161 = arith.constant 0 : i32
      %sign3A_162 = arith.cmpi sgt, %jit3A_152, %sign3A_161 : i32
      %sign3A_163 = arith.extui %sign3A_162 : i1 to i32
      %sign3A_164 = arith.constant 0 : i32
      %sign3A_165 = arith.cmpi slt, %jit3A_152, %sign3A_164 : i32
      %sign3A_166 = arith.extui %sign3A_165 : i1 to i32
      %sign3A_167 = arith.subi %sign3A_163, %sign3A_166 : i32
      %ne3A_168 = arith.cmpi ne, %sign3A_160, %sign3A_167 : i32
      %rem3A_169 = arith.remsi %max3A_151, %jit3A_152 : i32
      %ne3A_170 = arith.constant 0 : i32
      %ne3A_171 = arith.cmpi ne, %rem3A_169, %ne3A_170 : i32
      %and3A_172 = arith.andi %ne3A_168, %ne3A_171 : i1
      %sub3A_173 = arith.constant 1 : i32
      %sub3A_174 = arith.subi %div3A_153, %sub3A_173 : i32
      %select_n3A_175 = arith.select %and3A_172, %sub3A_174, %div3A_153 : i32
      %while3A = arith.constant 0 : i32
      %while3A_176 = arith.subi %select_n3A_175, %while3A : i32
      %while3A_177 = arith.addi %while3A, %while3A_176 : i32
      %while3A_178 = arith.constant 1 : i32
      %while3A_179 = arith.divsi %while3A_176, %while3A_178 : i32
      %while3A_180 = arith.muli %while3A_179, %while3A_178 : i32
      %while3A_181 = arith.addi %while3A, %while3A_180 : i32
      %while3A_182 = arith.constant 1 : i32
      %while3A_183 = scf.for %while3A_205 = %while3A to %while3A_181 step %while3A_182 iter_args(%while3A_206 = %max3A_146) -> (vector<8x128xf32>)  : i32 {
        %add3A_207 = arith.constant 1 : i32
        %add3A_208 = arith.addi %select_n3A, %add3A_207 : i32
        %mul3A_209 = arith.constant 4 : i32
        %mul3A_210 = arith.muli %while3A_205, %mul3A_209 : i32
        %add3A_211 = arith.addi %add3A_208, %mul3A_210 : i32
        %mul3A_212 = arith.constant 8 : i32
        %mul3A_213 = arith.muli %add3A_211, %mul3A_212 : i32
        %get3A_214 = arith.index_cast %mul3A_213 : i32 to index
        %get3A_215 = arith.constant 0 : index
        %get3A_216 = vector.load %arg11[%get3A_214, %get3A_215] : memref<10000x128xf32, #tpu.memory_space<vmem>>, vector<32x128xf32>
        %reshape3A = vector.shape_cast %get3A_216 : vector<32x128xf32> to vector<4x8x128xf32>
        %reduce_max3A_217 = arith.constant dense<0xFF800000> : vector<8x128xf32>
        %reduce_max3A_218 = vector.multi_reduction <maximumf>, %reshape3A, %reduce_max3A_217 [0] : vector<4x8x128xf32> to vector<8x128xf32>
        %max3A_219 = arith.maximumf %while3A_206, %reduce_max3A_218 : vector<8x128xf32>
        scf.yield %max3A_219 : vector<8x128xf32>
      }
      %while3A_184 = arith.constant 1 : i32
      %while3A_185 = scf.for %while3A_205 = %while3A_181 to %while3A_177 step %while3A_184 iter_args(%while3A_206 = %while3A_183) -> (vector<8x128xf32>)  : i32 {
        %add3A_207 = arith.constant 1 : i32
        %add3A_208 = arith.addi %select_n3A, %add3A_207 : i32
        %mul3A_209 = arith.constant 4 : i32
        %mul3A_210 = arith.muli %while3A_205, %mul3A_209 : i32
        %add3A_211 = arith.addi %add3A_208, %mul3A_210 : i32
        %mul3A_212 = arith.constant 8 : i32
        %mul3A_213 = arith.muli %add3A_211, %mul3A_212 : i32
        %get3A_214 = arith.index_cast %mul3A_213 : i32 to index
        %get3A_215 = arith.constant 0 : index
        %get3A_216 = vector.load %arg11[%get3A_214, %get3A_215] : memref<10000x128xf32, #tpu.memory_space<vmem>>, vector<32x128xf32>
        %reshape3A = vector.shape_cast %get3A_216 : vector<32x128xf32> to vector<4x8x128xf32>
        %reduce_max3A_217 = arith.constant dense<0xFF800000> : vector<8x128xf32>
        %reduce_max3A_218 = vector.multi_reduction <maximumf>, %reshape3A, %reduce_max3A_217 [0] : vector<4x8x128xf32> to vector<8x128xf32>
        %max3A_219 = arith.maximumf %while3A_206, %reduce_max3A_218 : vector<8x128xf32>
        scf.yield %max3A_219 : vector<8x128xf32>
      }
      %mul3A_186 = arith.constant 4 : i32
      %mul3A_187 = arith.muli %select_n3A_175, %mul3A_186 : i32
      %sub3A_188 = arith.subi %max3A_151, %mul3A_187 : i32
      %while3A_189 = arith.constant 0 : i32
      %while3A_190 = arith.subi %sub3A_188, %while3A_189 : i32
      %while3A_191 = arith.addi %while3A_189, %while3A_190 : i32
      %while3A_192 = arith.constant 1 : i32
      %while3A_193 = arith.divsi %while3A_190, %while3A_192 : i32
      %while3A_194 = arith.muli %while3A_193, %while3A_192 : i32
      %while3A_195 = arith.addi %while3A_189, %while3A_194 : i32
      %while3A_196 = arith.constant 1 : i32
      %while3A_197 = scf.for %while3A_205 = %while3A_189 to %while3A_195 step %while3A_196 iter_args(%while3A_206 = %while3A_185) -> (vector<8x128xf32>)  : i32 {
        %add3A_207 = arith.constant 1 : i32
        %add3A_208 = arith.addi %select_n3A, %add3A_207 : i32
        %mul3A_209 = arith.constant 4 : i32
        %mul3A_210 = arith.muli %select_n3A_175, %mul3A_209 : i32
        %add3A_211 = arith.addi %add3A_208, %mul3A_210 : i32
        %add3A_212 = arith.addi %add3A_211, %while3A_205 : i32
        %mul3A_213 = arith.constant 8 : i32
        %mul3A_214 = arith.muli %add3A_212, %mul3A_213 : i32
        %get3A_215 = arith.index_cast %mul3A_214 : i32 to index
        %get3A_216 = arith.constant 0 : index
        %get3A_217 = vector.load %arg11[%get3A_215, %get3A_216] : memref<10000x128xf32, #tpu.memory_space<vmem>>, vector<8x128xf32>
        %max3A_218 = arith.maximumf %while3A_206, %get3A_217 : vector<8x128xf32>
        scf.yield %max3A_218 : vector<8x128xf32>
      }
      %while3A_198 = arith.constant 1 : i32
      %while3A_199 = scf.for %while3A_205 = %while3A_195 to %while3A_191 step %while3A_198 iter_args(%while3A_206 = %while3A_197) -> (vector<8x128xf32>)  : i32 {
        %add3A_207 = arith.constant 1 : i32
        %add3A_208 = arith.addi %select_n3A, %add3A_207 : i32
        %mul3A_209 = arith.constant 4 : i32
        %mul3A_210 = arith.muli %select_n3A_175, %mul3A_209 : i32
        %add3A_211 = arith.addi %add3A_208, %mul3A_210 : i32
        %add3A_212 = arith.addi %add3A_211, %while3A_205 : i32
        %mul3A_213 = arith.constant 8 : i32
        %mul3A_214 = arith.muli %add3A_212, %mul3A_213 : i32
        %get3A_215 = arith.index_cast %mul3A_214 : i32 to index
        %get3A_216 = arith.constant 0 : index
        %get3A_217 = vector.load %arg11[%get3A_215, %get3A_216] : memref<10000x128xf32, #tpu.memory_space<vmem>>, vector<8x128xf32>
        %max3A_218 = arith.maximumf %while3A_206, %get3A_217 : vector<8x128xf32>
        scf.yield %max3A_218 : vector<8x128xf32>
      }
      %reduce_max3A = arith.constant dense<0xFF800000> : vector<128xf32>
      %reduce_max3A_200 = vector.multi_reduction <maximumf>, %while3A_199, %reduce_max3A [0] : vector<8x128xf32> to vector<128xf32>
      %broadcast_in_dim3A_201 = vector.shape_cast %reduce_max3A_200 : vector<128xf32> to vector<1x128xf32>
      %swap3A_202 = arith.index_cast %scan3A_64 : i32 to index
      %swap3A_203 = arith.constant 0 : index
      %swap3A_204 = vector.load %arg12[%swap3A_202, %swap3A_203] : memref<64x128xf32, #tpu.memory_space<vmem>>, vector<1x128xf32>
      tpu.vector_store %arg12[%swap3A_202, %swap3A_203], %broadcast_in_dim3A_201 {strides = array<i32>} : memref<64x128xf32, #tpu.memory_space<vmem>>, vector<1x128xf32>,
    }
    %scan3A_47 = arith.constant 64 : i32
    %get3A_48 = arith.constant 0 : index
    %get3A_49 = arith.constant 0 : index
    %get3A_50 = vector.load %arg12[%get3A_48, %get3A_49] : memref<64x128xf32, #tpu.memory_space<vmem>>, vector<64x128xf32>
    %get3A_51 = arith.constant 0 : index
    %get3A_52 = arith.constant 0 : index
    %get3A_53 = vector.load %arg8[%get3A_51, %get3A_52] : memref<128x128xf32, #tpu.memory_space<vmem>>, vector<128x128xf32>
    %dot_general3A_54 = arith.constant dense<0.000000e+00> : vector<64x128xf32>
    %dot_general3A_55 = tpu.matmul %get3A_50, %get3A_53, %dot_general3A_54 {dimension_numbers = #tpu.dot_dimension_numbers<[1], [0], [0], [1], [0, 0, 1, 1], [], []>, transpose_lhs_hint = false} : vector<64x128xf32>, vector<128x128xf32>, vector<64x128xf32> -> vector<64x128xf32>
    %get3A_56 = arith.constant 0 : index
    %get3A_57 = arith.constant 0 : index
    %get3A_58 = vector.load %arg9[%get3A_56, %get3A_57] : memref<1x128xf32, #tpu.memory_space<vmem>>, vector<1x128xf32>
    %add3A_59 = vector.broadcast %get3A_58 : vector<1x128xf32> to vector<64x128xf32>
    %add3A_60 = arith.addf %dot_general3A_55, %add3A_59 : vector<64x128xf32>
    %swap3A_61 = arith.constant 0 : index
    %swap3A_62 = arith.constant 0 : index
    %swap3A_63 = vector.load %arg10[%swap3A_61, %swap3A_62] : memref<64x128xf32, #tpu.memory_space<vmem>>, vector<64x128xf32>
    tpu.vector_store %arg10[%swap3A_61, %swap3A_62], %add3A_60 {strides = array<i32>} : memref<64x128xf32, #tpu.memory_space<vmem>>, vector<64x128xf32>,
    return
  }
}

</mosaic_0001>

<sc_bundles>
// kernel: kernel.4.cloned.1.call-start
scs
__scs_entry_jumppad:
0x0: {  	(pc) =	sbr.rel $0x88, $3  }
0x1: {  	(tag) =	ssettag $0x0;
	lr =	simm.s32 $0x1  }
0x2: {  	[smem:$0x3F96] =	sst lr;
	_ =	strace $0xD0000000  }
0x3: {  	_ = 	snop  }
0x4: {  	_ = 	snop  }
0x5: {  	_ = 	snop  }
0x6: {  	_ = 	snop  }
0x7: {  	_ = 	snop  }
__scs_overlays_trampoline_lowered:
0x8: {  	[smem:$0x3FA5] =	sst s0  }
0x9: {  	[smem:$0x3FA6] =	sst s1  }
0xa: {  	[smem:$0x3FA7] =	sst s2  }
0xb: {  	[smem:$0x3FA8] =	sst s3  }
0xc: {  	[smem:$0x3FA9] =	sst s4  }
0xd: {  	[smem:$0x3FAA] =	sst s5  }
0xe: {  	[smem:$0x3FAB] =	sst s6  }
0xf: {  	[smem:$0x3FAC] =	sst s7  }
0x10: {  	[smem:$0x3FAD] =	sst s8  }
0x11: {  	[smem:$0x3FAE] =	sst s9;
	s0 =	simm.s32 @!p0 $0x0  }
0x12: {  	s1 =	sld [smem:$0x3F94];
	s0 =	simm.s32 @p0 $0x1  }
0x13: {  	[smem:$0x3FAF] =	sst s0;
	s0 =	simm.s32 @!p1 $0x0  }
0x14: {  	s2 =	sld [smem:$0x3F93];
	s0 =	simm.s32 @p1 $0x1  }
0x15: {  	[smem:$0x3FB0] =	sst s0;
	s0 =	simm.s32 @!p2 $0x0  }
0x16: {  	s3 =	sld [smem:$0x3FDB];
	s0 =	simm.s32 @p2 $0x1  }
0x17: {  	s4 =	simm.s32 $0x1BF5;
	[smem:$0x3FB2] =	sst s0  }
0x18: {  	s0 =	sld [smem:$0x3F95];
	_ =	swait.ge [sflag:s4], $0x0  }
0x19: {  	s7 =	sld [smem:$0x3F96]  }
0x1a: {  	s8 =	sadd.s32 $0xFFFFE003, lr  }
0x1b: {  	s9 =	sadd.s32 $0xFFFFFEF7, lr;
	s5 =	simm.s32 $0xFFFFFFFF;
	p2 =	slt.u32 s8, $0xFFFFF086  }
0x1c: {  	p1 =	slt.u32 s9, $0xF7A;
	s5 =	simm.s32 @!p2 $0x0  }
0x1d: {  	s5 =	simm.s32 @p1 $0x1;
	p0 =	seq.s32 s7, s2  }
0x1e: {  	s7 =	smul.u32 @!p0 $0xF7A, s2;
	p2 =	seq.s32 @!p0 s5, $0x0  }
0x1f: {  	s9 =	smul.u32 $0xF7A, s1;
	s8 =	simm.s32 @!p0 $0x1BF5;
	p2 =	por !p2, p0  }
0x20: {  	[sflag:s8] =	ssyncset.s32 @!p0 $0xFFFFF086;
	s6 =	sadd.s32 @!p0 s3, s7;
	s7 =	simm.s32 @!p0 $0x108  }
0x21: {  	s3 =	sadd.s32 s3, s9;
	s6 =	sadd.s32 @!p0 $0x88, s6;
	s7 =	simm.s32 @p2 $0x1082  }
0x22: {  	[simem:s7], [sflag:s8] =	dma.local @!p0 [hbm:s6], $0xF7A  }
0x23: {  	s9 =	sor.u32 $0xD0000000, s2;
	s6 =	simm.s32 $0x108;
	_ =	swait.ge @!p0 [sflag:s8], $0x0  }
0x24: {  	s3 =	sadd.s32 $0x88, s3;
	s6 =	simm.s32 @!p1 $0x1082;
	[sflag:s4] =	ssyncset.s32 $0xFFFFF086  }
0x25: {  	[simem:s6], [sflag:s4] =	dma.local [hbm:s3], $0xF7A  }
0x26: {  	[smem:$0x3F96] =	sst s1;
	(tag) =	ssettag s2;
	_ =	strace s9  }
0x27: {  	s1 =	sld [smem:$0x3FA6]  }
0x28: {  	s2 =	sld [smem:$0x3FA7]  }
0x29: {  	s4 =	sld [smem:$0x3FA9]  }
0x2a: {  	p0 =	seq.s32 s5, $0x0;
	s5 =	sld [smem:$0x3FAA]  }
0x2b: {  	s6 =	sld [smem:$0x3FAB]  }
0x2c: {  	s7 =	sld [smem:$0x3FAC]  }
0x2d: {  	s3 =	simm.s32 $0x108;
	s8 =	sld [smem:$0x3FAD]  }
0x2e: {  	s3 =	simm.s32 @!p0 $0x1082;
	s9 =	sld [smem:$0x3FAE]  }
0x2f: {  	lr =	sadd.s32 s0, s3;
	s0 =	sld [smem:$0x3FA5]  }
0x30: {  	s3 =	sld [smem:$0x3FA8]  }
0x31: {  	[smem:$0x3FB1] =	sst s10  }
0x32: {  	s10 =	sld [smem:$0x3FAF];
	_ =	sdelay $0x3  }
0x33: {  	p0 =	seq.s32 s10, $0x1;
	s10 =	sld [smem:$0x3FB1];
	_ =	sdelay $0x3  }
0x34: {  	[smem:$0x3FB1] =	sst s10  }
0x35: {  	s10 =	sld [smem:$0x3FB0];
	_ =	sdelay $0x3  }
0x36: {  	p1 =	seq.s32 s10, $0x1;
	s10 =	sld [smem:$0x3FB1];
	_ =	sdelay $0x3  }
0x37: {  	[smem:$0x3FB1] =	sst s10  }
0x38: {  	s10 =	sld [smem:$0x3FB2]  }
0x39: {  	_ = 	snop;
	(pc) =	sbr.ind lr, $3  }
0x3a: {  	_ = 	snop  }
0x3b: {  	_ = 	snop  }
0x3c: {  	p2 =	seq.s32 s10, $0x1;
	s10 =	sld [smem:$0x3FB1]  }
0x3d: {  	_ =	shalt  }
0x3e: {  	_ =	shalt  }
0x3f: {  	_ =	shalt  }
0x40: {  	_ =	shalt  }
0x41: {  	_ =	shalt  }
0x42: {  	_ =	shalt  }
0x43: {  	_ =	shalt  }
0x44: {  	_ =	shalt  }
0x45: {  	_ =	shalt  }
0x46: {  	_ =	shalt  }
0x47: {  	_ =	shalt  }
0x48: {  	_ =	shalt  }
0x49: {  	_ =	shalt  }
0x4a: {  	_ =	shalt  }
0x4b: {  	_ =	shalt  }
0x4c: {  	_ =	shalt  }
0x4d: {  	_ =	shalt  }
0x4e: {  	_ =	shalt  }
0x4f: {  	_ =	shalt  }
0x50: {  	_ =	shalt  }
0x51: {  	_ =	shalt  }
0x52: {  	_ =	shalt  }
0x53: {  	_ =	shalt  }
0x54: {  	_ =	shalt  }
0x55: {  	_ =	shalt  }
0x56: {  	_ =	shalt  }
0x57: {  	_ =	shalt  }
0x58: {  	_ =	shalt  }
0x59: {  	_ =	shalt  }
0x5a: {  	_ =	shalt  }
0x5b: {  	_ =	shalt  }
0x5c: {  	_ =	shalt  }
0x5d: {  	_ =	shalt  }
0x5e: {  	_ =	shalt  }
0x5f: {  	_ =	shalt  }
0x60: {  	_ =	shalt  }
0x61: {  	_ =	shalt  }
0x62: {  	_ =	shalt  }
0x63: {  	_ =	shalt  }
0x64: {  	_ =	shalt  }
0x65: {  	_ =	shalt  }
0x66: {  	_ =	shalt  }
0x67: {  	_ =	shalt  }
0x68: {  	_ =	shalt  }
0x69: {  	_ =	shalt  }
0x6a: {  	_ =	shalt  }
0x6b: {  	_ =	shalt  }
0x6c: {  	_ =	shalt  }
0x6d: {  	_ =	shalt  }
0x6e: {  	_ =	shalt  }
0x6f: {  	_ =	shalt  }
0x70: {  	_ =	shalt  }
0x71: {  	_ =	shalt  }
0x72: {  	_ =	shalt  }
0x73: {  	_ =	shalt  }
0x74: {  	_ =	shalt  }
0x75: {  	_ =	shalt  }
0x76: {  	_ =	shalt  }
0x77: {  	_ =	shalt  }
0x78: {  	_ =	shalt  }
0x79: {  	_ =	shalt  }
0x7a: {  	_ =	shalt  }
0x7b: {  	_ =	shalt  }
0x7c: {  	_ =	shalt  }
0x7d: {  	_ =	shalt  }
0x7e: {  	_ =	shalt  }
0x7f: {  	_ =	shalt  }
0x80: {  	_ =	shalt  }
0x81: {  	_ =	shalt  }
0x82: {  	_ =	shalt  }
0x83: {  	_ =	shalt  }
0x84: {  	_ =	shalt  }
0x85: {  	_ =	shalt  }
0x86: {  	_ =	shalt  }
0x87: {  	_ =	shalt  }
.Lfunc_end0:
.L_simem_size_0:
called_computation_lowered:
.L_overlay_start_0:
0x88: {  	s2 =	sld [smem:$0x3FD9]  }
0x89: {  	s3 =	sld [smem:$0x3FFE];
	_ =	sdelay $0x1  }
0x8a: {  	s1 =	srdreg.scid  }
0x8b: {  	s0 =	sand.u32 $0x1, s1  }
0x8c: {  	s17 =	sshll.u32 s0, $0xA;
	s2 =	sadd.s32 s3, s2  }
0x8d: {  	s2 =	sadd.s32 s2, s17  }
0x8e: {  	[smem:$0x3FBD] =	sst s2  }
0x8f: {  	_ = 	snop  }
0x90: {  	s2 =	sld [smem:$0x3FC7];
	(tm) =	ssettm $0x1  }
0x91: {  	s18 =	sld [smem:$0x3FFB];
	_ =	sdelay $0x3  }
0x92: {  	_ =	strace s18  }
0x93: {  	s3 =	sld [smem:$0x3FFC];
	_ =	sdelay $0x3  }
0x94: {  	_ =	strace s3  }
0x95: {  	s3 =	sld [smem:$0x3FFD];
	_ =	sdelay $0x3  }
0x96: {  	_ =	strace s3  }
0x97: {  	_ =	strace $0x8FFFFFFF  }
0x98: {  	s19 =	sld [smem:$0x3FDB];
	_ =	sdelay $0x1  }
0x99: {  	s4 =	simm.s32 $_scs_section_size  }
0x9a: {  	s5 =	simm.s32 $_size__tile_overlayer_lowered;
	s6 =	simm.s32 $_tile_overlayer_lowered  }
0x9b: {  	s22 =	simm.s32 $0x1BFF;
	s21 =	sshll.u32 s6, $0x1;
	s3 =	sadd.s32 s4, s19  }
0x9c: {  	s7 =	simm.s32 $0x0;
	s20 =	sshll.u32 s5, $0x1;
	s5 =	sadd.s32 s21, s3  }
0x9d: {  	[timem:s7], [sflag:s22] =	dma.local [hbm:s5], s20  }
0x9e: {  	_ =	swait.ge [sflag:s22], s20  }
0x9f: {  	s4 =	ssub.s32 $0x0, s20;
	[sflag:s22] =	ssyncset.done $0x0  }
0xa0: {  	[sflag:s22] =	ssyncadd.s32 s4;
	_ =	sdelay $0x1  }
0xa1: {  	s23 =	simm.s32 $0x1B8B  }
0xa2: {  	_ =	swait.ge [sflag:s23], $0x1  }
0xa3: {  	[sflag:s23] =	ssyncset.done $0x0  }
0xa4: {  	s25 =	simm.s32 $0x1B8E;
	s24 =	sld [smem:$0x3FFE];
	[sflag:s23] =	ssyncadd.s32 $0xFFFFFFFF  }
0xa5: {  	s26 =	simm.s32 $execute0_lowered;
	[smem:$0x3FD2] =	sst s25  }
0xa6: {  	s5 =	sshll.u32 s26, $0x1;
	_ =	strace $0x80000046;
	[dreg:$0x1] =	wrdreg $0xFFFFFFFF  }
0xa7: {  	s28 =	simm.s32 $_size_execute0_lowered;
	s3 =	sadd.s32 s3, s5;
	[dreg:$0x0] =	wrdreg $0x0  }
0xa8: {  	s5 =	sshll.u32 s28, $0x1;
	[dreg:$0x2] =	wrdreg s3  }
0xa9: {  	[dreg:$0x3] =	wrdreg s5  }
0xaa: {  	[dreg:$0x4] =	wrdreg $0xC0  }
0xab: {  	_ =	task [dreg:s7], $0x5FFFF  }
0xac: {  	[dreg:$0x1] =	wrdreg $0xFFFFFFFF  }
0xad: {  	[dreg:$0x0] =	wrdreg $0x60  }
0xae: {  	[dreg:$0x2] =	wrdreg s24  }
0xaf: {  	[dreg:$0x3] =	wrdreg s2  }
0xb0: {  	[dreg:$0x4] =	wrdreg $0xA1E00  }
0xb1: {  	[dreg:$0x5] =	wrdreg $0x9  }
0xb2: {  	_ =	task.clear_ibuf [dreg:s7], $0x6FFFF;
	_ =	strace $0x90000046  }
0xb3: {  	s29 =	simm.s32 $0x9;
	_ =	strace $0x80000048  }
0xb4: {  	_ =	swait.ge [sflag:s29], $0x1  }
0xb5: {  	[sflag:s29] =	ssyncadd.s32 $0xFFFFFFFF  }
0xb6: {  	_ =	strace $0x90000048  }
0xb7: {  	_ =	sfence  }
0xb8: {  	s30 =	sld [smem:$0x0];
	_ =	sdelay $0x2  }
0xb9: {  	s31 =	sshll.u32 s1, $0xD;
	s1 =	sshrl.u32 s1, $0x2  }
0xba: {  	s3 =	sand.u32 $0x4000, s31;
	s1 =	sadd.s32 s1, s30  }
0xbb: {  	s0 =	sor.u32 s3, s0;
	s1 =	sshll.u32 s1, $0x11  }
0xbc: {  	s0 =	sor.u32 s1, s0  }
0xbd: {  	s0 =	sadd.s32 $0x8F2B, s0  }
0xbe: {  	[sflag:s0] =	ssyncadd.remote.s32 $0x1  }
0xbf: {  	_ =	sfence.sel $0xFFFF  }
0xc0: {  	[dreg:$0x0] =	wrdreg $0xFFFFFFFF;
	(pc) =	sbr.abs _section_cstart, $3  }
0xc1: {  	[dreg:$0x1] =	wrdreg $0xFFFFFFFF  }
0xc2: {  	_ =	task.clear_ibuf [dreg:s7], $0x2FFFF;
	_ =	strace $0x9FFFFFFF  }
0xc3: {  	(tm) =	ssettm $0x7FFFFFFF  }
tec
execute0_lowered:
.L_overlay_start_1:
0x0: {  	(tag) =	ssettag $0x1  }
0x1: {  	s0 =	rddreg [dreg:$0x0]  }
0x2: {  	s1 =	rddreg [dreg:$0x1]  }
0x3: {  	s2 =	rddreg [dreg:$0x2];
	s3 =	simm.s32 $0x0;
	s4 =	srdreg.scid  }
0x4: {  	s12 =	stileid.u32;
	[smem:$0x7FF] =	sst s3;
	s5 =	sadd.s32 $0x14A00, s0  }
0x5: {  	s6 =	sadd.s32 $0xAC00, s0;
	s4 =	sand.u32 $0x1, s4;
	s9 =	smul.u32 $0x50000, s12  }
0x6: {  	s7 =	sadd.s32 $0xE00, s0;
	s11 =	sshll.u32 s12, $0x1;
	s8 =	ssub.s32 $0x2, s4  }
0x7: {  	s12 =	smul.u32 $0x14000, s12;
	s10 =	sshrl.u32 s8, $0x1;
	s22 =	sshrl.u32 s9, $0x2  }
0x8: {  	s10 =	ssub.s32 s8, s10;
	s8 =	sor.u32 s4, s11;
	s11 =	sadd.s32 s22, s2  }
0x9: {  	s0 =	sadd.s32 $0x28400, s0;
	_ =	strace $0x80000047;
	s13 =	sadd.s32 $0x2800, s11  }
0xa: {  	s9 =	sadd.s32 s12, s2;
	s23 =	sadd.s32 $0x5000, s11;
	[dreg:$0x4] =	wrdreg s13  }
0xb: {  	s4 =	smul.u32 $0x140000, s4;
	s14 =	sadd.s32 $0x7800, s11;
	[dreg:$0x5] =	wrdreg s23  }
0xc: {  	s16 =	sadd.s32 $0xA000, s11;
	s18 =	sadd.s32 $0xC800, s11;
	[dreg:$0x6] =	wrdreg s14  }
0xd: {  	s19 =	sadd.s32 $0xF000, s11;
	s20 =	smul.u32 $0xA, s8;
	[dreg:$0x7] =	wrdreg s16  }
0xe: {  	s11 =	sadd.s32 $0x11800, s11;
	s21 =	smul.u32 $0x500, s8;
	[dreg:$0xd] =	wrdreg s18  }
0xf: {  	s10 =	smax.u32 s10, $0x1;
	s13 =	sadd.s32 $0x4000, s12;
	[dreg:$0xe] =	wrdreg s19  }
0x10: {  	s24 =	sadd.s32 s12, s4;
	s16 =	sadd.s32 $0xC000, s12;
	[dreg:$0xf] =	wrdreg s11  }
0x11: {  	[dreg:$0x15] =	wrdreg s10;
	s10 =	simm.s32 $0xD;
	s15 =	sadd.s32 s4, s13  }
0x12: {  	s14 =	sshrl.u32 s24, $0x3;
	s17 =	sadd.s32 s4, s16;
	s22 =	sadd.s32 s6, s20  }
0x13: {  	s24 =	sadd.s32 s1, s21;
	s15 =	sshrl.u32 s15, $0x3;
	[dreg:$0x10] =	wrdreg s22  }
0x14: {  	s14 =	sadd.s32 s0, s14;
	s28 =	sshrl.u32 s17, $0x3;
	[dreg:$0x14] =	wrdreg s24  }
0x15: {  	s17 =	smul.u32 $0x50, s8;
	[dreg:$0x8] =	wrdreg s14;
	s25 =	sadd.s32 s0, s15  }
0x16: {  	s14 =	sadd.s32 $0x8000, s12;
	s12 =	sadd.s32 $0x10000, s12;
	[dreg:$0x9] =	wrdreg s25  }
0x17: {  	s26 =	sadd.s32 s4, s14;
	s4 =	sadd.s32 s4, s12;
	s25 =	sadd.s32 s13, s2  }
0x18: {  	s12 =	sadd.s32 s12, s2;
	s13 =	simm.s32 $0x3;
	s15 =	sshrl.u32 s26, $0x3  }
0x19: {  	s4 =	sshrl.u32 s4, $0x3;
	s26 =	sadd.s32 s14, s2;
	s29 =	sshrl.u32 s25, $0x3  }
0x1a: {  	s14 =	simm.s32 $0x50;
	s15 =	sadd.s32 s0, s15;
	s30 =	sshrl.u32 s26, $0x3  }
0x1b: {  	[dreg:$0xa] =	wrdreg s15;
	s15 =	sadd.s32 s0, s28;
	s0 =	sadd.s32 s0, s4  }
0x1c: {  	s4 =	sadd.s32 s7, s20;
	s28 =	sadd.s32 s16, s2;
	[dreg:$0xb] =	wrdreg s15  }
0x1d: {  	s16 =	simm.s32 $0xB;
	[dreg:$0xc] =	wrdreg s0;
	s0 =	sshrl.u32 s17, $0x3  }
0x1e: {  	[dreg:$0x11] =	wrdreg s4;
	s31 =	sshrl.u32 s28, $0x3;
	s0 =	sadd.s32 $0x140, s0  }
0x1f: {  	s4 =	simm.s32 $0x2800;
	s15 =	simm.s32 $0xA;
	s23 =	sadd.s32 s6, s0  }
0x20: {  	s17 =	simm.s32 $0x0;
	s0 =	sadd.s32 s7, s0;
	[dreg:$0x12] =	wrdreg s23  }
0x21: {  	v0 =	vimm.f32 $0.0e+00;
	[dreg:$0x13] =	wrdreg s0;
	s0 =	sshrl.u32 s12, $0x3;
	s12 =	simm.s32 $0x1  }
.LBB2_1:
0x22: {  	s11 =	simm.s32 $0x0;
	s18 =	simm.s32 $0x200  }
.LBB2_2:
0x23: {  	p0 =	sne.s32 s18, $0x9E00;
	[tilespmem:s11+$0x2870] =	vst v0  }
0x24: {  	[tilespmem:s11+$0x2800] =	vst v0  }
0x25: {  	[tilespmem:s11+$0x2810] =	vst v0  }
.Ltmp0:
0x26: {  	[tilespmem:s11+$0x2820] =	vst v0;
	(pc) =	sbr.rel @p0 .LBB2_2-.Ltmp0, $4  }
0x27: {  	[tilespmem:s11+$0x2830] =	vst v0  }
0x28: {  	[tilespmem:s11+$0x2840] =	vst v0  }
0x29: {  	[tilespmem:s11+$0x2850] =	vst v0  }
0x2a: {  	[tilespmem:s11+$0x2860] =	vst v0;
	s11 =	sshra.s32 s18, $0x2;
	s18 =	sadd.s32 $0x200, s18  }
0x2b: {  	[tilespmem:s11+$0x2870] =	vst v0  }
0x2c: {  	[tilespmem:s11+$0x2800] =	vst v0  }
0x2d: {  	[tilespmem:s11+$0x2810] =	vst v0  }
0x2e: {  	[tilespmem:s11+$0x2820] =	vst v0  }
0x2f: {  	[tilespmem:s11+$0x2830] =	vst v0  }
0x30: {  	[tilespmem:s11+$0x2840] =	vst v0  }
0x31: {  	[tilespmem:s11+$0x2850] =	vst v0  }
0x32: {  	[tilespmem:s11+$0x2860] =	vst v0  }
0x33: {  	[spmem:s9] =	stream.linear.scatter [tilespmem:s4], [sflag:$0xD], $0x2800, $0x38;
	[tilespmem:$0x1E1E0] =	vst v63  }
0x34: {  	_ =	swait.ge [sflag:s10], $0x2800  }
0x35: {  	[sflag:s10] =	ssyncset.done $0x0  }
0x36: {  	s24 =	rddreg [dreg:$0x4];
	[sflag:s10] =	ssyncadd.s32 $0xFFFFD800  }
0x37: {  	[spmem:s24] =	stream.linear.scatter [tilespmem:s4], [sflag:$0xD], $0x2800, $0x38;
	[tilespmem:$0x1E1E0] =	vst v63  }
0x38: {  	_ =	swait.ge [sflag:s10], $0x2800  }
0x39: {  	[sflag:s10] =	ssyncset.done $0x0  }
0x3a: {  	s25 =	rddreg [dreg:$0x5];
	[sflag:s10] =	ssyncadd.s32 $0xFFFFD800  }
0x3b: {  	[spmem:s25] =	stream.linear.scatter [tilespmem:s4], [sflag:$0xD], $0x2800, $0x38;
	[tilespmem:$0x1E1E0] =	vst v63  }
0x3c: {  	_ =	swait.ge [sflag:s10], $0x2800  }
0x3d: {  	[sflag:s10] =	ssyncset.done $0x0  }
0x3e: {  	s26 =	rddreg [dreg:$0x6];
	[sflag:s10] =	ssyncadd.s32 $0xFFFFD800  }
0x3f: {  	[spmem:s26] =	stream.linear.scatter [tilespmem:s4], [sflag:$0xD], $0x2800, $0x38;
	[tilespmem:$0x1E1E0] =	vst v63  }
0x40: {  	_ =	swait.ge [sflag:s10], $0x2800  }
0x41: {  	[sflag:s10] =	ssyncset.done $0x0  }
0x42: {  	s28 =	rddreg [dreg:$0x7];
	[sflag:s10] =	ssyncadd.s32 $0xFFFFD800  }
0x43: {  	[spmem:s28] =	stream.linear.scatter [tilespmem:s4], [sflag:$0xD], $0x2800, $0x38;
	[tilespmem:$0x1E1E0] =	vst v63  }
0x44: {  	_ =	swait.ge [sflag:s10], $0x2800  }
0x45: {  	[sflag:s10] =	ssyncset.done $0x0  }
0x46: {  	s18 =	rddreg [dreg:$0xd];
	[sflag:s10] =	ssyncadd.s32 $0xFFFFD800  }
0x47: {  	[spmem:s18] =	stream.linear.scatter [tilespmem:s4], [sflag:$0xD], $0x2800, $0x38;
	[tilespmem:$0x1E1E0] =	vst v63  }
0x48: {  	_ =	swait.ge [sflag:s10], $0x2800  }
0x49: {  	[sflag:s10] =	ssyncset.done $0x0  }
0x4a: {  	s19 =	rddreg [dreg:$0xe];
	[sflag:s10] =	ssyncadd.s32 $0xFFFFD800  }
0x4b: {  	[spmem:s19] =	stream.linear.scatter [tilespmem:s4], [sflag:$0xD], $0x2800, $0x38;
	[tilespmem:$0x1E1E0] =	vst v63  }
0x4c: {  	_ =	swait.ge [sflag:s10], $0x2800  }
0x4d: {  	[sflag:s10] =	ssyncset.done $0x0  }
0x4e: {  	s20 =	rddreg [dreg:$0xf];
	[sflag:s10] =	ssyncadd.s32 $0xFFFFD800  }
0x4f: {  	[spmem:s20] =	stream.linear.scatter [tilespmem:s4], [sflag:$0xD], $0x2800, $0x38;
	[tilespmem:$0x1E1E0] =	vst v63  }
0x50: {  	_ =	swait.ge [sflag:s10], $0x2800  }
0x51: {  	[sflag:s10] =	ssyncset.done $0x0  }
0x52: {  	[sflag:s10] =	ssyncadd.s32 $0xFFFFD800  }
0x53: {  	[bflag:$0x0] =	sbarrier.arrive $0xFFFF  }
0x54: {  	s18 =	simm.s32 $0xA000;
	s19 =	simm.s32 $0x0;
	s21 =	rddreg [dreg:$0x10]  }
0x55: {  	[tilespmem:s18], [sflag:$0x1] =	stream.linear.gather [hbm4b:s21+s19], $0x50, $0x38;
	[tilespmem:$0x1E1E0] =	vst v63  }
0x56: {  	s20 =	simm.s32 $0xA0A0;
	s22 =	rddreg [dreg:$0x11]  }
0x57: {  	[tilespmem:s20], [sflag:$0x3] =	stream.linear.gather [hbm4b:s22+s19], $0x50, $0x38;
	[tilespmem:$0x1E1E0] =	vst v63  }
0x58: {  	s24 =	simm.s32 $0xA050;
	s23 =	rddreg [dreg:$0x12]  }
0x59: {  	[tilespmem:s24], [sflag:$0x2] =	stream.linear.gather [hbm4b:s23+s19], $0x50, $0x38;
	[tilespmem:$0x1E1E0] =	vst v63  }
0x5a: {  	s26 =	simm.s32 $0xA0F0;
	s25 =	rddreg [dreg:$0x13]  }
0x5b: {  	[tilespmem:s26], [sflag:$0x4] =	stream.linear.gather [hbm4b:s25+s19], $0x50, $0x38;
	[tilespmem:$0x1E1E0] =	vst v63  }
0x5c: {  	s28 =	rddreg [dreg:$0x14]  }
0x5d: {  	[tilespmem:s4], [sflag:$0x7] =	stream.linear.gather [hbm4b:s28+s19], $0x2800, $0x38;
	[tilespmem:$0x1E1E0] =	vst v63  }
0x5e: {  	_ =	swait.ge [sflag:s12], $0x50  }
0x5f: {  	[sflag:s12] =	ssyncset.done $0x0  }
0x60: {  	[sflag:s12] =	ssyncadd.s32 $0xFFFFFFB0  }
0x61: {  	_ =	swait.ge [sflag:s13], $0x50  }
0x62: {  	[sflag:s13] =	ssyncset.done $0x0  }
0x63: {  	p0 =	por $0x0, $0x0;
	s24 =	simm.s32 $0x2BF0;
	[sflag:s13] =	ssyncadd.s32 $0xFFFFFFB0  }
0x64: {  	[tilespmem:s19], [sflag:$0x5] =	stream.indirect.gather [hbm4b:s5+s14], $0x40, s18, s14, $0xb8;
	[tilespmem:$0x1E1E0] =	vst v63  }
.LBB2_4:
0x65: {  	p1 =	slt.u32 s19, $0x2  }
0x66: {  	s11 =	sadd.s32 @!p1 $0xFFFFFFFE, s19  }
0x67: {  	s18 =	sand.u32 @!p1 $0xFF, s11  }
0x68: {  	s18 =	smul.u32 @!p1 $0xAB, s18;
	_ =	sdelay $0x1  }
0x69: {  	s18 =	sshrl.u32 @!p1 s18, $0x9  }
0x6a: {  	s18 =	smul.u32 @!p1 $0x3, s18;
	_ =	sdelay $0x1  }
0x6b: {  	s11 =	ssub.s32 @!p1 s11, s18  }
0x6c: {  	s11 =	sand.u32 @!p1 $0xFF, s11  }
0x6d: {  	s20 =	sadd.s32 @!p1 $0xA, s11  }
0x6e: {  	p2 =	seq.s32 @!p1 s19, $0x7C;
	s18 =	smul.u32 $0xAB, s19;
	_ =	swait.ge @!p1 [sflag:s20], $0x2800  }
0x6f: {  	p2 =	por p1, !p2;
	[sflag:s20] =	ssyncset.done @!p1 $0x0  }
0x70: {  	[sflag:s20] =	ssyncadd.s32 @!p1 $0xFFFFD800;
	s20 =	sadd.s32 @p2 $0xAB, s18  }
0x71: {  	s20 =	sshrl.u32 @p2 s20, $0x9  }
0x72: {  	s20 =	sand.u32 @p2 $0x7F, s20  }
0x73: {  	s11 =	sadd.s32 $0x1, s19;
	s20 =	smul.u32 @p2 $0x3, s20  }
0x74: {  	s21 =	sshll.u32 @p2 s11, $0x5  }
0x75: {  	s21 =	sor.u32 @p2 s8, s21;
	s20 =	ssub.s32 @p2 s11, s20  }
0x76: {  	s21 =	smul.u32 @p2 $0x500, s21;
	s18 =	sshrl.u32 s18, $0x9;
	s20 =	sand.u32 @p2 $0xFF, s20  }
0x77: {  	s18 =	sand.u32 $0x7F, s18;
	s22 =	smul.u32 @p2 $0xA000, s20  }
0x78: {  	s18 =	smul.u32 $0x3, s18  }
0x79: {  	p1 =	por @!p1 $0x1, $0x1;
	s21 =	sadd.s32 @p2 s1, s21;
	s22 =	sshrl.u32 @p2 s22, $0x2  }
0x7a: {  	s18 =	ssub.s32 s19, s18;
	s20 =	sadd.s32 @p2 $0x7, s20;
	s22 =	sadd.s32 @p2 $0x2800, s22  }
0x7b: {  	[tilespmem:s22], [sflag:s20] =	stream.linear.gather @p2 [hbm4b:s21+s3], $0x2800, $0x38;
	[tilespmem:$0x1E1E0] =	vst v63  }
0x7c: {  	p1 =	por @p2 $0x0, $0x0;
	s20 =	sand.u32 $0xFF, s18  }
0x7d: {  	s21 =	sand.u32 $0x1, s19;
	p2 =	sgt.u32 s19, $0x7A;
	s18 =	sadd.s32 $0x7, s20  }
0x7e: {  	s28 =	sadd.s32 $0x5, s21;
	s22 =	sadd.s32 @!p2 $0x2, s19;
	s23 =	smul.u32 @!p2 $0x140, s21  }
0x7f: {  	_ =	swait.ge [sflag:s18], $0x2800;
	s25 =	sshll.u32 @!p2 s22, $0x5;
	s22 =	sand.u32 @!p2 $0x3, s22  }
0x80: {  	[sflag:s18] =	ssyncset.done $0x0;
	s25 =	sor.u32 @!p2 s8, s25;
	s22 =	smul.u32 @!p2 $0x140, s22  }
0x81: {  	[sflag:s18] =	ssyncadd.s32 $0xFFFFD800;
	s18 =	sshrl.u32 @!p2 s23, $0x2;
	s23 =	smul.u32 @!p2 $0xA, s25  }
0x82: {  	s25 =	sadd.s32 @!p2 $0x1, s21;
	s21 =	sadd.s32 @!p2 $0x3, s21;
	_ =	swait.ge [sflag:s28], $0x1400  }
0x83: {  	s18 =	sor.u32 @!p2 $0xA000, s18;
	s22 =	sshrl.u32 @!p2 s22, $0x2;
	[sflag:s28] =	ssyncset.done $0x0  }
0x84: {  	s26 =	sadd.s32 @!p2 s6, s23;
	[sflag:s28] =	ssyncadd.s32 $0xFFFFEC00;
	s28 =	simm.s32 @!p2 $0x0  }
0x85: {  	[tilespmem:s18], [sflag:s25] =	stream.linear.gather @!p2 [hbm4b:s26+s28], $0x50, $0x38;
	[tilespmem:$0x1E1E0] =	vst v63  }
0x86: {  	s22 =	sadd.s32 @!p2 $0xA0A0, s22;
	s23 =	sadd.s32 @!p2 s7, s23;
	s25 =	sand.u32 $0x1, s11  }
0x87: {  	[tilespmem:s22], [sflag:s21] =	stream.linear.gather @!p2 [hbm4b:s23+s28], $0x50, $0x38;
	[tilespmem:$0x1E1E0] =	vst v63  }
0x88: {  	s22 =	sadd.s32 @!p1 $0x1, s25  }
0x89: {  	s26 =	smulhi.u32 $0xAAAAAAAB, s19;
	s21 =	simm.s32 $0x1;
	_ =	swait.ge @!p1 [sflag:s22], $0x50  }
0x8a: {  	s23 =	smul.u32 @!p1 $0x140, s25;
	s21 =	simm.s32 @!p0 $0x0;
	[sflag:s22] =	ssyncset.done @!p1 $0x0  }
0x8b: {  	s21 =	smul.u32 $0x5000, s21;
	[sflag:s22] =	ssyncadd.s32 @!p1 $0xFFFFFFB0;
	s22 =	sadd.s32 @!p1 $0x3, s25  }
0x8c: {  	s18 =	sshrl.u32 s26, $0x1;
	s26 =	smul.u32 @!p1 $0x5000, s25;
	_ =	swait.ge @!p1 [sflag:s22], $0x50  }
0x8d: {  	s23 =	sshrl.u32 @!p1 s23, $0x2;
	s21 =	sshrl.u32 s21, $0x2;
	[sflag:s22] =	ssyncset.done @!p1 $0x0  }
0x8e: {  	s28 =	sor.u32 $0x100, s21;
	s21 =	sor.u32 @!p1 $0xA000, s23;
	s23 =	sadd.s32 @!p1 $0x5, s25  }
0x8f: {  	s25 =	simm.s32 @!p1 $0x50;
	[sflag:s22] =	ssyncadd.s32 @!p1 $0xFFFFFFB0;
	s22 =	sshrl.u32 @!p1 s26, $0x2  }
0x90: {  	[tilespmem:s22], [sflag:s23] =	stream.indirect.gather @!p1 [hbm4b:s5+s25], $0x40, s21, s25, $0xb8;
	[tilespmem:$0x1E1E0] =	vst v63  }
0x91: {  	v2 =	vld [tilespmem:s28+$0xC0]  }
0x92: {  	v4 =	vld [tilespmem:s28+$0xFFFFFF40]  }
0x93: {  	v5 =	vld [tilespmem:s28+$0xFFFFFF80]  }
0x94: {  	s18 =	smul.u32 $0xFFFE2000, s18;
	v6 =	vld [tilespmem:s28+$0xFFFFFFC0]  }
0x95: {  	v7 =	vld [tilespmem:s28+$0x0]  }
0x96: {  	s18 =	sshra.s32 s18, $0x2;
	v9 =	vld [tilespmem:s28+$0x40]  }
0x97: {  	v1 =	vmov s18;
	s18 =	sadd.s32 $0x200, s28;
	v12 =	vld [tilespmem:s28+$0x80]  }
0x98: {  	v21 =	vld [tilespmem:s18+$0xFFFFFFC0]  }
0x99: {  	v22 =	vld [tilespmem:s18+$0x0]  }
0x9a: {  	v23 =	vld [tilespmem:s18+$0x40]  }
0x9b: {  	v25 =	vld [tilespmem:s18+$0x80]  }
0x9c: {  	v60 =	vld [tilespmem:s18+$0xFFFFFF00]  }
0x9d: {  	v3 =	vld.idx.msk [tilespmem:v1+s24+$0xFFFFFF90 ss:$0x1], $0xffff  }
0x9e: {  	v10 =	vld.idx.msk [tilespmem:v1+s24+$0xFFFFFC10 ss:$0x1], $0xffff  }
0x9f: {  	v11 =	vld.idx.msk [tilespmem:v1+s24+$0xFFFFFC90 ss:$0x1], $0xffff  }
0xa0: {  	v13 =	vld.idx.msk [tilespmem:v1+s24+$0xFFFFFD10 ss:$0x1], $0xffff  }
0xa1: {  	v16 =	vld.idx.msk [tilespmem:v1+s24+$0xFFFFFD90 ss:$0x1], $0xffff;
	v8 =	vunpack.i.l.bf16.f32 v2  }
0xa2: {  	v17 =	vld.idx.msk [tilespmem:v1+s24+$0xFFFFFF10 ss:$0x1], $0xffff;
	v3 =	vadd.f32 v3, v8  }
0xa3: {  	s21 =	sadd.s32 $0x400, s24;
	v8 =	vld [tilespmem:s28+$0xFFFFFF00]  }
0xa4: {  	v26 =	vld.idx.msk [tilespmem:v1+s21+$0xFFFFFC10 ss:$0x1], $0xffff;
	v3 =	vmax.f32 v3, $0.0e+00  }
0xa5: {  	v27 =	vld.idx.msk [tilespmem:v1+s21+$0xFFFFFC90 ss:$0x1], $0xffff;
	[tilespmem:v1+s24+$0xFFFFFF90 ss:$0x1] =	vst.idx.msk $0xffff, v3  }
0xa6: {  	v3 =	vld.idx.msk [tilespmem:v1+s24+$0xFFFFFFA0 ss:$0x1], $0xffff  }
0xa7: {  	v28 =	vld.idx.msk [tilespmem:v1+s21+$0xFFFFFD10 ss:$0x1], $0xffff  }
0xa8: {  	v30 =	vld.idx.msk [tilespmem:v1+s21+$0xFFFFFD90 ss:$0x1], $0xffff;
	v14 =	vunpack.i.l.bf16.f32 v8  }
0xa9: {  	v31 =	vld.idx.msk [tilespmem:v1+s21+$0xFFFFFE10 ss:$0x1], $0xffff;
	v15 =	vunpack.i.l.bf16.f32 v4;
	v10 =	vadd.f32 v10, v14  }
0xaa: {  	v2 =	vunpack.i.u.bf16.f32 v2;
	v11 =	vadd.f32 v11, v15;
	v14 =	vld.idx.msk [tilespmem:v1+s24+$0xFFFFFE10 ss:$0x1], $0xffff  }
0xab: {  	v15 =	vld.idx.msk [tilespmem:v1+s24+$0xFFFFFE90 ss:$0x1], $0xffff;
	v10 =	vmax.f32 v10, $0.0e+00;
	v2 =	vadd.f32 v3, v2  }
0xac: {  	v62 =	vld.idx.msk [tilespmem:v1+s21+$0xFFFFFE90 ss:$0x1], $0xffff;
	v3 =	vunpack.i.l.bf16.f32 v5;
	[tilespmem:v1+s24+$0xFFFFFC10 ss:$0x1] =	vst.idx.msk $0xffff, v10;
	v10 =	vmax.f32 v11, $0.0e+00  }
0xad: {  	v11 =	vunpack.i.l.bf16.f32 v6;
	v3 =	vadd.f32 v13, v3;
	v13 =	vld.idx.msk [tilespmem:v1+s24+$0xFFFFFC20 ss:$0x1], $0xffff;
	[tilespmem:v1+s24+$0xFFFFFC90 ss:$0x1] =	vst.idx.msk $0xffff, v10;
	v2 =	vmax.f32 v2, $0.0e+00  }
0xae: {  	v10 =	vunpack.i.l.bf16.f32 v7;
	v11 =	vadd.f32 v16, v11;
	v16 =	vld.idx.msk [tilespmem:v1+s24+$0xFFFFFCA0 ss:$0x1], $0xffff;
	[tilespmem:v1+s24+$0xFFFFFFA0 ss:$0x1] =	vst.idx.msk $0xffff, v2  }
0xaf: {  	v10 =	vadd.f32 v14, v10;
	v2 =	vunpack.i.l.bf16.f32 v9;
	v3 =	vmax.f32 v3, $0.0e+00;
	v14 =	vld [tilespmem:s28+$0xD0]  }
0xb0: {  	v18 =	vunpack.i.l.bf16.f32 v12;
	[tilespmem:v1+s24+$0xFFFFFD10 ss:$0x1] =	vst.idx.msk $0xffff, v3;
	v3 =	vmax.f32 v11, $0.0e+00;
	v2 =	vadd.f32 v15, v2;
	v11 =	vld.idx.msk [tilespmem:v1+s24+$0xFFFFFFB0 ss:$0x1], $0xffff  }
0xb1: {  	v8 =	vunpack.i.u.bf16.f32 v8;
	[tilespmem:v1+s24+$0xFFFFFD90 ss:$0x1] =	vst.idx.msk $0xffff, v3;
	v3 =	vmax.f32 v10, $0.0e+00;
	v10 =	vadd.f32 v17, v18;
	v15 =	vld.idx.msk [tilespmem:v1+s24+$0xFFFFFD20 ss:$0x1], $0xffff  }
0xb2: {  	v4 =	vunpack.i.u.bf16.f32 v4;
	[tilespmem:v1+s24+$0xFFFFFE10 ss:$0x1] =	vst.idx.msk $0xffff, v3;
	v2 =	vmax.f32 v2, $0.0e+00;
	v3 =	vld.idx.msk [tilespmem:v1+s24+$0xFFFFFDA0 ss:$0x1], $0xffff;
	v8 =	vadd.f32 v13, v8  }
0xb3: {  	[tilespmem:v1+s24+$0xFFFFFE90 ss:$0x1] =	vst.idx.msk $0xffff, v2;
	v2 =	vmax.f32 v10, $0.0e+00;
	v10 =	vld.idx.msk [tilespmem:v1+s24+$0xFFFFFE20 ss:$0x1], $0xffff;
	v4 =	vadd.f32 v16, v4  }
0xb4: {  	[tilespmem:v1+s24+$0xFFFFFF10 ss:$0x1] =	vst.idx.msk $0xffff, v2;
	v2 =	vld.idx.msk [tilespmem:v1+s24+$0xFFFFFEA0 ss:$0x1], $0xffff;
	v8 =	vmax.f32 v8, $0.0e+00  }
0xb5: {  	v13 =	vunpack.i.l.bf16.f32 v14;
	v16 =	vld.idx.msk [tilespmem:v1+s24+$0xFFFFFF20 ss:$0x1], $0xffff;
	[tilespmem:v1+s24+$0xFFFFFC20 ss:$0x1] =	vst.idx.msk $0xffff, v8;
	v4 =	vmax.f32 v4, $0.0e+00  }
0xb6: {  	v5 =	vunpack.i.u.bf16.f32 v5;
	v8 =	vadd.f32 v11, v13;
	v11 =	vld [tilespmem:s28+$0xFFFFFF10];
	[tilespmem:v1+s24+$0xFFFFFCA0 ss:$0x1] =	vst.idx.msk $0xffff, v4  }
0xb7: {  	v6 =	vunpack.i.u.bf16.f32 v6;
	v4 =	vadd.f32 v15, v5;
	v5 =	vunpack.i.u.bf16.f32 v7;
	v7 =	vld [tilespmem:s28+$0xFFFFFF50]  }
0xb8: {  	v3 =	vadd.f32 v3, v6;
	v6 =	vmax.f32 v8, $0.0e+00;
	v8 =	vunpack.i.u.bf16.f32 v9;
	v9 =	vld.idx.msk [tilespmem:v1+s24+$0xFFFFFC30 ss:$0x1], $0xffff  }
0xb9: {  	v4 =	vmax.f32 v4, $0.0e+00;
	[tilespmem:v1+s24+$0xFFFFFFB0 ss:$0x1] =	vst.idx.msk $0xffff, v6;
	v6 =	vunpack.i.u.bf16.f32 v12;
	v12 =	vld.idx.msk [tilespmem:v1+s24+$0xFFFFFCB0 ss:$0x1], $0xffff  }
0xba: {  	v5 =	vadd.f32 v10, v5;
	[tilespmem:v1+s24+$0xFFFFFD20 ss:$0x1] =	vst.idx.msk $0xffff, v4;
	v3 =	vmax.f32 v3, $0.0e+00;
	v4 =	vld.idx.msk [tilespmem:v1+s24+$0xFFFFFFC0 ss:$0x1], $0xffff  }
0xbb: {  	v2 =	vadd.f32 v2, v8;
	v8 =	vld [tilespmem:s28+$0xFFFFFF90];
	[tilespmem:v1+s24+$0xFFFFFDA0 ss:$0x1] =	vst.idx.msk $0xffff, v3  }
0xbc: {  	v3 =	vmax.f32 v5, $0.0e+00;
	v5 =	vadd.f32 v16, v6;
	v6 =	vld [tilespmem:s28+$0xFFFFFFD0]  }
0xbd: {  	[tilespmem:v1+s24+$0xFFFFFE20 ss:$0x1] =	vst.idx.msk $0xffff, v3;
	v13 =	vld.idx.msk [tilespmem:v1+s24+$0xFFFFFDB0 ss:$0x1], $0xffff  }
0xbe: {  	v10 =	vunpack.i.u.bf16.f32 v14;
	v2 =	vmax.f32 v2, $0.0e+00;
	v3 =	vld [tilespmem:s28+$0x10]  }
0xbf: {  	[tilespmem:v1+s24+$0xFFFFFEA0 ss:$0x1] =	vst.idx.msk $0xffff, v2;
	v15 =	vld.idx.msk [tilespmem:v1+s24+$0xFFFFFE30 ss:$0x1], $0xffff;
	v4 =	vadd.f32 v4, v10  }
0xc0: {  	v2 =	vmax.f32 v5, $0.0e+00;
	v5 =	vld [tilespmem:s28+$0x50]  }
0xc1: {  	[tilespmem:v1+s24+$0xFFFFFF20 ss:$0x1] =	vst.idx.msk $0xffff, v2;
	v10 =	vld.idx.msk [tilespmem:v1+s24+$0xFFFFFD30 ss:$0x1], $0xffff;
	v4 =	vmax.f32 v4, $0.0e+00  }
0xc2: {  	v14 =	vunpack.i.l.bf16.f32 v11;
	v2 =	vld [tilespmem:s28+$0x90];
	[tilespmem:v1+s24+$0xFFFFFFC0 ss:$0x1] =	vst.idx.msk $0xffff, v4  }
0xc3: {  	v4 =	vadd.f32 v9, v14;
	v9 =	vld [tilespmem:s28+$0xE0]  }
0xc4: {  	v14 =	vunpack.i.l.bf16.f32 v7;
	v16 =	vld.idx.msk [tilespmem:v1+s24+$0xFFFFFFD0 ss:$0x1], $0xffff  }
0xc5: {  	v17 =	vunpack.i.l.bf16.f32 v8;
	v12 =	vadd.f32 v12, v14;
	v14 =	vld.idx.msk [tilespmem:v1+s24+$0xFFFFFEB0 ss:$0x1], $0xffff;
	v4 =	vmax.f32 v4, $0.0e+00  }
0xc6: {  	v18 =	vunpack.i.l.bf16.f32 v6;
	[tilespmem:v1+s24+$0xFFFFFC30 ss:$0x1] =	vst.idx.msk $0xffff, v4;
	v4 =	vadd.f32 v10, v17;
	v10 =	vld.idx.msk [tilespmem:v1+s24+$0xFFFFFF30 ss:$0x1], $0xffff  }
0xc7: {  	v13 =	vadd.f32 v13, v18;
	v17 =	vunpack.i.l.bf16.f32 v3;
	v12 =	vmax.f32 v12, $0.0e+00;
	v19 =	vld.idx.msk [tilespmem:v1+s24+$0xFFFFFC40 ss:$0x1], $0xffff  }
0xc8: {  	v63 =	vld.idx.msk [tilespmem:v1+s21+$0xFFFFFF10 ss:$0x1], $0xffff;
	[tilespmem:v1+s24+$0xFFFFFCB0 ss:$0x1] =	vst.idx.msk $0xffff, v12;
	v12 =	vadd.f32 v15, v17;
	v4 =	vmax.f32 v4, $0.0e+00;
	v15 =	vunpack.i.l.bf16.f32 v9  }
0xc9: {  	v17 =	vunpack.i.l.bf16.f32 v5;
	v18 =	vld.idx.msk [tilespmem:v1+s24+$0xFFFFFCC0 ss:$0x1], $0xffff;
	[tilespmem:v1+s24+$0xFFFFFD30 ss:$0x1] =	vst.idx.msk $0xffff, v4;
	v4 =	vmax.f32 v13, $0.0e+00;
	v13 =	vadd.f32 v16, v15  }
0xca: {  	v15 =	vunpack.i.l.bf16.f32 v2;
	v16 =	vld.idx.msk [tilespmem:v1+s24+$0xFFFFFD40 ss:$0x1], $0xffff;
	[tilespmem:v1+s24+$0xFFFFFDB0 ss:$0x1] =	vst.idx.msk $0xffff, v4;
	v4 =	vmax.f32 v12, $0.0e+00;
	v12 =	vadd.f32 v14, v17  }
0xcb: {  	v11 =	vunpack.i.u.bf16.f32 v11;
	v14 =	vld.idx.msk [tilespmem:v1+s24+$0xFFFFFDC0 ss:$0x1], $0xffff;
	[tilespmem:v1+s24+$0xFFFFFE30 ss:$0x1] =	vst.idx.msk $0xffff, v4;
	v4 =	vadd.f32 v10, v15;
	v10 =	vmax.f32 v13, $0.0e+00  }
0xcc: {  	v13 =	vld.idx.msk [tilespmem:v1+s24+$0xFFFFFE40 ss:$0x1], $0xffff;
	v11 =	vadd.f32 v19, v11;
	v12 =	vmax.f32 v12, $0.0e+00;
	[tilespmem:v1+s24+$0xFFFFFFD0 ss:$0x1] =	vst.idx.msk $0xffff, v10  }
0xcd: {  	v7 =	vunpack.i.u.bf16.f32 v7;
	[tilespmem:v1+s24+$0xFFFFFEB0 ss:$0x1] =	vst.idx.msk $0xffff, v12;
	v4 =	vmax.f32 v4, $0.0e+00;
	v10 =	vld.idx.msk [tilespmem:v1+s24+$0xFFFFFFE0 ss:$0x1], $0xffff  }
0xce: {  	v8 =	vunpack.i.u.bf16.f32 v8;
	v7 =	vadd.f32 v18, v7;
	v11 =	vmax.f32 v11, $0.0e+00;
	v12 =	vld.idx.msk [tilespmem:v1+s24+$0xFFFFFEC0 ss:$0x1], $0xffff;
	[tilespmem:v1+s24+$0xFFFFFF30 ss:$0x1] =	vst.idx.msk $0xffff, v4  }
0xcf: {  	v4 =	vunpack.i.u.bf16.f32 v6;
	[tilespmem:v1+s24+$0xFFFFFC40 ss:$0x1] =	vst.idx.msk $0xffff, v11;
	v6 =	vadd.f32 v16, v8;
	v8 =	vld.idx.msk [tilespmem:v1+s24+$0xFFFFFF40 ss:$0x1], $0xffff  }
0xd0: {  	v7 =	vmax.f32 v7, $0.0e+00;
	v11 =	vld [tilespmem:s28+$0xFFFFFF20];
	v4 =	vadd.f32 v14, v4  }
0xd1: {  	v14 =	vld.idx.msk [tilespmem:v1+s24+$0xFFFFFC50 ss:$0x1], $0xffff;
	[tilespmem:v1+s24+$0xFFFFFCC0 ss:$0x1] =	vst.idx.msk $0xffff, v7;
	v6 =	vmax.f32 v6, $0.0e+00  }
0xd2: {  	v3 =	vunpack.i.u.bf16.f32 v3;
	v7 =	vld [tilespmem:s28+$0xFFFFFF60];
	[tilespmem:v1+s24+$0xFFFFFD40 ss:$0x1] =	vst.idx.msk $0xffff, v6;
	v4 =	vmax.f32 v4, $0.0e+00  }
0xd3: {  	v3 =	vadd.f32 v13, v3;
	v6 =	vunpack.i.u.bf16.f32 v9;
	v13 =	vld [tilespmem:s28+$0xFFFFFFA0];
	[tilespmem:v1+s24+$0xFFFFFDC0 ss:$0x1] =	vst.idx.msk $0xffff, v4  }
0xd4: {  	v2 =	vunpack.i.u.bf16.f32 v2;
	v4 =	vadd.f32 v10, v6;
	v10 =	vld [tilespmem:s28+$0xFFFFFFE0]  }
0xd5: {  	v5 =	vunpack.i.u.bf16.f32 v5;
	v3 =	vmax.f32 v3, $0.0e+00;
	v2 =	vadd.f32 v8, v2;
	v8 =	vld.idx.msk [tilespmem:v1+s24+$0xFFFFFCD0 ss:$0x1], $0xffff  }
0xd6: {  	[tilespmem:v1+s24+$0xFFFFFE40 ss:$0x1] =	vst.idx.msk $0xffff, v3;
	v3 =	vadd.f32 v12, v5;
	v12 =	vld.idx.msk [tilespmem:v1+s24+$0xFFFFFD50 ss:$0x1], $0xffff;
	v4 =	vmax.f32 v4, $0.0e+00  }
0xd7: {  	v15 =	vld.idx.msk [tilespmem:v1+s24+$0xFFFFFDD0 ss:$0x1], $0xffff;
	[tilespmem:v1+s24+$0xFFFFFFE0 ss:$0x1] =	vst.idx.msk $0xffff, v4  }
0xd8: {  	v3 =	vmax.f32 v3, $0.0e+00;
	v6 =	vld [tilespmem:s28+$0xF0]  }
0xd9: {  	[tilespmem:v1+s24+$0xFFFFFEC0 ss:$0x1] =	vst.idx.msk $0xffff, v3;
	v3 =	vld.idx.msk [tilespmem:v1+s24+$0xFFFFFFF0 ss:$0x1], $0xffff  }
0xda: {  	v5 =	vld [tilespmem:s28+$0x20];
	v9 =	vunpack.i.l.bf16.f32 v11;
	v2 =	vmax.f32 v2, $0.0e+00  }
0xdb: {  	v9 =	vadd.f32 v14, v9;
	v14 =	vunpack.i.l.bf16.f32 v7;
	[tilespmem:v1+s24+$0xFFFFFF40 ss:$0x1] =	vst.idx.msk $0xffff, v2;
	v2 =	vld [tilespmem:s28+$0x60]  }
0xdc: {  	v4 =	vld [tilespmem:s28+$0xA0];
	v8 =	vadd.f32 v8, v14  }
0xdd: {  	v17 =	vld.idx.msk [tilespmem:v1+s24+$0xFFFFFED0 ss:$0x1], $0xffff;
	v16 =	vunpack.i.l.bf16.f32 v6  }
0xde: {  	v14 =	vld.idx.msk [tilespmem:v1+s24+$0xFFFFFE50 ss:$0x1], $0xffff;
	v8 =	vmax.f32 v8, $0.0e+00;
	v3 =	vadd.f32 v3, v16  }
0xdf: {  	v9 =	vmax.f32 v9, $0.0e+00;
	v18 =	vunpack.i.l.bf16.f32 v13;
	[tilespmem:v1+s24+$0xFFFFFCD0 ss:$0x1] =	vst.idx.msk $0xffff, v8;
	v16 =	vld.idx.msk [tilespmem:v1+s24+$0xFFFFFF50 ss:$0x1], $0xffff  }
0xe0: {  	[tilespmem:v1+s24+$0xFFFFFC50 ss:$0x1] =	vst.idx.msk $0xffff, v9;
	v9 =	vunpack.i.l.bf16.f32 v10;
	v12 =	vadd.f32 v12, v18;
	v19 =	vld.idx.msk [tilespmem:v1+s24+$0xFFFFFCE0 ss:$0x1], $0xffff;
	v3 =	vmax.f32 v3, $0.0e+00  }
0xe1: {  	v15 =	vadd.f32 v15, v9;
	v8 =	vld.idx.msk [tilespmem:v1+s24+$0xFFFFFC60 ss:$0x1], $0xffff;
	[tilespmem:v1+s24+$0xFFFFFFF0 ss:$0x1] =	vst.idx.msk $0xffff, v3  }
0xe2: {  	v18 =	vunpack.i.l.bf16.f32 v5;
	v20 =	vunpack.i.l.bf16.f32 v2;
	v3 =	vmax.f32 v12, $0.0e+00;
	v9 =	vld.idx.msk [tilespmem:v1+s24+$0x0 ss:$0x1], $0xffff  }
0xe3: {  	v12 =	vadd.f32 v14, v18;
	[tilespmem:v1+s24+$0xFFFFFD50 ss:$0x1] =	vst.idx.msk $0xffff, v3;
	v3 =	vmax.f32 v15, $0.0e+00;
	v15 =	vadd.f32 v17, v20;
	v20 =	vld [tilespmem:s18+$0xFFFFFF80]  }
0xe4: {  	v11 =	vunpack.i.u.bf16.f32 v11;
	v7 =	vunpack.i.u.bf16.f32 v7;
	v14 =	vunpack.i.l.bf16.f32 v4;
	v17 =	vld.idx.msk [tilespmem:v1+s24+$0xFFFFFD60 ss:$0x1], $0xffff  }
0xe5: {  	[tilespmem:v1+s24+$0xFFFFFDD0 ss:$0x1] =	vst.idx.msk $0xffff, v3;
	v3 =	vmax.f32 v12, $0.0e+00;
	v12 =	vadd.f32 v16, v14;
	v7 =	vadd.f32 v19, v7;
	v19 =	vld [tilespmem:s18+$0xFFFFFF40]  }
0xe6: {  	v8 =	vadd.f32 v8, v11;
	v11 =	vld.idx.msk [tilespmem:v1+s24+$0xFFFFFDE0 ss:$0x1], $0xffff;
	[tilespmem:v1+s24+$0xFFFFFE50 ss:$0x1] =	vst.idx.msk $0xffff, v3;
	v3 =	vmax.f32 v15, $0.0e+00  }
0xe7: {  	v14 =	vld.idx.msk [tilespmem:v1+s24+$0xFFFFFE60 ss:$0x1], $0xffff;
	[tilespmem:v1+s24+$0xFFFFFED0 ss:$0x1] =	vst.idx.msk $0xffff, v3;
	v3 =	vmax.f32 v12, $0.0e+00  }
0xe8: {  	v8 =	vmax.f32 v8, $0.0e+00;
	v12 =	vld.idx.msk [tilespmem:v1+s24+$0xFFFFFEE0 ss:$0x1], $0xffff;
	[tilespmem:v1+s24+$0xFFFFFF50 ss:$0x1] =	vst.idx.msk $0xffff, v3  }
0xe9: {  	[tilespmem:v1+s24+$0xFFFFFC60 ss:$0x1] =	vst.idx.msk $0xffff, v8;
	v3 =	vunpack.i.u.bf16.f32 v13;
	v13 =	vld.idx.msk [tilespmem:v1+s24+$0xFFFFFF60 ss:$0x1], $0xffff  }
0xea: {  	v7 =	vmax.f32 v7, $0.0e+00;
	v8 =	vunpack.i.u.bf16.f32 v10;
	v10 =	vld [tilespmem:s28+$0xFFFFFF30]  }
0xeb: {  	[tilespmem:v1+s24+$0xFFFFFCE0 ss:$0x1] =	vst.idx.msk $0xffff, v7;
	v15 =	vld.idx.msk [tilespmem:v1+s24+$0xFFFFFC70 ss:$0x1], $0xffff  }
0xec: {  	v7 =	vld [tilespmem:s28+$0xFFFFFF70];
	v33 =	vunpack.i.l.bf16.f32 v20;
	v3 =	vadd.f32 v17, v3  }
0xed: {  	v5 =	vunpack.i.u.bf16.f32 v5;
	v4 =	vunpack.i.u.bf16.f32 v4;
	v18 =	vld.idx.msk [tilespmem:v1+s24+$0xFFFFFCF0 ss:$0x1], $0xffff;
	v28 =	vadd.f32 v28, v33  }
0xee: {  	v8 =	vadd.f32 v11, v8;
	v3 =	vmax.f32 v3, $0.0e+00;
	v4 =	vadd.f32 v13, v4;
	v13 =	vld [tilespmem:s18+$0xC0]  }
0xef: {  	v5 =	vadd.f32 v14, v5;
	v14 =	vld.idx.msk [tilespmem:v1+s21+$0xFFFFFF90 ss:$0x1], $0xffff;
	[tilespmem:v1+s24+$0xFFFFFD60 ss:$0x1] =	vst.idx.msk $0xffff, v3  }
0xf0: {  	v28 =	vmax.f32 v28, $0.0e+00;
	v3 =	vmax.f32 v8, $0.0e+00;
	v29 =	vunpack.i.l.bf16.f32 v10;
	v8 =	vld [tilespmem:s28+$0xFFFFFFB0]  }
0xf1: {  	v61 =	vunpack.i.l.bf16.f32 v60;
	[tilespmem:v1+s21+$0xFFFFFD10 ss:$0x1] =	vst.idx.msk $0xffff, v28;
	v17 =	vld.idx.msk [tilespmem:v1+s24+$0xFFFFFD70 ss:$0x1], $0xffff;
	v15 =	vadd.f32 v15, v29  }
0xf2: {  	v26 =	vadd.f32 v26, v61;
	[tilespmem:v1+s24+$0xFFFFFDE0 ss:$0x1] =	vst.idx.msk $0xffff, v3;
	v3 =	vmax.f32 v5, $0.0e+00;
	v45 =	vld.idx.msk [tilespmem:v1+s21+$0xFFFFFD20 ss:$0x1], $0xffff  }
0xf3: {  	v5 =	vld [tilespmem:s28+$0xFFFFFFF0];
	[tilespmem:v1+s24+$0xFFFFFE60 ss:$0x1] =	vst.idx.msk $0xffff, v3;
	v15 =	vmax.f32 v15, $0.0e+00;
	v24 =	vunpack.i.l.bf16.f32 v13  }
0xf4: {  	v2 =	vunpack.i.u.bf16.f32 v2;
	v16 =	vld.idx.msk [tilespmem:v1+s24+$0xFFFFFDF0 ss:$0x1], $0xffff;
	[tilespmem:v1+s24+$0xFFFFFC70 ss:$0x1] =	vst.idx.msk $0xffff, v15;
	v15 =	vmax.f32 v26, $0.0e+00;
	v14 =	vadd.f32 v14, v24  }
0xf5: {  	v2 =	vadd.f32 v12, v2;
	v3 =	vld [tilespmem:s28+$0x30];
	[tilespmem:v1+s21+$0xFFFFFC10 ss:$0x1] =	vst.idx.msk $0xffff, v15  }
0xf6: {  	v44 =	vunpack.i.l.bf16.f32 v7;
	v38 =	vld.idx.msk [tilespmem:v1+s21+$0xFFFFFC20 ss:$0x1], $0xffff;
	v14 =	vmax.f32 v14, $0.0e+00  }
0xf7: {  	v32 =	vunpack.i.l.bf16.f32 v19;
	v2 =	vmax.f32 v2, $0.0e+00;
	v18 =	vadd.f32 v18, v44;
	v12 =	vld.idx.msk [tilespmem:v1+s24+$0xFFFFFE70 ss:$0x1], $0xffff;
	[tilespmem:v1+s21+$0xFFFFFF90 ss:$0x1] =	vst.idx.msk $0xffff, v14  }
0xf8: {  	v39 =	vunpack.i.l.bf16.f32 v22;
	v27 =	vadd.f32 v27, v32;
	[tilespmem:v1+s24+$0xFFFFFEE0 ss:$0x1] =	vst.idx.msk $0xffff, v2;
	v2 =	vmax.f32 v4, $0.0e+00;
	v14 =	vld.idx.msk [tilespmem:v1+s21+$0xFFFFFFA0 ss:$0x1], $0xffff  }
0xf9: {  	v37 =	vunpack.i.l.bf16.f32 v21;
	v4 =	vld [tilespmem:s28+$0x70];
	[tilespmem:v1+s24+$0xFFFFFF60 ss:$0x1] =	vst.idx.msk $0xffff, v2;
	v26 =	vadd.f32 v31, v39;
	v18 =	vmax.f32 v18, $0.0e+00  }
0xfa: {  	v11 =	vld.idx.msk [tilespmem:v1+s24+$0xFFFFFEF0 ss:$0x1], $0xffff;
	v15 =	vmax.f32 v27, $0.0e+00;
	v27 =	vadd.f32 v30, v37;
	[tilespmem:v1+s24+$0xFFFFFCF0 ss:$0x1] =	vst.idx.msk $0xffff, v18;
	v24 =	vunpack.i.u.bf16.f32 v60  }
0xfb: {  	v2 =	vld [tilespmem:s28+$0xB0];
	[tilespmem:v1+s21+$0xFFFFFC90 ss:$0x1] =	vst.idx.msk $0xffff, v15;
	v26 =	vmax.f32 v26, $0.0e+00;
	v24 =	vadd.f32 v38, v24  }
0xfc: {  	v13 =	vunpack.i.u.bf16.f32 v13;
	v40 =	vld.idx.msk [tilespmem:v1+s21+$0xFFFFFCA0 ss:$0x1], $0xffff;
	v27 =	vmax.f32 v27, $0.0e+00;
	[tilespmem:v1+s21+$0xFFFFFE10 ss:$0x1] =	vst.idx.msk $0xffff, v26  }
0xfd: {  	[tilespmem:v1+s21+$0xFFFFFD90 ss:$0x1] =	vst.idx.msk $0xffff, v27;
	v47 =	vld.idx.msk [tilespmem:v1+s21+$0xFFFFFE20 ss:$0x1], $0xffff;
	v18 =	vmax.f32 v24, $0.0e+00;
	v36 =	vadd.f32 v14, v13  }
0xfe: {  	v46 =	vld.idx.msk [tilespmem:v1+s21+$0xFFFFFDA0 ss:$0x1], $0xffff;
	[tilespmem:v1+s21+$0xFFFFFC20 ss:$0x1] =	vst.idx.msk $0xffff, v18  }
0xff: {  	v29 =	vld [tilespmem:s18+$0xFFFFFF10];
	v15 =	vmax.f32 v36, $0.0e+00  }
0x100: {  	v51 =	vld.idx.msk [tilespmem:v1+s21+$0xFFFFFC30 ss:$0x1], $0xffff;
	[tilespmem:v1+s21+$0xFFFFFFA0 ss:$0x1] =	vst.idx.msk $0xffff, v15;
	v15 =	vunpack.i.l.bf16.f32 v23  }
0x101: {  	v42 =	vunpack.i.l.bf16.f32 v25;
	v13 =	vld.idx.msk [tilespmem:v1+s24+$0xFFFFFF70 ss:$0x1], $0xffff;
	v15 =	vadd.f32 v62, v15  }
0x102: {  	v28 =	vadd.f32 v63, v42;
	v41 =	vld [tilespmem:s18+$0xD0]  }
0x103: {  	v61 =	vunpack.i.l.bf16.f32 v8;
	v43 =	vld.idx.msk [tilespmem:v1+s21+$0xFFFFFFB0 ss:$0x1], $0xffff;
	v15 =	vmax.f32 v15, $0.0e+00  }
0x104: {  	v19 =	vunpack.i.u.bf16.f32 v19;
	v17 =	vadd.f32 v17, v61;
	v14 =	vld.idx.msk [tilespmem:v1+s24+$0xFFFFFC80 ss:$0x1], $0xffff;
	[tilespmem:v1+s21+$0xFFFFFE90 ss:$0x1] =	vst.idx.msk $0xffff, v15;
	v15 =	vmax.f32 v28, $0.0e+00  }
0x105: {  	[tilespmem:v1+s21+$0xFFFFFF10 ss:$0x1] =	vst.idx.msk $0xffff, v15;
	v15 =	vadd.f32 v40, v19;
	v19 =	vld.idx.msk [tilespmem:v1+s21+$0xFFFFFEA0 ss:$0x1], $0xffff  }
0x106: {  	v42 =	vunpack.i.l.bf16.f32 v5;
	v17 =	vmax.f32 v17, $0.0e+00;
	v48 =	vld.idx.msk [tilespmem:v1+s21+$0xFFFFFF20 ss:$0x1], $0xffff  }
0x107: {  	v16 =	vadd.f32 v16, v42;
	[tilespmem:v1+s24+$0xFFFFFD70 ss:$0x1] =	vst.idx.msk $0xffff, v17;
	v49 =	vunpack.i.l.bf16.f32 v41;
	v18 =	vmax.f32 v15, $0.0e+00;
	v15 =	vld.idx.msk [tilespmem:v1+s24+$0xFFFFFD00 ss:$0x1], $0xffff  }
0x108: {  	v21 =	vunpack.i.u.bf16.f32 v21;
	v20 =	vunpack.i.u.bf16.f32 v20;
	v28 =	vadd.f32 v43, v49;
	v43 =	vld.idx.msk [tilespmem:v1+s24+$0xFFFFFD80 ss:$0x1], $0xffff;
	[tilespmem:v1+s21+$0xFFFFFCA0 ss:$0x1] =	vst.idx.msk $0xffff, v18  }
0x109: {  	v16 =	vmax.f32 v16, $0.0e+00;
	v18 =	vadd.f32 v45, v20;
	v20 =	vunpack.i.u.bf16.f32 v22;
	v22 =	vld [tilespmem:s18+$0xFFFFFF50]  }
0x10a: {  	[tilespmem:v1+s24+$0xFFFFFDF0 ss:$0x1] =	vst.idx.msk $0xffff, v16;
	v21 =	vadd.f32 v46, v21;
	v59 =	vunpack.i.l.bf16.f32 v29;
	v50 =	vmax.f32 v28, $0.0e+00;
	v56 =	vld.idx.msk [tilespmem:v1+s21+$0xFFFFFCB0 ss:$0x1], $0xffff  }
0x10b: {  	v28 =	vadd.f32 v51, v59;
	v51 =	vld.idx.msk [tilespmem:v1+s24+$0xFFFFFE00 ss:$0x1], $0xffff;
	v18 =	vmax.f32 v18, $0.0e+00;
	[tilespmem:v1+s21+$0xFFFFFFB0 ss:$0x1] =	vst.idx.msk $0xffff, v50  }
0x10c: {  	[tilespmem:v1+s21+$0xFFFFFD20 ss:$0x1] =	vst.idx.msk $0xffff, v18;
	v52 =	vld.idx.msk [tilespmem:v1+s21+$0xFFFFFFC0 ss:$0x1], $0xffff  }
0x10d: {  	v18 =	vmax.f32 v21, $0.0e+00;
	v53 =	vld [tilespmem:s18+$0xFFFFFF90]  }
0x10e: {  	v20 =	vadd.f32 v47, v20;
	[tilespmem:v1+s21+$0xFFFFFDA0 ss:$0x1] =	vst.idx.msk $0xffff, v18;
	v57 =	vld.idx.msk [tilespmem:v1+s21+$0xFFFFFD30 ss:$0x1], $0xffff  }
0x10f: {  	v23 =	vunpack.i.u.bf16.f32 v23;
	v28 =	vmax.f32 v28, $0.0e+00;
	v54 =	vld [tilespmem:s18+$0xFFFFFFD0]  }
0x110: {  	v19 =	vadd.f32 v19, v23;
	v18 =	vmax.f32 v20, $0.0e+00;
	[tilespmem:v1+s21+$0xFFFFFC30 ss:$0x1] =	vst.idx.msk $0xffff, v28;
	v58 =	vld.idx.msk [tilespmem:v1+s21+$0xFFFFFDB0 ss:$0x1], $0xffff  }
0x111: {  	v25 =	vunpack.i.u.bf16.f32 v25;
	v55 =	vunpack.i.u.bf16.f32 v41;
	[tilespmem:v1+s21+$0xFFFFFE20 ss:$0x1] =	vst.idx.msk $0xffff, v18;
	v41 =	vld.idx.msk [tilespmem:v1+s21+$0xFFFFFC40 ss:$0x1], $0xffff  }
0x112: {  	v20 =	vadd.f32 v48, v25;
	v18 =	vmax.f32 v19, $0.0e+00;
	v19 =	vld [tilespmem:s18+$0x10]  }
0x113: {  	[tilespmem:v1+s21+$0xFFFFFEA0 ss:$0x1] =	vst.idx.msk $0xffff, v18;
	v60 =	vld.idx.msk [tilespmem:v1+s21+$0xFFFFFE30 ss:$0x1], $0xffff  }
0x114: {  	v18 =	vmax.f32 v20, $0.0e+00;
	v20 =	vld [tilespmem:s18+$0x50];
	v21 =	vadd.f32 v52, v55  }
0x115: {  	[tilespmem:v1+s21+$0xFFFFFF20 ss:$0x1] =	vst.idx.msk $0xffff, v18;
	v38 =	vld.idx.msk [tilespmem:v1+s21+$0xFFFFFEB0 ss:$0x1], $0xffff;
	v37 =	vunpack.i.l.bf16.f32 v53  }
0x116: {  	v63 =	vunpack.i.l.bf16.f32 v22;
	v18 =	vld [tilespmem:s18+$0x90];
	v21 =	vmax.f32 v21, $0.0e+00;
	v25 =	vadd.f32 v57, v37  }
0x117: {  	v40 =	vld.idx.msk [tilespmem:v1+s21+$0xFFFFFF30 ss:$0x1], $0xffff;
	v39 =	vunpack.i.l.bf16.f32 v54;
	[tilespmem:v1+s21+$0xFFFFFFC0 ss:$0x1] =	vst.idx.msk $0xffff, v21;
	v21 =	vadd.f32 v56, v63  }
0x118: {  	v17 =	vunpack.i.l.bf16.f32 v19;
	v27 =	vadd.f32 v58, v39;
	v62 =	vld [tilespmem:s18+$0xE0];
	v25 =	vmax.f32 v25, $0.0e+00  }
0x119: {  	v16 =	vunpack.i.u.bf16.f32 v29;
	v36 =	vld.idx.msk [tilespmem:v1+s21+$0xFFFFFFD0 ss:$0x1], $0xffff;
	v17 =	vadd.f32 v60, v17;
	v21 =	vmax.f32 v21, $0.0e+00;
	[tilespmem:v1+s21+$0xFFFFFD30 ss:$0x1] =	vst.idx.msk $0xffff, v25  }
0x11a: {  	v6 =	vunpack.i.u.bf16.f32 v6;
	v16 =	vadd.f32 v41, v16;
	v45 =	vmax.f32 v27, $0.0e+00;
	[tilespmem:v1+s21+$0xFFFFFCB0 ss:$0x1] =	vst.idx.msk $0xffff, v21;
	v48 =	vld.idx.msk [tilespmem:v1+s21+$0xFFFFFD40 ss:$0x1], $0xffff  }
0x11b: {  	v6 =	vadd.f32 v9, v6;
	v47 =	vunpack.i.l.bf16.f32 v20;
	[tilespmem:v1+s21+$0xFFFFFDB0 ss:$0x1] =	vst.idx.msk $0xffff, v45;
	v17 =	vmax.f32 v17, $0.0e+00;
	v44 =	vld.idx.msk [tilespmem:v1+s21+$0xFFFFFCC0 ss:$0x1], $0xffff  }
0x11c: {  	v16 =	vmax.f32 v16, $0.0e+00;
	v25 =	vadd.f32 v38, v47;
	[tilespmem:v1+s21+$0xFFFFFE30 ss:$0x1] =	vst.idx.msk $0xffff, v17;
	v17 =	vunpack.i.l.bf16.f32 v18;
	v49 =	vld.idx.msk [tilespmem:v1+s21+$0xFFFFFDC0 ss:$0x1], $0xffff  }
0x11d: {  	v6 =	vmax.f32 v6, $0.0e+00;
	[tilespmem:v1+s21+$0xFFFFFC40 ss:$0x1] =	vst.idx.msk $0xffff, v16;
	v17 =	vadd.f32 v40, v17;
	v50 =	vld.idx.msk [tilespmem:v1+s21+$0xFFFFFE40 ss:$0x1], $0xffff;
	v46 =	vunpack.i.l.bf16.f32 v62  }
0x11e: {  	[tilespmem:v1+s24+$0x0 ss:$0x1] =	vst.idx.msk $0xffff, v6;
	v53 =	vunpack.i.u.bf16.f32 v53;
	v56 =	vld [tilespmem:s18+$0xFFFFFF20];
	v25 =	vmax.f32 v25, $0.0e+00;
	v27 =	vadd.f32 v36, v46  }
0x11f: {  	v22 =	vunpack.i.u.bf16.f32 v22;
	v57 =	vld.idx.msk [tilespmem:v1+s21+$0xFFFFFC50 ss:$0x1], $0xffff;
	[tilespmem:v1+s21+$0xFFFFFEB0 ss:$0x1] =	vst.idx.msk $0xffff, v25;
	v17 =	vmax.f32 v17, $0.0e+00;
	v16 =	vadd.f32 v48, v53  }
0x120: {  	v54 =	vunpack.i.u.bf16.f32 v54;
	[tilespmem:v1+s21+$0xFFFFFF30 ss:$0x1] =	vst.idx.msk $0xffff, v17;
	v17 =	vld.idx.msk [tilespmem:v1+s21+$0xFFFFFEC0 ss:$0x1], $0xffff;
	v27 =	vmax.f32 v27, $0.0e+00;
	v21 =	vadd.f32 v44, v22  }
0x121: {  	v19 =	vunpack.i.u.bf16.f32 v19;
	v55 =	vld.idx.msk [tilespmem:v1+s21+$0xFFFFFF40 ss:$0x1], $0xffff;
	v23 =	vadd.f32 v49, v54;
	[tilespmem:v1+s21+$0xFFFFFFD0 ss:$0x1] =	vst.idx.msk $0xffff, v27;
	v16 =	vmax.f32 v16, $0.0e+00  }
0x122: {  	v19 =	vadd.f32 v50, v19;
	v52 =	vld.idx.msk [tilespmem:v1+s21+$0xFFFFFFE0 ss:$0x1], $0xffff;
	v21 =	vmax.f32 v21, $0.0e+00;
	[tilespmem:v1+s21+$0xFFFFFD40 ss:$0x1] =	vst.idx.msk $0xffff, v16  }
0x123: {  	v6 =	vunpack.i.u.bf16.f32 v10;
	v16 =	vmax.f32 v23, $0.0e+00;
	[tilespmem:v1+s21+$0xFFFFFCC0 ss:$0x1] =	vst.idx.msk $0xffff, v21;
	v59 =	vld [tilespmem:s18+$0xFFFFFFA0]  }
0x124: {  	v6 =	vadd.f32 v14, v6;
	v20 =	vunpack.i.u.bf16.f32 v20;
	[tilespmem:v1+s21+$0xFFFFFDC0 ss:$0x1] =	vst.idx.msk $0xffff, v16;
	v16 =	vmax.f32 v19, $0.0e+00;
	v14 =	vld.idx.msk [tilespmem:v1+s21+$0xFFFFFD50 ss:$0x1], $0xffff  }
0x125: {  	v7 =	vunpack.i.u.bf16.f32 v7;
	v21 =	vld [tilespmem:s18+$0xFFFFFF60];
	[tilespmem:v1+s21+$0xFFFFFE40 ss:$0x1] =	vst.idx.msk $0xffff, v16;
	v16 =	vunpack.i.u.bf16.f32 v18;
	v17 =	vadd.f32 v17, v20  }
0x126: {  	v9 =	vunpack.i.l.bf16.f32 v3;
	v58 =	vunpack.i.u.bf16.f32 v62;
	v60 =	vld [tilespmem:s18+$0xFFFFFFE0];
	v16 =	vadd.f32 v55, v16  }
0x127: {  	v61 =	vunpack.i.l.bf16.f32 v4;
	v20 =	vld.idx.msk [tilespmem:v1+s21+$0xFFFFFCD0 ss:$0x1], $0xffff;
	v17 =	vmax.f32 v17, $0.0e+00;
	v19 =	vadd.f32 v52, v58  }
0x128: {  	v9 =	vadd.f32 v12, v9;
	v11 =	vadd.f32 v11, v61;
	v18 =	vld [tilespmem:s18+$0x20];
	[tilespmem:v1+s21+$0xFFFFFEC0 ss:$0x1] =	vst.idx.msk $0xffff, v17;
	v12 =	vmax.f32 v16, $0.0e+00  }
0x129: {  	v7 =	vadd.f32 v15, v7;
	v17 =	vunpack.i.l.bf16.f32 v2;
	[tilespmem:v1+s21+$0xFFFFFF40 ss:$0x1] =	vst.idx.msk $0xffff, v12;
	v12 =	vld [tilespmem:s18+$0x60];
	v19 =	vmax.f32 v19, $0.0e+00  }
0x12a: {  	v9 =	vmax.f32 v9, $0.0e+00;
	v10 =	vadd.f32 v13, v17;
	v17 =	vld.idx.msk [tilespmem:v1+s21+$0xFFFFFDD0 ss:$0x1], $0xffff;
	v15 =	vunpack.i.l.bf16.f32 v59;
	[tilespmem:v1+s21+$0xFFFFFFE0 ss:$0x1] =	vst.idx.msk $0xffff, v19  }
0x12b: {  	[tilespmem:v1+s24+$0xFFFFFE70 ss:$0x1] =	vst.idx.msk $0xffff, v9;
	v9 =	vmax.f32 v11, $0.0e+00;
	v11 =	vunpack.i.l.bf16.f32 v56;
	v14 =	vadd.f32 v14, v15;
	v19 =	vld [tilespmem:s18+$0xF0]  }
0x12c: {  	[tilespmem:v1+s24+$0xFFFFFEF0 ss:$0x1] =	vst.idx.msk $0xffff, v9;
	v9 =	vmax.f32 v10, $0.0e+00;
	v10 =	vadd.f32 v57, v11;
	v11 =	vunpack.i.l.bf16.f32 v21;
	v16 =	vld.idx.msk [tilespmem:v1+s21+$0xFFFFFFF0 ss:$0x1], $0xffff  }
0x12d: {  	v6 =	vmax.f32 v6, $0.0e+00;
	[tilespmem:v1+s24+$0xFFFFFF70 ss:$0x1] =	vst.idx.msk $0xffff, v9;
	v9 =	vadd.f32 v20, v11;
	v11 =	vld.idx.msk [tilespmem:v1+s21+$0xFFFFFE50 ss:$0x1], $0xffff  }
0x12e: {  	[tilespmem:v1+s24+$0xFFFFFC80 ss:$0x1] =	vst.idx.msk $0xffff, v6;
	v14 =	vmax.f32 v14, $0.0e+00;
	v6 =	vmax.f32 v10, $0.0e+00;
	v10 =	vld.idx.msk [tilespmem:v1+s21+$0xFFFFFED0 ss:$0x1], $0xffff  }
0x12f: {  	v13 =	vld [tilespmem:s18+$0xA0];
	[tilespmem:v1+s21+$0xFFFFFD50 ss:$0x1] =	vst.idx.msk $0xffff, v14  }
0x130: {  	v7 =	vmax.f32 v7, $0.0e+00;
	[tilespmem:v1+s21+$0xFFFFFC50 ss:$0x1] =	vst.idx.msk $0xffff, v6;
	v6 =	vmax.f32 v9, $0.0e+00;
	v9 =	vld.idx.msk [tilespmem:v1+s21+$0xFFFFFF50 ss:$0x1], $0xffff;
	v20 =	vunpack.i.l.bf16.f32 v19  }
0x131: {  	[tilespmem:v1+s24+$0xFFFFFD00 ss:$0x1] =	vst.idx.msk $0xffff, v7;
	v15 =	vunpack.i.l.bf16.f32 v18;
	v63 =	vld.idx.msk [tilespmem:v1+s21+$0xFFFFFD60 ss:$0x1], $0xffff;
	v16 =	vadd.f32 v16, v20  }
0x132: {  	v8 =	vunpack.i.u.bf16.f32 v8;
	v7 =	vunpack.i.l.bf16.f32 v12;
	[tilespmem:v1+s21+$0xFFFFFCD0 ss:$0x1] =	vst.idx.msk $0xffff, v6;
	v6 =	vld.idx.msk [tilespmem:v1+s21+$0xFFFFFC60 ss:$0x1], $0xffff;
	v11 =	vadd.f32 v11, v15  }
0x133: {  	v62 =	vld.idx.msk [tilespmem:v1+s21+$0xFFFFFCE0 ss:$0x1], $0xffff;
	v20 =	vunpack.i.l.bf16.f32 v60;
	v7 =	vadd.f32 v10, v7;
	v16 =	vmax.f32 v16, $0.0e+00  }
0x134: {  	v5 =	vunpack.i.u.bf16.f32 v5;
	v15 =	vld.idx.msk [tilespmem:v1+s24+$0xFFFFFE80 ss:$0x1], $0xffff;
	[tilespmem:v1+s21+$0xFFFFFFF0 ss:$0x1] =	vst.idx.msk $0xffff, v16;
	v16 =	vadd.f32 v17, v20;
	v20 =	vunpack.i.l.bf16.f32 v13  }
0x135: {  	v8 =	vadd.f32 v43, v8;
	v10 =	vld.idx.msk [tilespmem:v1+s24+$0xFFFFFF00 ss:$0x1], $0xffff;
	v7 =	vmax.f32 v7, $0.0e+00;
	v9 =	vadd.f32 v9, v20  }
0x136: {  	v5 =	vadd.f32 v51, v5;
	[tilespmem:v1+s21+$0xFFFFFED0 ss:$0x1] =	vst.idx.msk $0xffff, v7;
	v17 =	vld.idx.msk [tilespmem:v1+s21+$0x0 ss:$0x1], $0xffff;
	v14 =	vmax.f32 v16, $0.0e+00  }
0x137: {  	v11 =	vmax.f32 v11, $0.0e+00;
	v16 =	vunpack.i.u.bf16.f32 v56;
	[tilespmem:v1+s21+$0xFFFFFDD0 ss:$0x1] =	vst.idx.msk $0xffff, v14;
	v7 =	vmax.f32 v9, $0.0e+00;
	v9 =	vld.idx.msk [tilespmem:v1+s21+$0xFFFFFEE0 ss:$0x1], $0xffff  }
0x138: {  	[tilespmem:v1+s21+$0xFFFFFE50 ss:$0x1] =	vst.idx.msk $0xffff, v11;
	v14 =	vunpack.i.u.bf16.f32 v21;
	v6 =	vadd.f32 v6, v16;
	v16 =	vld.idx.msk [tilespmem:v1+s21+$0xFFFFFDE0 ss:$0x1], $0xffff  }
0x139: {  	v5 =	vmax.f32 v5, $0.0e+00;
	v11 =	vadd.f32 v62, v14;
	v14 =	vld.idx.msk [tilespmem:v1+s21+$0xFFFFFE60 ss:$0x1], $0xffff;
	[tilespmem:v1+s21+$0xFFFFFF50 ss:$0x1] =	vst.idx.msk $0xffff, v7  }
0x13a: {  	[tilespmem:v1+s24+$0xFFFFFE00 ss:$0x1] =	vst.idx.msk $0xffff, v5;
	v5 =	vunpack.i.u.bf16.f32 v12;
	v12 =	vunpack.i.u.bf16.f32 v19;
	v6 =	vmax.f32 v6, $0.0e+00;
	v7 =	vld.idx.msk [tilespmem:v1+s21+$0xFFFFFF60 ss:$0x1], $0xffff  }
0x13b: {  	[tilespmem:v1+s21+$0xFFFFFC60 ss:$0x1] =	vst.idx.msk $0xffff, v6;
	v6 =	vmax.f32 v11, $0.0e+00;
	v11 =	vunpack.i.u.bf16.f32 v59;
	v12 =	vadd.f32 v17, v12;
	v17 =	vld.idx.msk [tilespmem:v1+s24+$0xFFFFFF80 ss:$0x1], $0xffff  }
0x13c: {  	v3 =	vunpack.i.u.bf16.f32 v3;
	v4 =	vunpack.i.u.bf16.f32 v4;
	v20 =	vld [tilespmem:s18+$0xFFFFFF30];
	v11 =	vadd.f32 v63, v11  }
0x13d: {  	v8 =	vmax.f32 v8, $0.0e+00;
	[tilespmem:v1+s21+$0xFFFFFCE0 ss:$0x1] =	vst.idx.msk $0xffff, v6;
	v6 =	vunpack.i.u.bf16.f32 v60;
	v19 =	vld.idx.msk [tilespmem:v1+s21+$0xFFFFFC70 ss:$0x1], $0xffff;
	v5 =	vadd.f32 v9, v5  }
0x13e: {  	[tilespmem:v1+s24+$0xFFFFFD80 ss:$0x1] =	vst.idx.msk $0xffff, v8;
	v8 =	vunpack.i.u.bf16.f32 v18;
	v18 =	vld [tilespmem:s18+$0xFFFFFF70];
	v6 =	vadd.f32 v16, v6;
	v11 =	vmax.f32 v11, $0.0e+00  }
0x13f: {  	v13 =	vunpack.i.u.bf16.f32 v13;
	v16 =	vld.idx.msk [tilespmem:v1+s21+$0xFFFFFCF0 ss:$0x1], $0xffff;
	v8 =	vadd.f32 v14, v8;
	[tilespmem:v1+s21+$0xFFFFFD60 ss:$0x1] =	vst.idx.msk $0xffff, v11;
	v5 =	vmax.f32 v5, $0.0e+00  }
0x140: {  	v3 =	vadd.f32 v15, v3;
	v7 =	vadd.f32 v7, v13;
	v6 =	vmax.f32 v6, $0.0e+00;
	v11 =	vld [tilespmem:s18+$0xFFFFFFB0];
	[tilespmem:v1+s21+$0xFFFFFEE0 ss:$0x1] =	vst.idx.msk $0xffff, v5  }
0x141: {  	v2 =	vunpack.i.u.bf16.f32 v2;
	v4 =	vadd.f32 v10, v4;
	[tilespmem:v1+s21+$0xFFFFFDE0 ss:$0x1] =	vst.idx.msk $0xffff, v6;
	v6 =	vmax.f32 v8, $0.0e+00;
	v15 =	vld [tilespmem:s18+$0x70]  }
0x142: {  	v3 =	vmax.f32 v3, $0.0e+00;
	v5 =	vmax.f32 v7, $0.0e+00;
	v13 =	vld [tilespmem:s18+$0xFFFFFFF0];
	[tilespmem:v1+s21+$0xFFFFFE60 ss:$0x1] =	vst.idx.msk $0xffff, v6;
	v6 =	vunpack.i.l.bf16.f32 v20  }
0x143: {  	v4 =	vmax.f32 v4, $0.0e+00;
	v7 =	vunpack.i.l.bf16.f32 v18;
	[tilespmem:v1+s21+$0xFFFFFF60 ss:$0x1] =	vst.idx.msk $0xffff, v5;
	v14 =	vld [tilespmem:s18+$0x30];
	v6 =	vadd.f32 v19, v6  }
0x144: {  	[tilespmem:v1+s24+$0xFFFFFE80 ss:$0x1] =	vst.idx.msk $0xffff, v3;
	v17 =	vadd.f32 v17, v2;
	v8 =	vmax.f32 v12, $0.0e+00;
	v5 =	vadd.f32 v16, v7;
	v9 =	vld [tilespmem:s18+$0xB0]  }
0x145: {  	s28 =	smul.u32 $0xA000, s20;
	v10 =	vld.idx.msk [tilespmem:v1+s21+$0xFFFFFD70 ss:$0x1], $0xffff;
	[tilespmem:v1+s21+$0x0 ss:$0x1] =	vst.idx.msk $0xffff, v8;
	v8 =	vunpack.i.u.bf16.f32 v20;
	v7 =	vunpack.i.u.bf16.f32 v18;
	v3 =	vmax.f32 v6, $0.0e+00  }
0x146: {  	[tilespmem:v1+s24+$0xFFFFFF00 ss:$0x1] =	vst.idx.msk $0xffff, v4;
	v12 =	vld.idx.msk [tilespmem:v1+s21+$0xFFFFFDF0 ss:$0x1], $0xffff;
	v6 =	vunpack.i.u.bf16.f32 v11;
	v11 =	vunpack.i.l.bf16.f32 v11;
	v4 =	vmax.f32 v5, $0.0e+00  }
0x147: {  	s25 =	simm.s32 $0x8;
	s26 =	sadd.s32 $0x200, s18;
	s22 =	sshrl.u32 s28, $0x2;
	v16 =	vld.idx.msk [tilespmem:v1+s21+$0xFFFFFE70 ss:$0x1], $0xffff;
	[tilespmem:v1+s21+$0xFFFFFCF0 ss:$0x1] =	vst.idx.msk $0xffff, v4;
	v4 =	vunpack.i.u.bf16.f32 v15;
	v15 =	vunpack.i.l.bf16.f32 v15;
	v5 =	vunpack.i.u.bf16.f32 v13  }
0x148: {  	s23 =	smov.u32 s21;
	s22 =	sadd.s32 $0x2800, s22;
	v18 =	vld.idx.msk [tilespmem:v1+s21+$0xFFFFFEF0 ss:$0x1], $0xffff;
	s18 =	smov.u32 s24;
	[tilespmem:v1+s21+$0xFFFFFC70 ss:$0x1] =	vst.idx.msk $0xffff, v3;
	v13 =	vunpack.i.l.bf16.f32 v13;
	v3 =	vunpack.i.u.bf16.f32 v14;
	v14 =	vunpack.i.l.bf16.f32 v14  }
.LBB2_5:
0x149: {  	v19 =	vld [tilespmem:s26+$0xC0];
	v2 =	vunpack.i.u.bf16.f32 v9;
	v9 =	vunpack.i.l.bf16.f32 v9;
	s21 =	sadd.s32 $0x400, s21;
	v17 =	vmax.f32 v17, $0.0e+00  }
0x14a: {  	v20 =	vld.idx.msk [tilespmem:v1+s21+$0xFFFFFF90 ss:$0x1], $0xffff;
	[tilespmem:v1+s18+$0xFFFFFF80 ss:$0x1] =	vst.idx.msk $0xffff, v17;
	s18 =	smov.u32 s23;
	s23 =	smov.u32 s21  }
0x14b: {  	v10 =	vadd.f32 v10, v11;
	v17 =	vld [tilespmem:s26+$0xFFFFFF40]  }
0x14c: {  	v12 =	vadd.f32 v12, v13;
	v11 =	vld [tilespmem:s26+$0xFFFFFF80]  }
0x14d: {  	s25 =	sadd.s32 $0x8, s25;
	v10 =	vmax.f32 v10, $0.0e+00;
	v14 =	vadd.f32 v16, v14;
	v13 =	vld [tilespmem:s26+$0xFFFFFFC0]  }
0x14e: {  	p1 =	slt.u32 s25, $0x48;
	v16 =	vld [tilespmem:s26+$0x0];
	[tilespmem:v1+s18+$0xFFFFFD70 ss:$0x1] =	vst.idx.msk $0xffff, v10;
	v10 =	vmax.f32 v12, $0.0e+00;
	v12 =	vadd.f32 v18, v15  }
0x14f: {  	v18 =	vunpack.i.l.bf16.f32 v19;
	v15 =	vld [tilespmem:s26+$0x40];
	[tilespmem:v1+s18+$0xFFFFFDF0 ss:$0x1] =	vst.idx.msk $0xffff, v10;
	v10 =	vmax.f32 v14, $0.0e+00  }
0x150: {  	v18 =	vadd.f32 v20, v18;
	v14 =	vunpack.i.u.bf16.f32 v17;
	v17 =	vunpack.i.l.bf16.f32 v17;
	v21 =	vld [tilespmem:s26+$0x80];
	[tilespmem:v1+s18+$0xFFFFFE70 ss:$0x1] =	vst.idx.msk $0xffff, v10  }
0x151: {  	v12 =	vmax.f32 v12, $0.0e+00;
	v10 =	vld [tilespmem:s26+$0xFFFFFF00];
	v20 =	vunpack.i.u.bf16.f32 v11;
	v11 =	vunpack.i.l.bf16.f32 v11  }
0x152: {  	v18 =	vmax.f32 v18, $0.0e+00;
	v22 =	vld.idx.msk [tilespmem:v1+s21+$0xFFFFFC10 ss:$0x1], $0xffff;
	v23 =	vunpack.i.u.bf16.f32 v13;
	v13 =	vunpack.i.l.bf16.f32 v13;
	[tilespmem:v1+s18+$0xFFFFFEF0 ss:$0x1] =	vst.idx.msk $0xffff, v12  }
0x153: {  	v12 =	vld.idx.msk [tilespmem:v1+s21+$0xFFFFFC90 ss:$0x1], $0xffff;
	v24 =	vunpack.i.u.bf16.f32 v16;
	v16 =	vunpack.i.l.bf16.f32 v16;
	[tilespmem:v1+s21+$0xFFFFFF90 ss:$0x1] =	vst.idx.msk $0xffff, v18  }
0x154: {  	v18 =	vunpack.i.u.bf16.f32 v15;
	v15 =	vunpack.i.l.bf16.f32 v15;
	v25 =	vld.idx.msk [tilespmem:v1+s21+$0xFFFFFFA0 ss:$0x1], $0xffff  }
0x155: {  	v26 =	vld.idx.msk [tilespmem:v1+s21+$0xFFFFFD10 ss:$0x1], $0xffff;
	v27 =	vunpack.i.u.bf16.f32 v21;
	v21 =	vunpack.i.l.bf16.f32 v21  }
0x156: {  	v28 =	vunpack.i.u.bf16.f32 v10;
	v10 =	vunpack.i.l.bf16.f32 v10;
	v29 =	vld.idx.msk [tilespmem:v1+s21+$0xFFFFFD90 ss:$0x1], $0xffff  }
0x157: {  	v30 =	vld.idx.msk [tilespmem:v1+s21+$0xFFFFFE10 ss:$0x1], $0xffff  }
0x158: {  	v10 =	vadd.f32 v22, v10;
	v22 =	vld.idx.msk [tilespmem:v1+s21+$0xFFFFFE90 ss:$0x1], $0xffff  }
0x159: {  	v19 =	vunpack.i.u.bf16.f32 v19;
	v12 =	vadd.f32 v12, v17;
	v17 =	vld.idx.msk [tilespmem:v1+s21+$0xFFFFFF10 ss:$0x1], $0xffff  }
0x15a: {  	v10 =	vmax.f32 v10, $0.0e+00;
	v19 =	vadd.f32 v25, v19;
	v25 =	vld.idx.msk [tilespmem:v1+s18+$0xFFFFFF70 ss:$0x1], $0xffff  }
0x15b: {  	v11 =	vadd.f32 v26, v11;
	[tilespmem:v1+s21+$0xFFFFFC10 ss:$0x1] =	vst.idx.msk $0xffff, v10;
	v10 =	vmax.f32 v12, $0.0e+00;
	v12 =	vld.idx.msk [tilespmem:v1+s18+$0xFFFFFC80 ss:$0x1], $0xffff  }
0x15c: {  	v26 =	vld.idx.msk [tilespmem:v1+s21+$0xFFFFFC20 ss:$0x1], $0xffff;
	[tilespmem:v1+s21+$0xFFFFFC90 ss:$0x1] =	vst.idx.msk $0xffff, v10;
	v10 =	vadd.f32 v29, v13;
	v13 =	vmax.f32 v19, $0.0e+00  }
0x15d: {  	v11 =	vmax.f32 v11, $0.0e+00;
	v16 =	vadd.f32 v30, v16;
	v19 =	vld.idx.msk [tilespmem:v1+s21+$0xFFFFFCA0 ss:$0x1], $0xffff;
	[tilespmem:v1+s21+$0xFFFFFFA0 ss:$0x1] =	vst.idx.msk $0xffff, v13  }
0x15e: {  	[tilespmem:v1+s21+$0xFFFFFD10 ss:$0x1] =	vst.idx.msk $0xffff, v11;
	v10 =	vmax.f32 v10, $0.0e+00;
	v11 =	vadd.f32 v22, v15;
	v13 =	vld [tilespmem:s26+$0xD0]  }
0x15f: {  	v15 =	vadd.f32 v17, v21;
	[tilespmem:v1+s21+$0xFFFFFD90 ss:$0x1] =	vst.idx.msk $0xffff, v10;
	v10 =	vmax.f32 v16, $0.0e+00;
	v16 =	vld.idx.msk [tilespmem:v1+s21+$0xFFFFFFB0 ss:$0x1], $0xffff  }
0x160: {  	v9 =	vadd.f32 v25, v9;
	v17 =	vld.idx.msk [tilespmem:v1+s21+$0xFFFFFD20 ss:$0x1], $0xffff;
	[tilespmem:v1+s21+$0xFFFFFE10 ss:$0x1] =	vst.idx.msk $0xffff, v10;
	v10 =	vmax.f32 v11, $0.0e+00  }
0x161: {  	v8 =	vadd.f32 v12, v8;
	v11 =	vld.idx.msk [tilespmem:v1+s21+$0xFFFFFDA0 ss:$0x1], $0xffff;
	[tilespmem:v1+s21+$0xFFFFFE90 ss:$0x1] =	vst.idx.msk $0xffff, v10;
	v10 =	vmax.f32 v15, $0.0e+00  }
0x162: {  	v12 =	vadd.f32 v26, v28;
	v9 =	vmax.f32 v9, $0.0e+00;
	v15 =	vld.idx.msk [tilespmem:v1+s21+$0xFFFFFE20 ss:$0x1], $0xffff;
	[tilespmem:v1+s21+$0xFFFFFF10 ss:$0x1] =	vst.idx.msk $0xffff, v10  }
0x163: {  	v10 =	vadd.f32 v19, v14;
	v8 =	vmax.f32 v8, $0.0e+00;
	v14 =	vld.idx.msk [tilespmem:v1+s21+$0xFFFFFEA0 ss:$0x1], $0xffff;
	[tilespmem:v1+s18+$0xFFFFFF70 ss:$0x1] =	vst.idx.msk $0xffff, v9  }
0x164: {  	v9 =	vmax.f32 v12, $0.0e+00;
	v19 =	vunpack.i.l.bf16.f32 v13;
	v12 =	vld.idx.msk [tilespmem:v1+s21+$0xFFFFFF20 ss:$0x1], $0xffff;
	[tilespmem:v1+s18+$0xFFFFFC80 ss:$0x1] =	vst.idx.msk $0xffff, v8  }
0x165: {  	v8 =	vmax.f32 v10, $0.0e+00;
	[tilespmem:v1+s21+$0xFFFFFC20 ss:$0x1] =	vst.idx.msk $0xffff, v9;
	v9 =	vadd.f32 v16, v19;
	v10 =	vld.idx.msk [tilespmem:v1+s18+$0xFFFFFD00 ss:$0x1], $0xffff  }
0x166: {  	v16 =	vld [tilespmem:s26+$0xFFFFFF10];
	[tilespmem:v1+s21+$0xFFFFFCA0 ss:$0x1] =	vst.idx.msk $0xffff, v8;
	v8 =	vadd.f32 v17, v20  }
0x167: {  	v11 =	vadd.f32 v11, v23;
	v17 =	vld [tilespmem:s26+$0xFFFFFF50];
	v9 =	vmax.f32 v9, $0.0e+00  }
0x168: {  	v15 =	vadd.f32 v15, v24;
	v19 =	vld.idx.msk [tilespmem:v1+s21+$0xFFFFFC30 ss:$0x1], $0xffff;
	v8 =	vmax.f32 v8, $0.0e+00;
	[tilespmem:v1+s21+$0xFFFFFFB0 ss:$0x1] =	vst.idx.msk $0xffff, v9  }
0x169: {  	v9 =	vadd.f32 v14, v18;
	[tilespmem:v1+s21+$0xFFFFFD20 ss:$0x1] =	vst.idx.msk $0xffff, v8;
	v8 =	vmax.f32 v11, $0.0e+00;
	v11 =	vld.idx.msk [tilespmem:v1+s21+$0xFFFFFFC0 ss:$0x1], $0xffff  }
0x16a: {  	v12 =	vadd.f32 v12, v27;
	v14 =	vld [tilespmem:s26+$0xFFFFFF90];
	[tilespmem:v1+s21+$0xFFFFFDA0 ss:$0x1] =	vst.idx.msk $0xffff, v8;
	v8 =	vmax.f32 v15, $0.0e+00  }
0x16b: {  	v15 =	vunpack.i.u.bf16.f32 v16;
	v16 =	vunpack.i.l.bf16.f32 v16;
	v18 =	vld [tilespmem:s26+$0xFFFFFFD0];
	[tilespmem:v1+s21+$0xFFFFFE20 ss:$0x1] =	vst.idx.msk $0xffff, v8;
	v8 =	vmax.f32 v9, $0.0e+00  }
0x16c: {  	v9 =	vunpack.i.u.bf16.f32 v17;
	v17 =	vunpack.i.l.bf16.f32 v17;
	v20 =	vld [tilespmem:s26+$0x10];
	[tilespmem:v1+s21+$0xFFFFFEA0 ss:$0x1] =	vst.idx.msk $0xffff, v8;
	v8 =	vmax.f32 v12, $0.0e+00  }
0x16d: {  	v7 =	vadd.f32 v10, v7;
	v12 =	vld [tilespmem:s26+$0x50];
	[tilespmem:v1+s21+$0xFFFFFF20 ss:$0x1] =	vst.idx.msk $0xffff, v8  }
0x16e: {  	v13 =	vunpack.i.u.bf16.f32 v13;
	v8 =	vadd.f32 v19, v16;
	v10 =	vld [tilespmem:s26+$0x90]  }
0x16f: {  	v11 =	vadd.f32 v11, v13;
	v16 =	vld.idx.msk [tilespmem:v1+s21+$0xFFFFFCB0 ss:$0x1], $0xffff;
	v19 =	vunpack.i.u.bf16.f32 v14;
	v14 =	vunpack.i.l.bf16.f32 v14  }
0x170: {  	v8 =	vmax.f32 v8, $0.0e+00;
	v13 =	vld.idx.msk [tilespmem:v1+s21+$0xFFFFFD30 ss:$0x1], $0xffff;
	v21 =	vunpack.i.u.bf16.f32 v18;
	v18 =	vunpack.i.l.bf16.f32 v18  }
0x171: {  	v11 =	vmax.f32 v11, $0.0e+00;
	[tilespmem:v1+s21+$0xFFFFFC30 ss:$0x1] =	vst.idx.msk $0xffff, v8;
	v8 =	vld.idx.msk [tilespmem:v1+s21+$0xFFFFFDB0 ss:$0x1], $0xffff;
	v22 =	vunpack.i.u.bf16.f32 v20;
	v20 =	vunpack.i.l.bf16.f32 v20  }
0x172: {  	v7 =	vmax.f32 v7, $0.0e+00;
	v23 =	vld.idx.msk [tilespmem:v1+s21+$0xFFFFFE30 ss:$0x1], $0xffff;
	v24 =	vunpack.i.u.bf16.f32 v12;
	v12 =	vunpack.i.l.bf16.f32 v12;
	[tilespmem:v1+s21+$0xFFFFFFC0 ss:$0x1] =	vst.idx.msk $0xffff, v11  }
0x173: {  	v11 =	vunpack.i.u.bf16.f32 v10;
	v10 =	vunpack.i.l.bf16.f32 v10;
	v25 =	vld [tilespmem:s26+$0xE0];
	[tilespmem:v1+s18+$0xFFFFFD00 ss:$0x1] =	vst.idx.msk $0xffff, v7  }
0x174: {  	v7 =	vld.idx.msk [tilespmem:v1+s21+$0xFFFFFFD0 ss:$0x1], $0xffff  }
0x175: {  	v16 =	vadd.f32 v16, v17;
	v17 =	vld.idx.msk [tilespmem:v1+s21+$0xFFFFFEB0 ss:$0x1], $0xffff  }
0x176: {  	v13 =	vadd.f32 v13, v14;
	v14 =	vld.idx.msk [tilespmem:v1+s21+$0xFFFFFF30 ss:$0x1], $0xffff  }
0x177: {  	v16 =	vmax.f32 v16, $0.0e+00;
	v8 =	vadd.f32 v8, v18;
	v26 =	vld.idx.msk [tilespmem:v1+s21+$0xFFFFFC40 ss:$0x1], $0xffff  }
0x178: {  	v13 =	vmax.f32 v13, $0.0e+00;
	[tilespmem:v1+s21+$0xFFFFFCB0 ss:$0x1] =	vst.idx.msk $0xffff, v16;
	v16 =	vadd.f32 v23, v20;
	v18 =	vld.idx.msk [tilespmem:v1+s18+$0xFFFFFD80 ss:$0x1], $0xffff  }
0x179: {  	v8 =	vmax.f32 v8, $0.0e+00;
	v20 =	vld.idx.msk [tilespmem:v1+s21+$0xFFFFFCC0 ss:$0x1], $0xffff;
	[tilespmem:v1+s21+$0xFFFFFD30 ss:$0x1] =	vst.idx.msk $0xffff, v13;
	v13 =	vunpack.i.l.bf16.f32 v25  }
0x17a: {  	v23 =	vld.idx.msk [tilespmem:v1+s21+$0xFFFFFD40 ss:$0x1], $0xffff;
	[tilespmem:v1+s21+$0xFFFFFDB0 ss:$0x1] =	vst.idx.msk $0xffff, v8;
	v8 =	vmax.f32 v16, $0.0e+00;
	v7 =	vadd.f32 v7, v13  }
0x17b: {  	v13 =	vld.idx.msk [tilespmem:v1+s21+$0xFFFFFDC0 ss:$0x1], $0xffff;
	[tilespmem:v1+s21+$0xFFFFFE30 ss:$0x1] =	vst.idx.msk $0xffff, v8;
	v8 =	vadd.f32 v17, v12  }
0x17c: {  	v10 =	vadd.f32 v14, v10;
	v12 =	vld.idx.msk [tilespmem:v1+s21+$0xFFFFFE40 ss:$0x1], $0xffff;
	v7 =	vmax.f32 v7, $0.0e+00  }
0x17d: {  	v14 =	vadd.f32 v26, v15;
	v8 =	vmax.f32 v8, $0.0e+00;
	[tilespmem:v1+s21+$0xFFFFFFD0 ss:$0x1] =	vst.idx.msk $0xffff, v7;
	v7 =	vld.idx.msk [tilespmem:v1+s18+$0xFFFFFE00 ss:$0x1], $0xffff  }
0x17e: {  	v6 =	vadd.f32 v18, v6;
	[tilespmem:v1+s21+$0xFFFFFEB0 ss:$0x1] =	vst.idx.msk $0xffff, v8;
	v8 =	vmax.f32 v10, $0.0e+00;
	v10 =	vld.idx.msk [tilespmem:v1+s21+$0xFFFFFFE0 ss:$0x1], $0xffff  }
0x17f: {  	v14 =	vmax.f32 v14, $0.0e+00;
	v9 =	vadd.f32 v20, v9;
	v15 =	vld.idx.msk [tilespmem:v1+s21+$0xFFFFFEC0 ss:$0x1], $0xffff;
	[tilespmem:v1+s21+$0xFFFFFF30 ss:$0x1] =	vst.idx.msk $0xffff, v8  }
0x180: {  	v8 =	vadd.f32 v23, v19;
	v6 =	vmax.f32 v6, $0.0e+00;
	[tilespmem:v1+s21+$0xFFFFFC40 ss:$0x1] =	vst.idx.msk $0xffff, v14;
	v14 =	vld.idx.msk [tilespmem:v1+s21+$0xFFFFFF40 ss:$0x1], $0xffff  }
0x181: {  	v9 =	vmax.f32 v9, $0.0e+00;
	v13 =	vadd.f32 v13, v21;
	v16 =	vld [tilespmem:s26+$0xFFFFFF20];
	[tilespmem:v1+s18+$0xFFFFFD80 ss:$0x1] =	vst.idx.msk $0xffff, v6  }
0x182: {  	v8 =	vmax.f32 v8, $0.0e+00;
	v6 =	vld.idx.msk [tilespmem:v1+s21+$0xFFFFFC50 ss:$0x1], $0xffff;
	[tilespmem:v1+s21+$0xFFFFFCC0 ss:$0x1] =	vst.idx.msk $0xffff, v9;
	v9 =	vadd.f32 v12, v22  }
0x183: {  	v5 =	vadd.f32 v7, v5;
	v12 =	vld [tilespmem:s26+$0xFFFFFF60];
	[tilespmem:v1+s21+$0xFFFFFD40 ss:$0x1] =	vst.idx.msk $0xffff, v8;
	v8 =	vmax.f32 v13, $0.0e+00;
	v13 =	vunpack.i.u.bf16.f32 v25  }
0x184: {  	v7 =	vld [tilespmem:s26+$0xFFFFFFA0];
	[tilespmem:v1+s21+$0xFFFFFDC0 ss:$0x1] =	vst.idx.msk $0xffff, v8;
	v8 =	vmax.f32 v9, $0.0e+00;
	v9 =	vadd.f32 v10, v13  }
0x185: {  	v5 =	vmax.f32 v5, $0.0e+00;
	v10 =	vld [tilespmem:s26+$0xFFFFFFE0];
	[tilespmem:v1+s21+$0xFFFFFE40 ss:$0x1] =	vst.idx.msk $0xffff, v8;
	v8 =	vadd.f32 v15, v24  }
0x186: {  	v11 =	vadd.f32 v14, v11;
	v13 =	vunpack.i.l.bf16.f32 v16;
	v15 =	vld [tilespmem:s26+$0x20];
	v9 =	vmax.f32 v9, $0.0e+00;
	[tilespmem:v1+s18+$0xFFFFFE00 ss:$0x1] =	vst.idx.msk $0xffff, v5  }
0x187: {  	v5 =	vunpack.i.u.bf16.f32 v16;
	v14 =	vld.idx.msk [tilespmem:v1+s21+$0xFFFFFCD0 ss:$0x1], $0xffff;
	v8 =	vmax.f32 v8, $0.0e+00;
	[tilespmem:v1+s21+$0xFFFFFFE0 ss:$0x1] =	vst.idx.msk $0xffff, v9  }
0x188: {  	v6 =	vadd.f32 v6, v13;
	v9 =	vunpack.i.l.bf16.f32 v12;
	[tilespmem:v1+s21+$0xFFFFFEC0 ss:$0x1] =	vst.idx.msk $0xffff, v8;
	v8 =	vmax.f32 v11, $0.0e+00;
	v11 =	vld [tilespmem:s26+$0xF0]  }
0x189: {  	v12 =	vunpack.i.u.bf16.f32 v12;
	v13 =	vunpack.i.u.bf16.f32 v7;
	v7 =	vunpack.i.l.bf16.f32 v7;
	[tilespmem:v1+s21+$0xFFFFFF40 ss:$0x1] =	vst.idx.msk $0xffff, v8;
	v8 =	vld.idx.msk [tilespmem:v1+s21+$0xFFFFFFF0 ss:$0x1], $0xffff  }
0x18a: {  	v6 =	vmax.f32 v6, $0.0e+00;
	v16 =	vunpack.i.u.bf16.f32 v10;
	v10 =	vunpack.i.l.bf16.f32 v10;
	v17 =	vld [tilespmem:s26+$0x60]  }
0x18b: {  	[tilespmem:v1+s21+$0xFFFFFC50 ss:$0x1] =	vst.idx.msk $0xffff, v6;
	v6 =	vunpack.i.u.bf16.f32 v15;
	v15 =	vunpack.i.l.bf16.f32 v15;
	v18 =	vld [tilespmem:s26+$0xA0]  }
0x18c: {  	v19 =	vld.idx.msk [tilespmem:v1+s21+$0xFFFFFD50 ss:$0x1], $0xffff  }
0x18d: {  	v9 =	vadd.f32 v14, v9;
	v14 =	vld.idx.msk [tilespmem:v1+s21+$0xFFFFFDD0 ss:$0x1], $0xffff  }
0x18e: {  	v21 =	vunpack.i.l.bf16.f32 v11;
	v20 =	vld.idx.msk [tilespmem:v1+s21+$0xFFFFFE50 ss:$0x1], $0xffff  }
0x18f: {  	v9 =	vmax.f32 v9, $0.0e+00;
	v8 =	vadd.f32 v8, v21;
	v22 =	vunpack.i.l.bf16.f32 v17;
	v23 =	vld.idx.msk [tilespmem:v1+s21+$0xFFFFFED0 ss:$0x1], $0xffff  }
0x190: {  	[tilespmem:v1+s21+$0xFFFFFCD0 ss:$0x1] =	vst.idx.msk $0xffff, v9;
	v9 =	vunpack.i.u.bf16.f32 v17;
	v17 =	vunpack.i.u.bf16.f32 v18;
	v18 =	vunpack.i.l.bf16.f32 v18;
	v21 =	vld.idx.msk [tilespmem:v1+s21+$0xFFFFFF50 ss:$0x1], $0xffff  }
0x191: {  	v8 =	vmax.f32 v8, $0.0e+00;
	v24 =	vld.idx.msk [tilespmem:v1+s21+$0xFFFFFC60 ss:$0x1], $0xffff  }
0x192: {  	v7 =	vadd.f32 v19, v7;
	v25 =	vld.idx.msk [tilespmem:v1+s21+$0xFFFFFCE0 ss:$0x1], $0xffff;
	[tilespmem:v1+s21+$0xFFFFFFF0 ss:$0x1] =	vst.idx.msk $0xffff, v8  }
0x193: {  	v8 =	vadd.f32 v14, v10;
	v10 =	vld.idx.msk [tilespmem:v1+s21+$0x0 ss:$0x1], $0xffff  }
0x194: {  	v7 =	vmax.f32 v7, $0.0e+00;
	v14 =	vadd.f32 v20, v15;
	v15 =	vld.idx.msk [tilespmem:v1+s18+$0xFFFFFE80 ss:$0x1], $0xffff  }
0x195: {  	[tilespmem:v1+s21+$0xFFFFFD50 ss:$0x1] =	vst.idx.msk $0xffff, v7;
	v7 =	vmax.f32 v8, $0.0e+00;
	v8 =	vadd.f32 v23, v22;
	v19 =	vld.idx.msk [tilespmem:v1+s18+$0xFFFFFF00 ss:$0x1], $0xffff  }
0x196: {  	v20 =	vld.idx.msk [tilespmem:v1+s21+$0xFFFFFD60 ss:$0x1], $0xffff;
	[tilespmem:v1+s21+$0xFFFFFDD0 ss:$0x1] =	vst.idx.msk $0xffff, v7;
	v7 =	vmax.f32 v14, $0.0e+00;
	v14 =	vadd.f32 v21, v18  }
0x197: {  	v5 =	vadd.f32 v24, v5;
	v18 =	vld.idx.msk [tilespmem:v1+s21+$0xFFFFFDE0 ss:$0x1], $0xffff;
	[tilespmem:v1+s21+$0xFFFFFE50 ss:$0x1] =	vst.idx.msk $0xffff, v7;
	v7 =	vmax.f32 v8, $0.0e+00  }
0x198: {  	v11 =	vunpack.i.u.bf16.f32 v11;
	v8 =	vadd.f32 v25, v12;
	v12 =	vld.idx.msk [tilespmem:v1+s21+$0xFFFFFE60 ss:$0x1], $0xffff;
	[tilespmem:v1+s21+$0xFFFFFED0 ss:$0x1] =	vst.idx.msk $0xffff, v7;
	v7 =	vmax.f32 v14, $0.0e+00  }
0x199: {  	v5 =	vmax.f32 v5, $0.0e+00;
	v14 =	vld.idx.msk [tilespmem:v1+s21+$0xFFFFFEE0 ss:$0x1], $0xffff;
	[tilespmem:v1+s21+$0xFFFFFF50 ss:$0x1] =	vst.idx.msk $0xffff, v7;
	v7 =	vadd.f32 v10, v11  }
0x19a: {  	v3 =	vadd.f32 v15, v3;
	[tilespmem:v1+s21+$0xFFFFFC60 ss:$0x1] =	vst.idx.msk $0xffff, v5;
	v5 =	vmax.f32 v8, $0.0e+00;
	v8 =	vld.idx.msk [tilespmem:v1+s21+$0xFFFFFF60 ss:$0x1], $0xffff  }
0x19b: {  	v4 =	vadd.f32 v19, v4;
	v10 =	vld [tilespmem:s26+$0xFFFFFF30];
	[tilespmem:v1+s21+$0xFFFFFCE0 ss:$0x1] =	vst.idx.msk $0xffff, v5;
	v5 =	vmax.f32 v7, $0.0e+00  }
0x19c: {  	v11 =	vadd.f32 v20, v13;
	v3 =	vmax.f32 v3, $0.0e+00;
	v7 =	vld [tilespmem:s26+$0xFFFFFF70];
	[tilespmem:v1+s21+$0x0 ss:$0x1] =	vst.idx.msk $0xffff, v5  }
0x19d: {  	v13 =	vadd.f32 v18, v16;
	v5 =	vld.idx.msk [tilespmem:v1+s21+$0xFFFFFC70 ss:$0x1], $0xffff;
	[tilespmem:v1+s18+$0xFFFFFE80 ss:$0x1] =	vst.idx.msk $0xffff, v3;
	v3 =	vmax.f32 v4, $0.0e+00  }
0x19e: {  	v11 =	vmax.f32 v11, $0.0e+00;
	v6 =	vadd.f32 v12, v6;
	v4 =	vld.idx.msk [tilespmem:v1+s21+$0xFFFFFCF0 ss:$0x1], $0xffff;
	[tilespmem:v1+s18+$0xFFFFFF00 ss:$0x1] =	vst.idx.msk $0xffff, v3  }
0x19f: {  	v3 =	vmax.f32 v13, $0.0e+00;
	v9 =	vadd.f32 v14, v9;
	[tilespmem:v1+s21+$0xFFFFFD60 ss:$0x1] =	vst.idx.msk $0xffff, v11;
	v15 =	vld.idx.msk [tilespmem:v1+s18+$0xFFFFFF80 ss:$0x1], $0xffff  }
0x1a0: {  	v11 =	vunpack.i.l.bf16.f32 v10;
	v12 =	vld [tilespmem:s26+$0xFFFFFFB0];
	[tilespmem:v1+s21+$0xFFFFFDE0 ss:$0x1] =	vst.idx.msk $0xffff, v3;
	v3 =	vmax.f32 v6, $0.0e+00;
	v6 =	vadd.f32 v8, v17  }
0x1a1: {  	v8 =	vunpack.i.u.bf16.f32 v10;
	v10 =	vunpack.i.l.bf16.f32 v7;
	v13 =	vld [tilespmem:s26+$0xFFFFFFF0];
	[tilespmem:v1+s21+$0xFFFFFE60 ss:$0x1] =	vst.idx.msk $0xffff, v3;
	v3 =	vmax.f32 v9, $0.0e+00  }
0x1a2: {  	v7 =	vunpack.i.u.bf16.f32 v7;
	v14 =	vld [tilespmem:s26+$0x30];
	[tilespmem:v1+s21+$0xFFFFFEE0 ss:$0x1] =	vst.idx.msk $0xffff, v3;
	v3 =	vmax.f32 v6, $0.0e+00  }
0x1a3: {  	v5 =	vadd.f32 v5, v11;
	v18 =	vld [tilespmem:s26+$0x70];
	[tilespmem:v1+s21+$0xFFFFFF60 ss:$0x1] =	vst.idx.msk $0xffff, v3  }
.Ltmp1:
0x1a4: {  	v3 =	vadd.f32 v4, v10;
	v9 =	vld [tilespmem:s26+$0xB0];
	(pc) =	sbr.rel @p1 .LBB2_5-.Ltmp1, $4  }
0x1a5: {  	v4 =	vmax.f32 v5, $0.0e+00;
	v6 =	vunpack.i.u.bf16.f32 v12;
	v11 =	vunpack.i.l.bf16.f32 v12;
	v10 =	vld.idx.msk [tilespmem:v1+s21+$0xFFFFFD70 ss:$0x1], $0xffff  }
0x1a6: {  	v3 =	vmax.f32 v3, $0.0e+00;
	[tilespmem:v1+s21+$0xFFFFFC70 ss:$0x1] =	vst.idx.msk $0xffff, v4;
	v5 =	vunpack.i.u.bf16.f32 v13;
	v13 =	vunpack.i.l.bf16.f32 v13;
	v12 =	vld.idx.msk [tilespmem:v1+s21+$0xFFFFFDF0 ss:$0x1], $0xffff  }
0x1a7: {  	v17 =	vadd.f32 v15, v2;
	[tilespmem:v1+s21+$0xFFFFFCF0 ss:$0x1] =	vst.idx.msk $0xffff, v3;
	v3 =	vunpack.i.u.bf16.f32 v14;
	v14 =	vunpack.i.l.bf16.f32 v14;
	v16 =	vld.idx.msk [tilespmem:v1+s21+$0xFFFFFE70 ss:$0x1], $0xffff  }
0x1a8: {  	s26 =	sadd.s32 $0x200, s26;
	v4 =	vunpack.i.u.bf16.f32 v18;
	v15 =	vunpack.i.l.bf16.f32 v18;
	v18 =	vld.idx.msk [tilespmem:v1+s21+$0xFFFFFEF0 ss:$0x1], $0xffff  }
0x1a9: {  	_ =	sdelay $0x3  }
0x1aa: {  	v2 =	vld.idx.msk [tilespmem:v1+s23+$0xFFFFFF70 ss:$0x1], $0xffff  }
0x1ab: {  	v10 =	vadd.f32 v10, v11  }
0x1ac: {  	v48 =	vadd.f32 v12, v13  }
0x1ad: {  	v50 =	vld.idx.msk [tilespmem:v1+s23+$0xFFFFFC80 ss:$0x1], $0xffff;
	v10 =	vmax.f32 v10, $0.0e+00;
	v49 =	vadd.f32 v16, v14  }
0x1ae: {  	v51 =	vunpack.i.l.bf16.f32 v9;
	v54 =	vld.idx.msk [tilespmem:v1+s23+$0xFFFFFD00 ss:$0x1], $0xffff;
	[tilespmem:v1+s23+$0xFFFFFD70 ss:$0x1] =	vst.idx.msk $0xffff, v10;
	v52 =	vmax.f32 v48, $0.0e+00;
	v53 =	vadd.f32 v18, v15  }
0x1af: {  	[tilespmem:v1+s23+$0xFFFFFDF0 ss:$0x1] =	vst.idx.msk $0xffff, v52;
	v55 =	vmax.f32 v49, $0.0e+00;
	v2 =	vadd.f32 v2, v51;
	v56 =	vld.idx.msk [tilespmem:v1+s23+$0xFFFFFD80 ss:$0x1], $0xffff  }
0x1b0: {  	[tilespmem:v1+s23+$0xFFFFFE70 ss:$0x1] =	vst.idx.msk $0xffff, v55;
	v57 =	vmax.f32 v53, $0.0e+00;
	v58 =	vld.idx.msk [tilespmem:v1+s23+$0xFFFFFE00 ss:$0x1], $0xffff  }
0x1b1: {  	[tilespmem:v1+s23+$0xFFFFFEF0 ss:$0x1] =	vst.idx.msk $0xffff, v57;
	v2 =	vmax.f32 v2, $0.0e+00;
	v59 =	vld.idx.msk [tilespmem:v1+s23+$0xFFFFFE80 ss:$0x1], $0xffff  }
0x1b2: {  	v8 =	vadd.f32 v50, v8;
	[tilespmem:v1+s23+$0xFFFFFF70 ss:$0x1] =	vst.idx.msk $0xffff, v2;
	v2 =	vld.idx.msk [tilespmem:v1+s23+$0xFFFFFF00 ss:$0x1], $0xffff  }
0x1b3: {  	v60 =	vmax.f32 v17, $0.0e+00;
	v7 =	vadd.f32 v54, v7;
	v61 =	vld.idx.msk [tilespmem:v1+s23+$0xFFFFFF80 ss:$0x1], $0xffff  }
0x1b4: {  	[tilespmem:v1+s18+$0xFFFFFF80 ss:$0x1] =	vst.idx.msk $0xffff, v60;
	v8 =	vmax.f32 v8, $0.0e+00;
	v6 =	vadd.f32 v56, v6  }
0x1b5: {  	v7 =	vmax.f32 v7, $0.0e+00;
	[tilespmem:v1+s23+$0xFFFFFC80 ss:$0x1] =	vst.idx.msk $0xffff, v8;
	v5 =	vadd.f32 v58, v5  }
0x1b6: {  	s26 =	sand.u32 $0x3, s19;
	[tilespmem:v1+s23+$0xFFFFFD00 ss:$0x1] =	vst.idx.msk $0xffff, v7;
	v6 =	vmax.f32 v6, $0.0e+00;
	v3 =	vadd.f32 v59, v3  }
0x1b7: {  	v62 =	vunpack.i.u.bf16.f32 v9;
	p1 =	sne.s32 s11, $0x7D;
	s18 =	smul.u32 $0x140, s26;
	[tilespmem:v1+s23+$0xFFFFFD80 ss:$0x1] =	vst.idx.msk $0xffff, v6;
	v5 =	vmax.f32 v5, $0.0e+00;
	v2 =	vadd.f32 v2, v4  }
.Ltmp2:
0x1b8: {  	[tilespmem:v1+s23+$0xFFFFFE00 ss:$0x1] =	vst.idx.msk $0xffff, v5;
	v3 =	vmax.f32 v3, $0.0e+00;
	v63 =	vadd.f32 v61, v62;
	(pc) =	sbr.rel @p1 .LBB2_4-.Ltmp2, $4  }
0x1b9: {  	[tilespmem:v1+s23+$0xFFFFFE80 ss:$0x1] =	vst.idx.msk $0xffff, v3;
	v2 =	vmax.f32 v2, $0.0e+00  }
0x1ba: {  	s28 =	sadd.s32 $0xA, s20;
	s24 =	sadd.s32 $0x2800, s24;
	s18 =	sshrl.u32 s18, $0x2;
	[tilespmem:v1+s23+$0xFFFFFF00 ss:$0x1] =	vst.idx.msk $0xffff, v2;
	v2 =	vmax.f32 v63, $0.0e+00  }
0x1bb: {  	p0 =	por !p0, !p0;
	s19 =	smov.u32 s11;
	s18 =	sadd.s32 $0xA0A0, s18;
	[tilespmem:v1+s23+$0xFFFFFF80 ss:$0x1] =	vst.idx.msk $0xffff, v2  }
0x1bc: {  	[spmem:s2] =	stream.indirect.scatter.add.f32 [tilespmem:s22], [sflag:s28], $0x80, s18, s14, $0xb8;
	[tilespmem:$0x1E1E0] =	vst v63  }
0x1bd: {  	_ =	swait.ge [sflag:s15], $0x2800  }
0x1be: {  	[sflag:s15] =	ssyncset.done $0x0  }
0x1bf: {  	[sflag:s15] =	ssyncadd.s32 $0xFFFFD800  }
0x1c0: {  	_ =	swait.ge [sflag:s16], $0x2800  }
0x1c1: {  	[sflag:s16] =	ssyncset.done $0x0  }
0x1c2: {  	s11 =	stileid.u32;
	[sflag:s16] =	ssyncadd.s32 $0xFFFFD800  }
0x1c3: {  	s11 =	sshll.u32 s11, $0x6;
	[bflag:$0x0] =	sbarrier.arrive $0xFFFF  }
0x1c4: {  	s18 =	sshrl.u32 s9, $0x3;
	s11 =	sor.u32 $0x1C0D, s11;
	s19 =	rddreg [dreg:$0x8]  }
0x1c5: {  	[hbm:s19], [sflag:s11] =	dma.local [spmem:s18], $0x800  }
0x1c6: {  	_ =	swait.ge [sflag:s10], $0x800  }
0x1c7: {  	[sflag:s10] =	ssyncset.done $0x0  }
0x1c8: {  	s23 =	rddreg [dreg:$0x9];
	[sflag:s10] =	ssyncadd.s32 $0xFFFFF800  }
0x1c9: {  	[hbm:s23], [sflag:s11] =	dma.local [spmem:s29], $0x800  }
0x1ca: {  	_ =	swait.ge [sflag:s10], $0x800  }
0x1cb: {  	[sflag:s10] =	ssyncset.done $0x0  }
0x1cc: {  	s24 =	rddreg [dreg:$0xa];
	[sflag:s10] =	ssyncadd.s32 $0xFFFFF800  }
0x1cd: {  	[hbm:s24], [sflag:s11] =	dma.local [spmem:s30], $0x800  }
0x1ce: {  	_ =	swait.ge [sflag:s10], $0x800  }
0x1cf: {  	[sflag:s10] =	ssyncset.done $0x0  }
0x1d0: {  	s25 =	rddreg [dreg:$0xb];
	[sflag:s10] =	ssyncadd.s32 $0xFFFFF800  }
0x1d1: {  	[hbm:s25], [sflag:s11] =	dma.local [spmem:s31], $0x800  }
0x1d2: {  	_ =	swait.ge [sflag:s10], $0x800  }
0x1d3: {  	[sflag:s10] =	ssyncset.done $0x0  }
0x1d4: {  	s26 =	rddreg [dreg:$0xc];
	[sflag:s10] =	ssyncadd.s32 $0xFFFFF800  }
0x1d5: {  	[hbm:s26], [sflag:s11] =	dma.local [spmem:s0], $0x800  }
0x1d6: {  	_ =	swait.ge [sflag:s10], $0x800  }
0x1d7: {  	s17 =	sadd.s32 $0x1, s17;
	s28 =	rddreg [dreg:$0x15]  }
0x1d8: {  	p0 =	sne.s32 s17, s28  }
.Ltmp3:
0x1d9: {  	_ = 	snop;
	(pc) =	sbr.rel @p0 .LBB2_1-.Ltmp3, $3  }
0x1da: {  	_ =	sdelay $0x1  }
0x1db: {  	[sflag:s10] =	ssyncset.done $0x0  }
0x1dc: {  	[sflag:s10] =	ssyncadd.s32 $0xFFFFF800  }
0x1dd: {  	_ =	sfence.sel $0x180000  }
0x1de: {  	[bflag:$0x0] =	sbarrier.arrive $0xFFFF  }
0x1df: {  	_ =	strace $0x90000047  }
0x1e0: {  	s0 =	stileid.u32;
	[bflag:$0x2] =	sbarrier.arrive $0xFFFF  }
0x1e1: {  	p0 =	sne.s32 s0, $0x0;
	s0 =	rddreg [dreg:$0x3]  }
0x1e2: {  	s0 =	sadd.s32 @!p0 $0x100000, s0  }
0x1e3: {  	[sflag:s0] =	ssyncadd.tile.s32 @!p0 $0x1;
	_ =	shalt  }
.Lfunc_end2:
_tile_overlayer_lowered:
.L_overlay_start_2:
0x1e4: {  	(tag) =	ssettag $0x2  }
0x1e5: {  	s0 =	rddreg [dreg:$0x0];
	s2 =	stileid.u32  }
0x1e6: {  	s1 =	rddreg [dreg:$0x1];
	p0 =	sne.s32 s2, $0x0  }
0x1e7: {  	s3 =	rddreg [dreg:$0x2];
	[bflag:$0x3] =	sbarrier.arrive $0xFFFF;
	s2 =	simm.s32 @!p0 $0x1C0D  }
0x1e8: {  	[timem:s3], [sflag:s2] =	dma.local @!p0 [hbm:s0], s1  }
0x1e9: {  	s0 =	simm.s32 @!p0 $0xD  }
0x1ea: {  	_ =	swait.ge @!p0 [sflag:s0], s1  }
0x1eb: {  	s1 =	ssub.s32 @!p0 $0x0, s1;
	[sflag:s0] =	ssyncset.done @!p0 $0x0  }
0x1ec: {  	[sflag:s0] =	ssyncadd.s32 @!p0 s1  }
0x1ed: {  	[bflag:$0x3] =	sbarrier.arrive $0xFFFF  }
0x1ee: {  	_ =	shalt  }

</sc_bundles>
